<compile_context>
chip_gen: v7x
topology: tpu7x:2x2x1
jax: 0.10.2.dev20260603
libtpu: 0.0.44.dev20260713+nightly
codegen_flags: <defaults>
</compile_context>

<pallas_src>
import functools
import math

import jax
import jax.numpy as jnp
from jax import lax
from jax.experimental import pallas as pl
from jax.experimental.pallas import tpu as pltpu
from jax.experimental.pallas import tpu_sc as plsc

_B = 16384
_RV = 512
_AV = 49
_AVP = 64
_ED = 32
_NA = 6
_NC = 2
_NS = 16
_NW = _NC * _NS
_SPT = _B // _NW
_SV = _SPT // 16

_ATAN_C = (
    9.9987876415e-01, -3.3040556312e-01, 1.8041267991e-01, -8.5408307612e-02,
    2.0931812003e-02,
)
_LOG_C = (
    1.0000143716e+00, -4.9984405492e-01, 3.3224232786e-01, -2.5487297867e-01,
    2.2325265353e-01, -1.4230193465e-01,
)


def _sc_body(p_hbm, rt_hbm, at_hbm, w_hbm, b_hbm, out_hbm,
             p_v, rt_v, at_v, w_v, b_v, chunk_v, idx_v,
             pr_sh, pa_sh, pr_v, pa_v, out_v,
             sem_p, sem_rt, sem_w, sem_b):
    c = lax.axis_index("c")
    s = lax.axis_index("s")
    wid = s * _NC + c
    base = wid * _SPT
    iota = lax.broadcasted_iota(jnp.int32, (16,), 0)

    cp_p = pltpu.async_copy(p_hbm.at[:, pl.ds(base, _SPT)], p_v, sem_p)
    cp_rt = pltpu.async_copy(rt_hbm.at[pl.ds(s * 32, 32)], rt_v, sem_rt)
    cp_w = pltpu.async_copy(w_hbm, w_v, sem_w)
    cp_b = pltpu.async_copy(b_hbm, b_v.at[pl.ds(0, _NA)], sem_b)
    cp_w.wait()
    cp_b.wait()
    cp_rt.wait()

    acols = [jnp.full((16,), a, jnp.int32) for a in range(_NA)]
    bvec = b_v[pl.ds(0, 16)]

    init = tuple(jnp.full((16,), bvec[a]) for a in range(_NA))

    @plsc.parallel_loop(0, _ED, 1, unroll=2, carry=(init, init))
    def proj_body(d, accs):
        dvec = jnp.full((16,), d, jnp.int32)
        col0 = plsc.load_gather(rt_v, [iota, dvec])
        col1 = plsc.load_gather(rt_v, [iota + 16, dvec])
        out = []
        for a in range(_NA):
            wv = plsc.load_gather(w_v, [acols[a], dvec])
            out.append((accs[0][a] + col0 * wv, accs[1][a] + col1 * wv))
        return tuple(zip(*out))

    acc0, acc1 = proj_body
    for a in range(_NA):
        chunk_v[a, pl.ds(0, 16)] = acc0[a]
        chunk_v[a, pl.ds(16, 16)] = acc1[a]
    for a in range(_NA):
        pltpu.sync_copy(chunk_v.at[a], pr_sh.at[a, pl.ds(s * 32, 32)])

    @pl.when(s < 4)
    def _angle_proj():
        astart = jnp.where(s == 3, 33, s * 16)
        loc = jnp.where(s == 3, jnp.full((16,), 15, jnp.int32), iota)
        pltpu.sync_copy(at_hbm.at[pl.ds(astart, 16)], at_v)

        zero6 = tuple(jnp.zeros((16,), jnp.float32) for _ in range(_NA))

        @plsc.parallel_loop(0, _ED, 1, unroll=2, carry=zero6)
        def aproj_body(d, accs):
            dvec = jnp.full((16,), d, jnp.int32)
            col = plsc.load_gather(at_v, [loc, dvec])
            dvec2 = dvec + _ED
            return tuple(
                accs[a] + col * plsc.load_gather(w_v, [acols[a], dvec2])
                for a in range(_NA))

        aacc = aproj_body
        for a in range(_NA):
            chunk_v[a, pl.ds(0, 16)] = aacc[a]
        for a in range(_NA):
            pltpu.sync_copy(chunk_v.at[a, pl.ds(0, 16)],
                            pa_sh.at[a, pl.ds(s * 16, 16)])

    cp_p.wait()

    f32 = jnp.float32
    atanc = [jnp.full((16,), f32(v)) for v in _ATAN_C]
    logc = [jnp.full((16,), f32(v)) for v in _LOG_C]
    c_tiny = jnp.full((16,), f32(1e-35))
    c_magic = jnp.full((16,), 0x5F3759DF, jnp.int32)
    c_15 = jnp.full((16,), f32(1.5))
    c_half = jnp.full((16,), f32(0.5))
    c_02 = jnp.full((16,), f32(0.2))
    c_hpi = jnp.full((16,), f32(math.pi / 2.0))
    c_pi = jnp.full((16,), f32(math.pi))
    c_r2d = jnp.full((16,), f32(180.0 / math.pi))
    c_90 = jnp.full((16,), f32(90.0))
    c_360 = jnp.full((16,), f32(360.0))
    c_i360 = jnp.full((16,), f32(1.0 / 360.0))
    c_i75 = jnp.full((16,), f32(1.0 / 7.5))
    c_zero = jnp.zeros((16,), f32)
    c_one = jnp.full((16,), f32(1.0))
    c_ln2 = jnp.full((16,), f32(math.log(2.0)))
    c_sq2 = jnp.full((16,), f32(math.sqrt(2.0)))
    c_127 = jnp.full((16,), 127, jnp.int32)
    c_mant = jnp.full((16,), 0x7FFFFF, jnp.int32)
    c_expo = jnp.full((16,), 127 << 23, jnp.int32)
    c_63 = jnp.full((16,), 63, jnp.int32)

    def one_idx(o):
        ax = p_v[0, pl.ds(o, 16)]
        az = p_v[1, pl.ds(o, 16)]
        pose = p_v[2, pl.ds(o, 16)]
        gx = p_v[3, pl.ds(o, 16)]
        gz = p_v[4, pl.ds(o, 16)]
        dx = gx - ax
        dz = gz - az
        d2 = jnp.maximum(dx * dx + dz * dz, c_tiny)

        sb = lax.bitcast_convert_type(d2, jnp.int32)
        y = lax.bitcast_convert_type(c_magic - (sb >> 1), jnp.float32)
        d2h = d2 * c_half
        y = y * (c_15 - d2h * y * y)
        y = y * (c_15 - d2h * y * y)
        x = d2 * y
        r_idx = (x * c_02).astype(jnp.int32)

        axa = jnp.abs(dx)
        aya = jnp.abs(dz)
        swap = aya > axa
        num = jnp.where(swap, axa, aya)
        den = jnp.where(swap, aya, axa)
        t = num / den
        t = jnp.where(den == c_zero, c_zero, t)
        u = t * t
        p = atanc[4]
        for k in range(3, -1, -1):
            p = p * u + atanc[k]
        p = p * t
        r = jnp.where(swap, c_hpi - p, p)
        r = jnp.where(dx < c_zero, c_pi - r, r)
        r = jnp.where(dz < c_zero, -r, r)

        diff = c_90 - r * c_r2d - pose
        q = diff * c_i360
        qt = q.astype(jnp.int32).astype(jnp.float32)
        m = diff - qt * c_360
        m = jnp.where(m < c_zero, m + c_360, m)
        m = jnp.where(m >= c_360, m - c_360, m)
        t_idx = jnp.minimum((m * c_i75).astype(jnp.int32), c_63)

        idx_v[0, pl.ds(o, 16)] = r_idx
        idx_v[1, pl.ds(o, 16)] = t_idx

    @plsc.parallel_loop(0, _SV, 1, unroll=4)
    def body_a(i):
        one_idx(i * 16)

    plsc.subcore_barrier()
    pltpu.sync_copy(pr_sh, pr_v)
    pltpu.sync_copy(pa_sh, pa_v)

    def one_out(o):
        r_idx = idx_v[0, pl.ds(o, 16)]
        t_idx = idx_v[1, pl.ds(o, 16)]
        logits = []
        for a in range(_NA):
            lr = plsc.load_gather(pr_v, [acols[a], r_idx])
            la = plsc.load_gather(pa_v, [acols[a], t_idx])
            logits.append(lr + la)
        es = [jnp.exp(v) for v in logits]
        tot = ((es[0] + es[1]) + (es[2] + es[3])) + (es[4] + es[5])

        tb = lax.bitcast_convert_type(tot, jnp.int32)
        e = (tb >> 23) - c_127
        mb = (tb & c_mant) | c_expo
        mf = lax.bitcast_convert_type(mb, jnp.float32)
        big = mf > c_sq2
        mf = jnp.where(big, mf * c_half, mf)
        e = e + big.astype(jnp.int32)
        z = mf - c_one
        qq = logc[5]
        for k in range(4, -1, -1):
            qq = qq * z + logc[k]
        lse = e.astype(jnp.float32) * c_ln2 + qq * z

        for a in range(_NA):
            out_v[a, pl.ds(o, 16)] = logits[a] - lse

    @plsc.parallel_loop(0, _SV, 1, unroll=4)
    def body_b(i):
        one_out(i * 16)
    pltpu.sync_copy(out_v, out_hbm.at[:, pl.ds(base, _SPT)])


@functools.partial(
    pl.kernel,
    out_type=jax.ShapeDtypeStruct((_NA, _B), jnp.float32),
    mesh=plsc.VectorSubcoreMesh(core_axis_name="c", subcore_axis_name="s",
                                num_cores=_NC, num_subcores=_NS),
    compiler_params=pltpu.CompilerParams(needs_layout_passes=False,
                                         use_tc_tiling_on_sc=False),
    scratch_types=[
        pltpu.VMEM((5, _SPT), jnp.float32),
        pltpu.VMEM((32, _ED), jnp.float32),
        pltpu.VMEM((16, _ED), jnp.float32),
        pltpu.VMEM((_NA, 2 * _ED), jnp.float32),
        pltpu.VMEM((16,), jnp.float32),
        pltpu.VMEM((_NA, 32), jnp.float32),
        pltpu.VMEM((2, _SPT), jnp.int32),
        pltpu.VMEM_SHARED((_NA, _RV), jnp.float32),
        pltpu.VMEM_SHARED((_NA, _AVP), jnp.float32),
        pltpu.VMEM((_NA, _RV), jnp.float32),
        pltpu.VMEM((_NA, _AVP), jnp.float32),
        pltpu.VMEM((_NA, _SPT), jnp.float32),
        pltpu.SemaphoreType.DMA,
        pltpu.SemaphoreType.DMA,
        pltpu.SemaphoreType.DMA,
        pltpu.SemaphoreType.DMA,
    ],
)
def _sc_kernel(p_hbm, rt_hbm, at_hbm, w_hbm, b_hbm, out_hbm,
               p_v, rt_v, at_v, w_v, b_v, chunk_v, idx_v,
               pr_sh, pa_sh, pr_v, pa_v, out_v,
               sem_p, sem_rt, sem_w, sem_b):
    _sc_body(p_hbm, rt_hbm, at_hbm, w_hbm, b_hbm, out_hbm,
             p_v, rt_v, at_v, w_v, b_v, chunk_v, idx_v,
             pr_sh, pa_sh, pr_v, pa_v, out_v,
             sem_p, sem_rt, sem_w, sem_b)


def kernel(agent_positions, goal_positions, radius_table, angle_table, W, b):
    pos = jnp.concatenate([agent_positions, goal_positions], axis=1).T
    out = _sc_kernel(pos, radius_table, angle_table, W, b)
    return out.T

# --- scband reference (transcript-rebuilt; emitter-appended) ---
"""Pipeline reference for scband-goal-position-module-50929722196595 (READ-ONLY COPY).

The authoritative reference and input builder live on the scoring server;
editing this copy changes nothing except your own understanding.
"""

import math
import jax, jax.numpy as jnp
import numpy as np

B = 16384
RADIUS_VOCAB = 512
ANGLE_VOCAB = 49
EMBED_DIM = 32
NUM_ACTIONS = 6
POS_SCALE = 1000.0


def setup_inputs(seed: int = 0) -> dict:
    key = jax.random.key(seed)
    k1, k2, k3, k4, k5 = jax.random.split(key, 5)
    agent_positions = jax.random.uniform(k1, (B, 3), dtype=jnp.float32) * POS_SCALE
    goal_positions = jax.random.uniform(k2, (B, 2), dtype=jnp.float32) * POS_SCALE
    radius_table = jax.random.normal(k3, (RADIUS_VOCAB, EMBED_DIM), dtype=jnp.float32) * 0.02
    angle_table = jax.random.normal(k4, (ANGLE_VOCAB, EMBED_DIM), dtype=jnp.float32) * 0.02
    W = jax.random.normal(k5, (NUM_ACTIONS, 2 * EMBED_DIM), dtype=jnp.float32) * 0.05
    b = jnp.zeros((NUM_ACTIONS,), dtype=jnp.float32)
    return {
        "agent_positions": agent_positions,
        "goal_positions": goal_positions,
        "radius_table": radius_table,
        "angle_table": angle_table,
        "W": W,
        "b": b,
    }


def reference(agent_positions, goal_positions, radius_table, angle_table, W, b):
    # Vectorized faithful translation of the per-sample python loop.
    agent_x = agent_positions[:, 0]
    agent_z = agent_positions[:, 1]
    pose = agent_positions[:, 2]
    goal_x = goal_positions[:, 0]
    goal_z = goal_positions[:, 1]

    # radius bucket: int(radius / 5.0)
    radius = jnp.sqrt((goal_x - agent_x) ** 2 + (goal_z - agent_z) ** 2)
    radius_idx = (radius / 5.0).astype(jnp.int32)

    # angle bucket: get_angle_diff_discrete(pose, drone_to_goal_angle)
    drone_to_goal_angle = 90.0 - jnp.arctan2(goal_z - agent_z, goal_x - agent_x) * 180.0 / math.pi
    angle_diff = jnp.mod(drone_to_goal_angle - pose, 360.0)  # wrap into [0, 360)
    theta_idx = (angle_diff / 7.5).astype(jnp.int32)

    # embedding lookups (gather) and concat along feature dim
    radius_embedding = jnp.take(radius_table, radius_idx, axis=0)  # [B, 32]
    theta_embedding = jnp.take(angle_table, theta_idx, axis=0)     # [B, 32]
    embedding_batch = jnp.concatenate([radius_embedding, theta_embedding], axis=1)  # [B, 64]

    logits = embedding_batch @ W.T + b  # [B, num_actions]
    return jax.nn.log_softmax(logits, axis=-1)

if __name__ == "__main__":
    import jax
    _d = setup_inputs()
    print(jax.jit(kernel)(*tuple(_d.values())))

</pallas_src>

<mosaic_0001>
#map = affine_map<(d0, d1) -> (0, 0)>
#map1 = affine_map<(d0, d1) -> (0)>
module attributes {stable_mosaic.version = 14 : i64} {
  func.func @_sc_kernel(%arg0: i32, %arg1: i32, %arg2: memref<5x16384xf32, #tpu.memory_space<hbm>>, %arg3: memref<512x32xf32, #tpu.memory_space<hbm>>, %arg4: memref<49x32xf32, #tpu.memory_space<hbm>>, %arg5: memref<6x64xf32, #tpu.memory_space<hbm>>, %arg6: memref<6xf32, #tpu.memory_space<hbm>>, %arg7: memref<6x16384xf32, #tpu.memory_space<hbm>>, %arg8: memref<5x512xf32, #tpu.memory_space<vmem>>, %arg9: memref<32x32xf32, #tpu.memory_space<vmem>>, %arg10: memref<16x32xf32, #tpu.memory_space<vmem>>, %arg11: memref<6x64xf32, #tpu.memory_space<vmem>>, %arg12: memref<16xf32, #tpu.memory_space<vmem>>, %arg13: memref<6x32xf32, #tpu.memory_space<vmem>>, %arg14: memref<2x512xi32, #tpu.memory_space<vmem>>, %arg15: memref<6x512xf32, #tpu.memory_space<vmem_shared>>, %arg16: memref<6x64xf32, #tpu.memory_space<vmem_shared>>, %arg17: memref<6x512xf32, #tpu.memory_space<vmem>>, %arg18: memref<6x64xf32, #tpu.memory_space<vmem>>, %arg19: memref<6x512xf32, #tpu.memory_space<vmem>>, %arg20: memref<!tpu.dma_semaphore, #tpu.memory_space<semaphore_mem>>, %arg21: memref<!tpu.dma_semaphore, #tpu.memory_space<semaphore_mem>>, %arg22: memref<!tpu.dma_semaphore, #tpu.memory_space<semaphore_mem>>, %arg23: memref<!tpu.dma_semaphore, #tpu.memory_space<semaphore_mem>>) attributes {dimension_semantics = [#tpu.dimension_semantics<core_parallel>, #tpu.dimension_semantics<subcore_parallel>], iteration_bounds = array<i64: 2, 16>, scalar_prefetch = 0 : i64, scratch_operands = 16 : i64, tpu.core_type = #tpu.core_type<sc_vector_subcore>, window_params = [{transform_indices = #map}, {transform_indices = #map}, {transform_indices = #map}, {transform_indices = #map}, {transform_indices = #map1}, {transform_indices = #map}]} {
    %mul3A = arith.constant 2 : i32
    %mul3A_0 = arith.muli %arg1, %mul3A : i32
    %add3A = arith.addi %mul3A_0, %arg0 : i32
    %mul3A_1 = arith.constant 512 : i32
    %mul3A_2 = arith.muli %add3A, %mul3A_1 : i32
    %iota3A = tpu.iota {dimensions = array<i32: 0>} : vector<16xi32>
    %dma_start3A = arith.constant 0 : i32
    %dma_start3A_3 = tpu.memref_slice %arg2[%dma_start3A, %mul3A_2] : memref<5x16384xf32, #tpu.memory_space<hbm>> -> memref<5x512xf32, #tpu.memory_space<hbm>>
    %dma_start3A_4 = arith.constant 0 : i32
    %dma_start3A_5 = tpu.memref_slice %arg2[%dma_start3A_4, %mul3A_2] : memref<5x16384xf32, #tpu.memory_space<hbm>> -> memref<5x512xf32, #tpu.memory_space<hbm>>
    tpu.enqueue_dma source(%dma_start3A_5 : memref<5x512xf32, #tpu.memory_space<hbm>>) target(%arg8 : memref<5x512xf32, #tpu.memory_space<vmem>>) target_semaphore(%arg20 : memref<!tpu.dma_semaphore, #tpu.memory_space<semaphore_mem>>)
    %mul3A_6 = arith.constant 32 : i32
    %mul3A_7 = arith.muli %arg1, %mul3A_6 : i32
    %dma_start3A_8 = arith.constant 0 : i32
    %dma_start3A_9 = tpu.memref_slice %arg3[%mul3A_7, %dma_start3A_8] : memref<512x32xf32, #tpu.memory_space<hbm>> -> memref<32x32xf32, #tpu.memory_space<hbm>>
    %dma_start3A_10 = arith.constant 0 : i32
    %dma_start3A_11 = tpu.memref_slice %arg3[%mul3A_7, %dma_start3A_10] : memref<512x32xf32, #tpu.memory_space<hbm>> -> memref<32x32xf32, #tpu.memory_space<hbm>>
    tpu.enqueue_dma source(%dma_start3A_11 : memref<32x32xf32, #tpu.memory_space<hbm>>) target(%arg9 : memref<32x32xf32, #tpu.memory_space<vmem>>) target_semaphore(%arg21 : memref<!tpu.dma_semaphore, #tpu.memory_space<semaphore_mem>>)
    tpu.enqueue_dma source(%arg5 : memref<6x64xf32, #tpu.memory_space<hbm>>) target(%arg11 : memref<6x64xf32, #tpu.memory_space<vmem>>) target_semaphore(%arg22 : memref<!tpu.dma_semaphore, #tpu.memory_space<semaphore_mem>>)
    %dma_start3A_12 = arith.constant 0 : i32
    %dma_start3A_13 = tpu.memref_slice %arg12[%dma_start3A_12] : memref<16xf32, #tpu.memory_space<vmem>> -> memref<6xf32, #tpu.memory_space<vmem>>
    %dma_start3A_14 = arith.constant 0 : i32
    %dma_start3A_15 = tpu.memref_slice %arg12[%dma_start3A_14] : memref<16xf32, #tpu.memory_space<vmem>> -> memref<6xf32, #tpu.memory_space<vmem>>
    tpu.enqueue_dma source(%arg6 : memref<6xf32, #tpu.memory_space<hbm>>) target(%dma_start3A_15 : memref<6xf32, #tpu.memory_space<vmem>>) target_semaphore(%arg23 : memref<!tpu.dma_semaphore, #tpu.memory_space<semaphore_mem>>)
    tpu.wait_dma2 semaphore(%arg22 : memref<!tpu.dma_semaphore, #tpu.memory_space<semaphore_mem>>) src(%arg5 : memref<6x64xf32, #tpu.memory_space<hbm>>) dst(%arg11 : memref<6x64xf32, #tpu.memory_space<vmem>>)
    %dma_wait3A = arith.constant 0 : i32
    %dma_wait3A_16 = tpu.memref_slice %arg12[%dma_wait3A] : memref<16xf32, #tpu.memory_space<vmem>> -> memref<6xf32, #tpu.memory_space<vmem>>
    %dma_wait3A_17 = arith.constant 0 : i32
    %dma_wait3A_18 = tpu.memref_slice %arg12[%dma_wait3A_17] : memref<16xf32, #tpu.memory_space<vmem>> -> memref<6xf32, #tpu.memory_space<vmem>>
    tpu.wait_dma2 semaphore(%arg23 : memref<!tpu.dma_semaphore, #tpu.memory_space<semaphore_mem>>) src(%arg6 : memref<6xf32, #tpu.memory_space<hbm>>) dst(%dma_wait3A_18 : memref<6xf32, #tpu.memory_space<vmem>>)
    %dma_wait3A_19 = arith.constant 0 : i32
    %dma_wait3A_20 = tpu.memref_slice %arg3[%mul3A_7, %dma_wait3A_19] : memref<512x32xf32, #tpu.memory_space<hbm>> -> memref<32x32xf32, #tpu.memory_space<hbm>>
    %dma_wait3A_21 = arith.constant 0 : i32
    %dma_wait3A_22 = tpu.memref_slice %arg3[%mul3A_7, %dma_wait3A_21] : memref<512x32xf32, #tpu.memory_space<hbm>> -> memref<32x32xf32, #tpu.memory_space<hbm>>
    tpu.wait_dma2 semaphore(%arg21 : memref<!tpu.dma_semaphore, #tpu.memory_space<semaphore_mem>>) src(%dma_wait3A_22 : memref<32x32xf32, #tpu.memory_space<hbm>>) dst(%arg9 : memref<32x32xf32, #tpu.memory_space<vmem>>)
    %broadcast_in_dim3A = arith.constant 0 : i32
    %broadcast_in_dim3A_23 = vector.broadcast %broadcast_in_dim3A : i32 to vector<16xi32>
    %broadcast_in_dim3A_24 = arith.constant 1 : i32
    %broadcast_in_dim3A_25 = vector.broadcast %broadcast_in_dim3A_24 : i32 to vector<16xi32>
    %broadcast_in_dim3A_26 = arith.constant 2 : i32
    %broadcast_in_dim3A_27 = vector.broadcast %broadcast_in_dim3A_26 : i32 to vector<16xi32>
    %broadcast_in_dim3A_28 = arith.constant 3 : i32
    %broadcast_in_dim3A_29 = vector.broadcast %broadcast_in_dim3A_28 : i32 to vector<16xi32>
    %broadcast_in_dim3A_30 = arith.constant 4 : i32
    %broadcast_in_dim3A_31 = vector.broadcast %broadcast_in_dim3A_30 : i32 to vector<16xi32>
    %broadcast_in_dim3A_32 = arith.constant 5 : i32
    %broadcast_in_dim3A_33 = vector.broadcast %broadcast_in_dim3A_32 : i32 to vector<16xi32>
    %get3A = arith.constant 0 : index
    %get3A_34 = tpu.vector_load %arg12[%get3A] {strides = array<i32>} : memref<16xf32, #tpu.memory_space<vmem>>, vector<16xf32>,
    %slice3A = vector.extract_strided_slice %get3A_34 {offsets = [0], sizes = [1], strides = [1]} : vector<16xf32> to vector<1xf32>
    %squeeze3A = vector.extract %slice3A[0] : f32 from vector<1xf32>
    %broadcast_in_dim3A_35 = vector.broadcast %squeeze3A : f32 to vector<16xf32>
    %slice3A_36 = vector.extract_strided_slice %get3A_34 {offsets = [1], sizes = [1], strides = [1]} : vector<16xf32> to vector<1xf32>
    %squeeze3A_37 = vector.extract %slice3A_36[0] : f32 from vector<1xf32>
    %broadcast_in_dim3A_38 = vector.broadcast %squeeze3A_37 : f32 to vector<16xf32>
    %slice3A_39 = vector.extract_strided_slice %get3A_34 {offsets = [2], sizes = [1], strides = [1]} : vector<16xf32> to vector<1xf32>
    %squeeze3A_40 = vector.extract %slice3A_39[0] : f32 from vector<1xf32>
    %broadcast_in_dim3A_41 = vector.broadcast %squeeze3A_40 : f32 to vector<16xf32>
    %slice3A_42 = vector.extract_strided_slice %get3A_34 {offsets = [3], sizes = [1], strides = [1]} : vector<16xf32> to vector<1xf32>
    %squeeze3A_43 = vector.extract %slice3A_42[0] : f32 from vector<1xf32>
    %broadcast_in_dim3A_44 = vector.broadcast %squeeze3A_43 : f32 to vector<16xf32>
    %slice3A_45 = vector.extract_strided_slice %get3A_34 {offsets = [4], sizes = [1], strides = [1]} : vector<16xf32> to vector<1xf32>
    %squeeze3A_46 = vector.extract %slice3A_45[0] : f32 from vector<1xf32>
    %broadcast_in_dim3A_47 = vector.broadcast %squeeze3A_46 : f32 to vector<16xf32>
    %slice3A_48 = vector.extract_strided_slice %get3A_34 {offsets = [5], sizes = [1], strides = [1]} : vector<16xf32> to vector<1xf32>
    %squeeze3A_49 = vector.extract %slice3A_48[0] : f32 from vector<1xf32>
    %broadcast_in_dim3A_50 = vector.broadcast %squeeze3A_49 : f32 to vector<16xf32>
    %parallel_loop3A = arith.constant 0 : i32
    %parallel_loop3A_51 = arith.constant 32 : i32
    %parallel_loop3A_52 = arith.constant 1 : i32
    %parallel_loop3A_53:12 = scf.for %parallel_loop3A_198 = %parallel_loop3A to %parallel_loop3A_51 step %parallel_loop3A_52 iter_args(%parallel_loop3A_199 = %broadcast_in_dim3A_35, %parallel_loop3A_200 = %broadcast_in_dim3A_38, %parallel_loop3A_201 = %broadcast_in_dim3A_41, %parallel_loop3A_202 = %broadcast_in_dim3A_44, %parallel_loop3A_203 = %broadcast_in_dim3A_47, %parallel_loop3A_204 = %broadcast_in_dim3A_50, %parallel_loop3A_205 = %broadcast_in_dim3A_35, %parallel_loop3A_206 = %broadcast_in_dim3A_38, %parallel_loop3A_207 = %broadcast_in_dim3A_41, %parallel_loop3A_208 = %broadcast_in_dim3A_44, %parallel_loop3A_209 = %broadcast_in_dim3A_47, %parallel_loop3A_210 = %broadcast_in_dim3A_50) -> (vector<16xf32>, vector<16xf32>, vector<16xf32>, vector<16xf32>, vector<16xf32>, vector<16xf32>, vector<16xf32>, vector<16xf32>, vector<16xf32>, vector<16xf32>, vector<16xf32>, vector<16xf32>)  : i32 {
      %parallel_loop3A_211 = vector.broadcast %parallel_loop3A_198 : i32 to vector<16xi32>
      %parallel_loop3A_212 = tpu.vector_load_idx %arg9[%iota3A, %parallel_loop3A_211] : memref<32x32xf32, #tpu.memory_space<vmem>>[vector<16xi32>, vector<16xi32>], vector<16xf32>,
      %parallel_loop3A_213 = arith.constant 16 : i32
      %parallel_loop3A_214 = vector.broadcast %parallel_loop3A_213 : i32 to vector<16xi32>
      %parallel_loop3A_215 = arith.addi %iota3A, %parallel_loop3A_214 : vector<16xi32>
      %parallel_loop3A_216 = tpu.vector_load_idx %arg9[%parallel_loop3A_215, %parallel_loop3A_211] : memref<32x32xf32, #tpu.memory_space<vmem>>[vector<16xi32>, vector<16xi32>], vector<16xf32>,
      %parallel_loop3A_217 = tpu.vector_load_idx %arg11[%broadcast_in_dim3A_23, %parallel_loop3A_211] : memref<6x64xf32, #tpu.memory_space<vmem>>[vector<16xi32>, vector<16xi32>], vector<16xf32>,
      %parallel_loop3A_218 = arith.mulf %parallel_loop3A_212, %parallel_loop3A_217 : vector<16xf32>
      %parallel_loop3A_219 = arith.addf %parallel_loop3A_199, %parallel_loop3A_218 : vector<16xf32>
      %parallel_loop3A_220 = arith.mulf %parallel_loop3A_216, %parallel_loop3A_217 : vector<16xf32>
      %parallel_loop3A_221 = arith.addf %parallel_loop3A_205, %parallel_loop3A_220 : vector<16xf32>
      %parallel_loop3A_222 = tpu.vector_load_idx %arg11[%broadcast_in_dim3A_25, %parallel_loop3A_211] : memref<6x64xf32, #tpu.memory_space<vmem>>[vector<16xi32>, vector<16xi32>], vector<16xf32>,
      %parallel_loop3A_223 = arith.mulf %parallel_loop3A_212, %parallel_loop3A_222 : vector<16xf32>
      %parallel_loop3A_224 = arith.addf %parallel_loop3A_200, %parallel_loop3A_223 : vector<16xf32>
      %parallel_loop3A_225 = arith.mulf %parallel_loop3A_216, %parallel_loop3A_222 : vector<16xf32>
      %parallel_loop3A_226 = arith.addf %parallel_loop3A_206, %parallel_loop3A_225 : vector<16xf32>
      %parallel_loop3A_227 = tpu.vector_load_idx %arg11[%broadcast_in_dim3A_27, %parallel_loop3A_211] : memref<6x64xf32, #tpu.memory_space<vmem>>[vector<16xi32>, vector<16xi32>], vector<16xf32>,
      %parallel_loop3A_228 = arith.mulf %parallel_loop3A_212, %parallel_loop3A_227 : vector<16xf32>
      %parallel_loop3A_229 = arith.addf %parallel_loop3A_201, %parallel_loop3A_228 : vector<16xf32>
      %parallel_loop3A_230 = arith.mulf %parallel_loop3A_216, %parallel_loop3A_227 : vector<16xf32>
      %parallel_loop3A_231 = arith.addf %parallel_loop3A_207, %parallel_loop3A_230 : vector<16xf32>
      %parallel_loop3A_232 = tpu.vector_load_idx %arg11[%broadcast_in_dim3A_29, %parallel_loop3A_211] : memref<6x64xf32, #tpu.memory_space<vmem>>[vector<16xi32>, vector<16xi32>], vector<16xf32>,
      %parallel_loop3A_233 = arith.mulf %parallel_loop3A_212, %parallel_loop3A_232 : vector<16xf32>
      %parallel_loop3A_234 = arith.addf %parallel_loop3A_202, %parallel_loop3A_233 : vector<16xf32>
      %parallel_loop3A_235 = arith.mulf %parallel_loop3A_216, %parallel_loop3A_232 : vector<16xf32>
      %parallel_loop3A_236 = arith.addf %parallel_loop3A_208, %parallel_loop3A_235 : vector<16xf32>
      %parallel_loop3A_237 = tpu.vector_load_idx %arg11[%broadcast_in_dim3A_31, %parallel_loop3A_211] : memref<6x64xf32, #tpu.memory_space<vmem>>[vector<16xi32>, vector<16xi32>], vector<16xf32>,
      %parallel_loop3A_238 = arith.mulf %parallel_loop3A_212, %parallel_loop3A_237 : vector<16xf32>
      %parallel_loop3A_239 = arith.addf %parallel_loop3A_203, %parallel_loop3A_238 : vector<16xf32>
      %parallel_loop3A_240 = arith.mulf %parallel_loop3A_216, %parallel_loop3A_237 : vector<16xf32>
      %parallel_loop3A_241 = arith.addf %parallel_loop3A_209, %parallel_loop3A_240 : vector<16xf32>
      %parallel_loop3A_242 = tpu.vector_load_idx %arg11[%broadcast_in_dim3A_33, %parallel_loop3A_211] : memref<6x64xf32, #tpu.memory_space<vmem>>[vector<16xi32>, vector<16xi32>], vector<16xf32>,
      %parallel_loop3A_243 = arith.mulf %parallel_loop3A_212, %parallel_loop3A_242 : vector<16xf32>
      %parallel_loop3A_244 = arith.addf %parallel_loop3A_204, %parallel_loop3A_243 : vector<16xf32>
      %parallel_loop3A_245 = arith.mulf %parallel_loop3A_216, %parallel_loop3A_242 : vector<16xf32>
      %parallel_loop3A_246 = arith.addf %parallel_loop3A_210, %parallel_loop3A_245 : vector<16xf32>
      scf.yield %parallel_loop3A_219, %parallel_loop3A_224, %parallel_loop3A_229, %parallel_loop3A_234, %parallel_loop3A_239, %parallel_loop3A_244, %parallel_loop3A_221, %parallel_loop3A_226, %parallel_loop3A_231, %parallel_loop3A_236, %parallel_loop3A_241, %parallel_loop3A_246 : vector<16xf32>, vector<16xf32>, vector<16xf32>, vector<16xf32>, vector<16xf32>, vector<16xf32>, vector<16xf32>, vector<16xf32>, vector<16xf32>, vector<16xf32>, vector<16xf32>, vector<16xf32>
    } {sc.loop_unroll_factor = 2 : i64, sc.parallel_access}
    %swap3A = arith.constant 0 : i32
    %swap3A_54 = arith.index_cast %swap3A : i32 to index
    %swap3A_55 = arith.constant 0 : index
    %swap3A_56 = tpu.vector_load %arg13[%swap3A_54, %swap3A_55] {strides = array<i32>} : memref<6x32xf32, #tpu.memory_space<vmem>>, vector<16xf32>,
    tpu.vector_store %arg13[%swap3A_54, %swap3A_55], %parallel_loop3A_53#0 {strides = array<i32>} : memref<6x32xf32, #tpu.memory_space<vmem>>, vector<16xf32>,
    %swap3A_57 = arith.constant 0 : i32
    %swap3A_58 = arith.index_cast %swap3A_57 : i32 to index
    %swap3A_59 = arith.constant 16 : index
    %swap3A_60 = tpu.vector_load %arg13[%swap3A_58, %swap3A_59] {strides = array<i32>} : memref<6x32xf32, #tpu.memory_space<vmem>>, vector<16xf32>,
    tpu.vector_store %arg13[%swap3A_58, %swap3A_59], %parallel_loop3A_53#6 {strides = array<i32>} : memref<6x32xf32, #tpu.memory_space<vmem>>, vector<16xf32>,
    %swap3A_61 = arith.constant 1 : i32
    %swap3A_62 = arith.index_cast %swap3A_61 : i32 to index
    %swap3A_63 = arith.constant 0 : index
    %swap3A_64 = tpu.vector_load %arg13[%swap3A_62, %swap3A_63] {strides = array<i32>} : memref<6x32xf32, #tpu.memory_space<vmem>>, vector<16xf32>,
    tpu.vector_store %arg13[%swap3A_62, %swap3A_63], %parallel_loop3A_53#1 {strides = array<i32>} : memref<6x32xf32, #tpu.memory_space<vmem>>, vector<16xf32>,
    %swap3A_65 = arith.constant 1 : i32
    %swap3A_66 = arith.index_cast %swap3A_65 : i32 to index
    %swap3A_67 = arith.constant 16 : index
    %swap3A_68 = tpu.vector_load %arg13[%swap3A_66, %swap3A_67] {strides = array<i32>} : memref<6x32xf32, #tpu.memory_space<vmem>>, vector<16xf32>,
    tpu.vector_store %arg13[%swap3A_66, %swap3A_67], %parallel_loop3A_53#7 {strides = array<i32>} : memref<6x32xf32, #tpu.memory_space<vmem>>, vector<16xf32>,
    %swap3A_69 = arith.constant 2 : i32
    %swap3A_70 = arith.index_cast %swap3A_69 : i32 to index
    %swap3A_71 = arith.constant 0 : index
    %swap3A_72 = tpu.vector_load %arg13[%swap3A_70, %swap3A_71] {strides = array<i32>} : memref<6x32xf32, #tpu.memory_space<vmem>>, vector<16xf32>,
    tpu.vector_store %arg13[%swap3A_70, %swap3A_71], %parallel_loop3A_53#2 {strides = array<i32>} : memref<6x32xf32, #tpu.memory_space<vmem>>, vector<16xf32>,
    %swap3A_73 = arith.constant 2 : i32
    %swap3A_74 = arith.index_cast %swap3A_73 : i32 to index
    %swap3A_75 = arith.constant 16 : index
    %swap3A_76 = tpu.vector_load %arg13[%swap3A_74, %swap3A_75] {strides = array<i32>} : memref<6x32xf32, #tpu.memory_space<vmem>>, vector<16xf32>,
    tpu.vector_store %arg13[%swap3A_74, %swap3A_75], %parallel_loop3A_53#8 {strides = array<i32>} : memref<6x32xf32, #tpu.memory_space<vmem>>, vector<16xf32>,
    %swap3A_77 = arith.constant 3 : i32
    %swap3A_78 = arith.index_cast %swap3A_77 : i32 to index
    %swap3A_79 = arith.constant 0 : index
    %swap3A_80 = tpu.vector_load %arg13[%swap3A_78, %swap3A_79] {strides = array<i32>} : memref<6x32xf32, #tpu.memory_space<vmem>>, vector<16xf32>,
    tpu.vector_store %arg13[%swap3A_78, %swap3A_79], %parallel_loop3A_53#3 {strides = array<i32>} : memref<6x32xf32, #tpu.memory_space<vmem>>, vector<16xf32>,
    %swap3A_81 = arith.constant 3 : i32
    %swap3A_82 = arith.index_cast %swap3A_81 : i32 to index
    %swap3A_83 = arith.constant 16 : index
    %swap3A_84 = tpu.vector_load %arg13[%swap3A_82, %swap3A_83] {strides = array<i32>} : memref<6x32xf32, #tpu.memory_space<vmem>>, vector<16xf32>,
    tpu.vector_store %arg13[%swap3A_82, %swap3A_83], %parallel_loop3A_53#9 {strides = array<i32>} : memref<6x32xf32, #tpu.memory_space<vmem>>, vector<16xf32>,
    %swap3A_85 = arith.constant 4 : i32
    %swap3A_86 = arith.index_cast %swap3A_85 : i32 to index
    %swap3A_87 = arith.constant 0 : index
    %swap3A_88 = tpu.vector_load %arg13[%swap3A_86, %swap3A_87] {strides = array<i32>} : memref<6x32xf32, #tpu.memory_space<vmem>>, vector<16xf32>,
    tpu.vector_store %arg13[%swap3A_86, %swap3A_87], %parallel_loop3A_53#4 {strides = array<i32>} : memref<6x32xf32, #tpu.memory_space<vmem>>, vector<16xf32>,
    %swap3A_89 = arith.constant 4 : i32
    %swap3A_90 = arith.index_cast %swap3A_89 : i32 to index
    %swap3A_91 = arith.constant 16 : index
    %swap3A_92 = tpu.vector_load %arg13[%swap3A_90, %swap3A_91] {strides = array<i32>} : memref<6x32xf32, #tpu.memory_space<vmem>>, vector<16xf32>,
    tpu.vector_store %arg13[%swap3A_90, %swap3A_91], %parallel_loop3A_53#10 {strides = array<i32>} : memref<6x32xf32, #tpu.memory_space<vmem>>, vector<16xf32>,
    %swap3A_93 = arith.constant 5 : i32
    %swap3A_94 = arith.index_cast %swap3A_93 : i32 to index
    %swap3A_95 = arith.constant 0 : index
    %swap3A_96 = tpu.vector_load %arg13[%swap3A_94, %swap3A_95] {strides = array<i32>} : memref<6x32xf32, #tpu.memory_space<vmem>>, vector<16xf32>,
    tpu.vector_store %arg13[%swap3A_94, %swap3A_95], %parallel_loop3A_53#5 {strides = array<i32>} : memref<6x32xf32, #tpu.memory_space<vmem>>, vector<16xf32>,
    %swap3A_97 = arith.constant 5 : i32
    %swap3A_98 = arith.index_cast %swap3A_97 : i32 to index
    %swap3A_99 = arith.constant 16 : index
    %swap3A_100 = tpu.vector_load %arg13[%swap3A_98, %swap3A_99] {strides = array<i32>} : memref<6x32xf32, #tpu.memory_space<vmem>>, vector<16xf32>,
    tpu.vector_store %arg13[%swap3A_98, %swap3A_99], %parallel_loop3A_53#11 {strides = array<i32>} : memref<6x32xf32, #tpu.memory_space<vmem>>, vector<16xf32>,
    %mul3A_101 = arith.constant 32 : i32
    %mul3A_102 = arith.muli %arg1, %mul3A_101 : i32
    %run_scoped3A = arith.constant 0 : i32
    %run_scoped3A_103 = arith.constant 0 : i32
    "tpu.region"() ({
      %run_scoped3A_198 = tpu.sem_alloc : memref<!tpu.dma_semaphore, #tpu.memory_space<semaphore_mem>>
      %dma_start3A_199 = arith.constant 0 : i32
      %dma_start3A_200 = tpu.memref_slice %arg13[%run_scoped3A, %dma_start3A_199] : memref<6x32xf32, #tpu.memory_space<vmem>> -> memref<1x32xf32, #tpu.memory_space<vmem>>
      %dma_start3A_201 = tpu.memref_squeeze %dma_start3A_200 : memref<1x32xf32, #tpu.memory_space<vmem>> -> memref<32xf32, #tpu.memory_space<vmem>>
      %dma_start3A_202 = tpu.memref_slice %arg15[%run_scoped3A_103, %mul3A_102] : memref<6x512xf32, #tpu.memory_space<vmem_shared>> -> memref<1x32xf32, #tpu.memory_space<vmem_shared>>
      %dma_start3A_203 = tpu.memref_squeeze %dma_start3A_202 : memref<1x32xf32, #tpu.memory_space<vmem_shared>> -> memref<32xf32, #tpu.memory_space<vmem_shared>>
      %dma_start3A_204 = tpu.memref_slice %arg15[%run_scoped3A_103, %mul3A_102] : memref<6x512xf32, #tpu.memory_space<vmem_shared>> -> memref<1x32xf32, #tpu.memory_space<vmem_shared>>
      %dma_start3A_205 = tpu.memref_squeeze %dma_start3A_204 : memref<1x32xf32, #tpu.memory_space<vmem_shared>> -> memref<32xf32, #tpu.memory_space<vmem_shared>>
      %dma_start3A_206 = arith.constant 0 : i32
      %dma_start3A_207 = tpu.memref_slice %arg13[%run_scoped3A, %dma_start3A_206] : memref<6x32xf32, #tpu.memory_space<vmem>> -> memref<1x32xf32, #tpu.memory_space<vmem>>
      %dma_start3A_208 = tpu.memref_squeeze %dma_start3A_207 : memref<1x32xf32, #tpu.memory_space<vmem>> -> memref<32xf32, #tpu.memory_space<vmem>>
      tpu.enqueue_dma source(%dma_start3A_208 : memref<32xf32, #tpu.memory_space<vmem>>) target(%dma_start3A_205 : memref<32xf32, #tpu.memory_space<vmem_shared>>) target_semaphore(%run_scoped3A_198 : memref<!tpu.dma_semaphore, #tpu.memory_space<semaphore_mem>>)
      %dma_wait3A_209 = arith.constant 0 : i32
      %dma_wait3A_210 = tpu.memref_slice %arg13[%run_scoped3A, %dma_wait3A_209] : memref<6x32xf32, #tpu.memory_space<vmem>> -> memref<1x32xf32, #tpu.memory_space<vmem>>
      %dma_wait3A_211 = tpu.memref_squeeze %dma_wait3A_210 : memref<1x32xf32, #tpu.memory_space<vmem>> -> memref<32xf32, #tpu.memory_space<vmem>>
      %dma_wait3A_212 = tpu.memref_slice %arg15[%run_scoped3A_103, %mul3A_102] : memref<6x512xf32, #tpu.memory_space<vmem_shared>> -> memref<1x32xf32, #tpu.memory_space<vmem_shared>>
      %dma_wait3A_213 = tpu.memref_squeeze %dma_wait3A_212 : memref<1x32xf32, #tpu.memory_space<vmem_shared>> -> memref<32xf32, #tpu.memory_space<vmem_shared>>
      %dma_wait3A_214 = tpu.memref_slice %arg15[%run_scoped3A_103, %mul3A_102] : memref<6x512xf32, #tpu.memory_space<vmem_shared>> -> memref<1x32xf32, #tpu.memory_space<vmem_shared>>
      %dma_wait3A_215 = tpu.memref_squeeze %dma_wait3A_214 : memref<1x32xf32, #tpu.memory_space<vmem_shared>> -> memref<32xf32, #tpu.memory_space<vmem_shared>>
      %dma_wait3A_216 = arith.constant 0 : i32
      %dma_wait3A_217 = tpu.memref_slice %arg13[%run_scoped3A, %dma_wait3A_216] : memref<6x32xf32, #tpu.memory_space<vmem>> -> memref<1x32xf32, #tpu.memory_space<vmem>>
      %dma_wait3A_218 = tpu.memref_squeeze %dma_wait3A_217 : memref<1x32xf32, #tpu.memory_space<vmem>> -> memref<32xf32, #tpu.memory_space<vmem>>
      tpu.wait_dma2 semaphore(%run_scoped3A_198 : memref<!tpu.dma_semaphore, #tpu.memory_space<semaphore_mem>>) src(%dma_wait3A_218 : memref<32xf32, #tpu.memory_space<vmem>>) dst(%dma_wait3A_215 : memref<32xf32, #tpu.memory_space<vmem_shared>>)
      tpu.yield
    }) : () -> ()
    %mul3A_104 = arith.constant 32 : i32
    %mul3A_105 = arith.muli %arg1, %mul3A_104 : i32
    %run_scoped3A_106 = arith.constant 1 : i32
    %run_scoped3A_107 = arith.constant 1 : i32
    "tpu.region"() ({
      %run_scoped3A_198 = tpu.sem_alloc : memref<!tpu.dma_semaphore, #tpu.memory_space<semaphore_mem>>
      %dma_start3A_199 = arith.constant 0 : i32
      %dma_start3A_200 = tpu.memref_slice %arg13[%run_scoped3A_106, %dma_start3A_199] : memref<6x32xf32, #tpu.memory_space<vmem>> -> memref<1x32xf32, #tpu.memory_space<vmem>>
      %dma_start3A_201 = tpu.memref_squeeze %dma_start3A_200 : memref<1x32xf32, #tpu.memory_space<vmem>> -> memref<32xf32, #tpu.memory_space<vmem>>
      %dma_start3A_202 = tpu.memref_slice %arg15[%run_scoped3A_107, %mul3A_105] : memref<6x512xf32, #tpu.memory_space<vmem_shared>> -> memref<1x32xf32, #tpu.memory_space<vmem_shared>>
      %dma_start3A_203 = tpu.memref_squeeze %dma_start3A_202 : memref<1x32xf32, #tpu.memory_space<vmem_shared>> -> memref<32xf32, #tpu.memory_space<vmem_shared>>
      %dma_start3A_204 = tpu.memref_slice %arg15[%run_scoped3A_107, %mul3A_105] : memref<6x512xf32, #tpu.memory_space<vmem_shared>> -> memref<1x32xf32, #tpu.memory_space<vmem_shared>>
      %dma_start3A_205 = tpu.memref_squeeze %dma_start3A_204 : memref<1x32xf32, #tpu.memory_space<vmem_shared>> -> memref<32xf32, #tpu.memory_space<vmem_shared>>
      %dma_start3A_206 = arith.constant 0 : i32
      %dma_start3A_207 = tpu.memref_slice %arg13[%run_scoped3A_106, %dma_start3A_206] : memref<6x32xf32, #tpu.memory_space<vmem>> -> memref<1x32xf32, #tpu.memory_space<vmem>>
      %dma_start3A_208 = tpu.memref_squeeze %dma_start3A_207 : memref<1x32xf32, #tpu.memory_space<vmem>> -> memref<32xf32, #tpu.memory_space<vmem>>
      tpu.enqueue_dma source(%dma_start3A_208 : memref<32xf32, #tpu.memory_space<vmem>>) target(%dma_start3A_205 : memref<32xf32, #tpu.memory_space<vmem_shared>>) target_semaphore(%run_scoped3A_198 : memref<!tpu.dma_semaphore, #tpu.memory_space<semaphore_mem>>)
      %dma_wait3A_209 = arith.constant 0 : i32
      %dma_wait3A_210 = tpu.memref_slice %arg13[%run_scoped3A_106, %dma_wait3A_209] : memref<6x32xf32, #tpu.memory_space<vmem>> -> memref<1x32xf32, #tpu.memory_space<vmem>>
      %dma_wait3A_211 = tpu.memref_squeeze %dma_wait3A_210 : memref<1x32xf32, #tpu.memory_space<vmem>> -> memref<32xf32, #tpu.memory_space<vmem>>
      %dma_wait3A_212 = tpu.memref_slice %arg15[%run_scoped3A_107, %mul3A_105] : memref<6x512xf32, #tpu.memory_space<vmem_shared>> -> memref<1x32xf32, #tpu.memory_space<vmem_shared>>
      %dma_wait3A_213 = tpu.memref_squeeze %dma_wait3A_212 : memref<1x32xf32, #tpu.memory_space<vmem_shared>> -> memref<32xf32, #tpu.memory_space<vmem_shared>>
      %dma_wait3A_214 = tpu.memref_slice %arg15[%run_scoped3A_107, %mul3A_105] : memref<6x512xf32, #tpu.memory_space<vmem_shared>> -> memref<1x32xf32, #tpu.memory_space<vmem_shared>>
      %dma_wait3A_215 = tpu.memref_squeeze %dma_wait3A_214 : memref<1x32xf32, #tpu.memory_space<vmem_shared>> -> memref<32xf32, #tpu.memory_space<vmem_shared>>
      %dma_wait3A_216 = arith.constant 0 : i32
      %dma_wait3A_217 = tpu.memref_slice %arg13[%run_scoped3A_106, %dma_wait3A_216] : memref<6x32xf32, #tpu.memory_space<vmem>> -> memref<1x32xf32, #tpu.memory_space<vmem>>
      %dma_wait3A_218 = tpu.memref_squeeze %dma_wait3A_217 : memref<1x32xf32, #tpu.memory_space<vmem>> -> memref<32xf32, #tpu.memory_space<vmem>>
      tpu.wait_dma2 semaphore(%run_scoped3A_198 : memref<!tpu.dma_semaphore, #tpu.memory_space<semaphore_mem>>) src(%dma_wait3A_218 : memref<32xf32, #tpu.memory_space<vmem>>) dst(%dma_wait3A_215 : memref<32xf32, #tpu.memory_space<vmem_shared>>)
      tpu.yield
    }) : () -> ()
    %mul3A_108 = arith.constant 32 : i32
    %mul3A_109 = arith.muli %arg1, %mul3A_108 : i32
    %run_scoped3A_110 = arith.constant 2 : i32
    %run_scoped3A_111 = arith.constant 2 : i32
    "tpu.region"() ({
      %run_scoped3A_198 = tpu.sem_alloc : memref<!tpu.dma_semaphore, #tpu.memory_space<semaphore_mem>>
      %dma_start3A_199 = arith.constant 0 : i32
      %dma_start3A_200 = tpu.memref_slice %arg13[%run_scoped3A_110, %dma_start3A_199] : memref<6x32xf32, #tpu.memory_space<vmem>> -> memref<1x32xf32, #tpu.memory_space<vmem>>
      %dma_start3A_201 = tpu.memref_squeeze %dma_start3A_200 : memref<1x32xf32, #tpu.memory_space<vmem>> -> memref<32xf32, #tpu.memory_space<vmem>>
      %dma_start3A_202 = tpu.memref_slice %arg15[%run_scoped3A_111, %mul3A_109] : memref<6x512xf32, #tpu.memory_space<vmem_shared>> -> memref<1x32xf32, #tpu.memory_space<vmem_shared>>
      %dma_start3A_203 = tpu.memref_squeeze %dma_start3A_202 : memref<1x32xf32, #tpu.memory_space<vmem_shared>> -> memref<32xf32, #tpu.memory_space<vmem_shared>>
      %dma_start3A_204 = tpu.memref_slice %arg15[%run_scoped3A_111, %mul3A_109] : memref<6x512xf32, #tpu.memory_space<vmem_shared>> -> memref<1x32xf32, #tpu.memory_space<vmem_shared>>
      %dma_start3A_205 = tpu.memref_squeeze %dma_start3A_204 : memref<1x32xf32, #tpu.memory_space<vmem_shared>> -> memref<32xf32, #tpu.memory_space<vmem_shared>>
      %dma_start3A_206 = arith.constant 0 : i32
      %dma_start3A_207 = tpu.memref_slice %arg13[%run_scoped3A_110, %dma_start3A_206] : memref<6x32xf32, #tpu.memory_space<vmem>> -> memref<1x32xf32, #tpu.memory_space<vmem>>
      %dma_start3A_208 = tpu.memref_squeeze %dma_start3A_207 : memref<1x32xf32, #tpu.memory_space<vmem>> -> memref<32xf32, #tpu.memory_space<vmem>>
      tpu.enqueue_dma source(%dma_start3A_208 : memref<32xf32, #tpu.memory_space<vmem>>) target(%dma_start3A_205 : memref<32xf32, #tpu.memory_space<vmem_shared>>) target_semaphore(%run_scoped3A_198 : memref<!tpu.dma_semaphore, #tpu.memory_space<semaphore_mem>>)
      %dma_wait3A_209 = arith.constant 0 : i32
      %dma_wait3A_210 = tpu.memref_slice %arg13[%run_scoped3A_110, %dma_wait3A_209] : memref<6x32xf32, #tpu.memory_space<vmem>> -> memref<1x32xf32, #tpu.memory_space<vmem>>
      %dma_wait3A_211 = tpu.memref_squeeze %dma_wait3A_210 : memref<1x32xf32, #tpu.memory_space<vmem>> -> memref<32xf32, #tpu.memory_space<vmem>>
      %dma_wait3A_212 = tpu.memref_slice %arg15[%run_scoped3A_111, %mul3A_109] : memref<6x512xf32, #tpu.memory_space<vmem_shared>> -> memref<1x32xf32, #tpu.memory_space<vmem_shared>>
      %dma_wait3A_213 = tpu.memref_squeeze %dma_wait3A_212 : memref<1x32xf32, #tpu.memory_space<vmem_shared>> -> memref<32xf32, #tpu.memory_space<vmem_shared>>
      %dma_wait3A_214 = tpu.memref_slice %arg15[%run_scoped3A_111, %mul3A_109] : memref<6x512xf32, #tpu.memory_space<vmem_shared>> -> memref<1x32xf32, #tpu.memory_space<vmem_shared>>
      %dma_wait3A_215 = tpu.memref_squeeze %dma_wait3A_214 : memref<1x32xf32, #tpu.memory_space<vmem_shared>> -> memref<32xf32, #tpu.memory_space<vmem_shared>>
      %dma_wait3A_216 = arith.constant 0 : i32
      %dma_wait3A_217 = tpu.memref_slice %arg13[%run_scoped3A_110, %dma_wait3A_216] : memref<6x32xf32, #tpu.memory_space<vmem>> -> memref<1x32xf32, #tpu.memory_space<vmem>>
      %dma_wait3A_218 = tpu.memref_squeeze %dma_wait3A_217 : memref<1x32xf32, #tpu.memory_space<vmem>> -> memref<32xf32, #tpu.memory_space<vmem>>
      tpu.wait_dma2 semaphore(%run_scoped3A_198 : memref<!tpu.dma_semaphore, #tpu.memory_space<semaphore_mem>>) src(%dma_wait3A_218 : memref<32xf32, #tpu.memory_space<vmem>>) dst(%dma_wait3A_215 : memref<32xf32, #tpu.memory_space<vmem_shared>>)
      tpu.yield
    }) : () -> ()
    %mul3A_112 = arith.constant 32 : i32
    %mul3A_113 = arith.muli %arg1, %mul3A_112 : i32
    %run_scoped3A_114 = arith.constant 3 : i32
    %run_scoped3A_115 = arith.constant 3 : i32
    "tpu.region"() ({
      %run_scoped3A_198 = tpu.sem_alloc : memref<!tpu.dma_semaphore, #tpu.memory_space<semaphore_mem>>
      %dma_start3A_199 = arith.constant 0 : i32
      %dma_start3A_200 = tpu.memref_slice %arg13[%run_scoped3A_114, %dma_start3A_199] : memref<6x32xf32, #tpu.memory_space<vmem>> -> memref<1x32xf32, #tpu.memory_space<vmem>>
      %dma_start3A_201 = tpu.memref_squeeze %dma_start3A_200 : memref<1x32xf32, #tpu.memory_space<vmem>> -> memref<32xf32, #tpu.memory_space<vmem>>
      %dma_start3A_202 = tpu.memref_slice %arg15[%run_scoped3A_115, %mul3A_113] : memref<6x512xf32, #tpu.memory_space<vmem_shared>> -> memref<1x32xf32, #tpu.memory_space<vmem_shared>>
      %dma_start3A_203 = tpu.memref_squeeze %dma_start3A_202 : memref<1x32xf32, #tpu.memory_space<vmem_shared>> -> memref<32xf32, #tpu.memory_space<vmem_shared>>
      %dma_start3A_204 = tpu.memref_slice %arg15[%run_scoped3A_115, %mul3A_113] : memref<6x512xf32, #tpu.memory_space<vmem_shared>> -> memref<1x32xf32, #tpu.memory_space<vmem_shared>>
      %dma_start3A_205 = tpu.memref_squeeze %dma_start3A_204 : memref<1x32xf32, #tpu.memory_space<vmem_shared>> -> memref<32xf32, #tpu.memory_space<vmem_shared>>
      %dma_start3A_206 = arith.constant 0 : i32
      %dma_start3A_207 = tpu.memref_slice %arg13[%run_scoped3A_114, %dma_start3A_206] : memref<6x32xf32, #tpu.memory_space<vmem>> -> memref<1x32xf32, #tpu.memory_space<vmem>>
      %dma_start3A_208 = tpu.memref_squeeze %dma_start3A_207 : memref<1x32xf32, #tpu.memory_space<vmem>> -> memref<32xf32, #tpu.memory_space<vmem>>
      tpu.enqueue_dma source(%dma_start3A_208 : memref<32xf32, #tpu.memory_space<vmem>>) target(%dma_start3A_205 : memref<32xf32, #tpu.memory_space<vmem_shared>>) target_semaphore(%run_scoped3A_198 : memref<!tpu.dma_semaphore, #tpu.memory_space<semaphore_mem>>)
      %dma_wait3A_209 = arith.constant 0 : i32
      %dma_wait3A_210 = tpu.memref_slice %arg13[%run_scoped3A_114, %dma_wait3A_209] : memref<6x32xf32, #tpu.memory_space<vmem>> -> memref<1x32xf32, #tpu.memory_space<vmem>>
      %dma_wait3A_211 = tpu.memref_squeeze %dma_wait3A_210 : memref<1x32xf32, #tpu.memory_space<vmem>> -> memref<32xf32, #tpu.memory_space<vmem>>
      %dma_wait3A_212 = tpu.memref_slice %arg15[%run_scoped3A_115, %mul3A_113] : memref<6x512xf32, #tpu.memory_space<vmem_shared>> -> memref<1x32xf32, #tpu.memory_space<vmem_shared>>
      %dma_wait3A_213 = tpu.memref_squeeze %dma_wait3A_212 : memref<1x32xf32, #tpu.memory_space<vmem_shared>> -> memref<32xf32, #tpu.memory_space<vmem_shared>>
      %dma_wait3A_214 = tpu.memref_slice %arg15[%run_scoped3A_115, %mul3A_113] : memref<6x512xf32, #tpu.memory_space<vmem_shared>> -> memref<1x32xf32, #tpu.memory_space<vmem_shared>>
      %dma_wait3A_215 = tpu.memref_squeeze %dma_wait3A_214 : memref<1x32xf32, #tpu.memory_space<vmem_shared>> -> memref<32xf32, #tpu.memory_space<vmem_shared>>
      %dma_wait3A_216 = arith.constant 0 : i32
      %dma_wait3A_217 = tpu.memref_slice %arg13[%run_scoped3A_114, %dma_wait3A_216] : memref<6x32xf32, #tpu.memory_space<vmem>> -> memref<1x32xf32, #tpu.memory_space<vmem>>
      %dma_wait3A_218 = tpu.memref_squeeze %dma_wait3A_217 : memref<1x32xf32, #tpu.memory_space<vmem>> -> memref<32xf32, #tpu.memory_space<vmem>>
      tpu.wait_dma2 semaphore(%run_scoped3A_198 : memref<!tpu.dma_semaphore, #tpu.memory_space<semaphore_mem>>) src(%dma_wait3A_218 : memref<32xf32, #tpu.memory_space<vmem>>) dst(%dma_wait3A_215 : memref<32xf32, #tpu.memory_space<vmem_shared>>)
      tpu.yield
    }) : () -> ()
    %mul3A_116 = arith.constant 32 : i32
    %mul3A_117 = arith.muli %arg1, %mul3A_116 : i32
    %run_scoped3A_118 = arith.constant 4 : i32
    %run_scoped3A_119 = arith.constant 4 : i32
    "tpu.region"() ({
      %run_scoped3A_198 = tpu.sem_alloc : memref<!tpu.dma_semaphore, #tpu.memory_space<semaphore_mem>>
      %dma_start3A_199 = arith.constant 0 : i32
      %dma_start3A_200 = tpu.memref_slice %arg13[%run_scoped3A_118, %dma_start3A_199] : memref<6x32xf32, #tpu.memory_space<vmem>> -> memref<1x32xf32, #tpu.memory_space<vmem>>
      %dma_start3A_201 = tpu.memref_squeeze %dma_start3A_200 : memref<1x32xf32, #tpu.memory_space<vmem>> -> memref<32xf32, #tpu.memory_space<vmem>>
      %dma_start3A_202 = tpu.memref_slice %arg15[%run_scoped3A_119, %mul3A_117] : memref<6x512xf32, #tpu.memory_space<vmem_shared>> -> memref<1x32xf32, #tpu.memory_space<vmem_shared>>
      %dma_start3A_203 = tpu.memref_squeeze %dma_start3A_202 : memref<1x32xf32, #tpu.memory_space<vmem_shared>> -> memref<32xf32, #tpu.memory_space<vmem_shared>>
      %dma_start3A_204 = tpu.memref_slice %arg15[%run_scoped3A_119, %mul3A_117] : memref<6x512xf32, #tpu.memory_space<vmem_shared>> -> memref<1x32xf32, #tpu.memory_space<vmem_shared>>
      %dma_start3A_205 = tpu.memref_squeeze %dma_start3A_204 : memref<1x32xf32, #tpu.memory_space<vmem_shared>> -> memref<32xf32, #tpu.memory_space<vmem_shared>>
      %dma_start3A_206 = arith.constant 0 : i32
      %dma_start3A_207 = tpu.memref_slice %arg13[%run_scoped3A_118, %dma_start3A_206] : memref<6x32xf32, #tpu.memory_space<vmem>> -> memref<1x32xf32, #tpu.memory_space<vmem>>
      %dma_start3A_208 = tpu.memref_squeeze %dma_start3A_207 : memref<1x32xf32, #tpu.memory_space<vmem>> -> memref<32xf32, #tpu.memory_space<vmem>>
      tpu.enqueue_dma source(%dma_start3A_208 : memref<32xf32, #tpu.memory_space<vmem>>) target(%dma_start3A_205 : memref<32xf32, #tpu.memory_space<vmem_shared>>) target_semaphore(%run_scoped3A_198 : memref<!tpu.dma_semaphore, #tpu.memory_space<semaphore_mem>>)
      %dma_wait3A_209 = arith.constant 0 : i32
      %dma_wait3A_210 = tpu.memref_slice %arg13[%run_scoped3A_118, %dma_wait3A_209] : memref<6x32xf32, #tpu.memory_space<vmem>> -> memref<1x32xf32, #tpu.memory_space<vmem>>
      %dma_wait3A_211 = tpu.memref_squeeze %dma_wait3A_210 : memref<1x32xf32, #tpu.memory_space<vmem>> -> memref<32xf32, #tpu.memory_space<vmem>>
      %dma_wait3A_212 = tpu.memref_slice %arg15[%run_scoped3A_119, %mul3A_117] : memref<6x512xf32, #tpu.memory_space<vmem_shared>> -> memref<1x32xf32, #tpu.memory_space<vmem_shared>>
      %dma_wait3A_213 = tpu.memref_squeeze %dma_wait3A_212 : memref<1x32xf32, #tpu.memory_space<vmem_shared>> -> memref<32xf32, #tpu.memory_space<vmem_shared>>
      %dma_wait3A_214 = tpu.memref_slice %arg15[%run_scoped3A_119, %mul3A_117] : memref<6x512xf32, #tpu.memory_space<vmem_shared>> -> memref<1x32xf32, #tpu.memory_space<vmem_shared>>
      %dma_wait3A_215 = tpu.memref_squeeze %dma_wait3A_214 : memref<1x32xf32, #tpu.memory_space<vmem_shared>> -> memref<32xf32, #tpu.memory_space<vmem_shared>>
      %dma_wait3A_216 = arith.constant 0 : i32
      %dma_wait3A_217 = tpu.memref_slice %arg13[%run_scoped3A_118, %dma_wait3A_216] : memref<6x32xf32, #tpu.memory_space<vmem>> -> memref<1x32xf32, #tpu.memory_space<vmem>>
      %dma_wait3A_218 = tpu.memref_squeeze %dma_wait3A_217 : memref<1x32xf32, #tpu.memory_space<vmem>> -> memref<32xf32, #tpu.memory_space<vmem>>
      tpu.wait_dma2 semaphore(%run_scoped3A_198 : memref<!tpu.dma_semaphore, #tpu.memory_space<semaphore_mem>>) src(%dma_wait3A_218 : memref<32xf32, #tpu.memory_space<vmem>>) dst(%dma_wait3A_215 : memref<32xf32, #tpu.memory_space<vmem_shared>>)
      tpu.yield
    }) : () -> ()
    %mul3A_120 = arith.constant 32 : i32
    %mul3A_121 = arith.muli %arg1, %mul3A_120 : i32
    %run_scoped3A_122 = arith.constant 5 : i32
    %run_scoped3A_123 = arith.constant 5 : i32
    "tpu.region"() ({
      %run_scoped3A_198 = tpu.sem_alloc : memref<!tpu.dma_semaphore, #tpu.memory_space<semaphore_mem>>
      %dma_start3A_199 = arith.constant 0 : i32
      %dma_start3A_200 = tpu.memref_slice %arg13[%run_scoped3A_122, %dma_start3A_199] : memref<6x32xf32, #tpu.memory_space<vmem>> -> memref<1x32xf32, #tpu.memory_space<vmem>>
      %dma_start3A_201 = tpu.memref_squeeze %dma_start3A_200 : memref<1x32xf32, #tpu.memory_space<vmem>> -> memref<32xf32, #tpu.memory_space<vmem>>
      %dma_start3A_202 = tpu.memref_slice %arg15[%run_scoped3A_123, %mul3A_121] : memref<6x512xf32, #tpu.memory_space<vmem_shared>> -> memref<1x32xf32, #tpu.memory_space<vmem_shared>>
      %dma_start3A_203 = tpu.memref_squeeze %dma_start3A_202 : memref<1x32xf32, #tpu.memory_space<vmem_shared>> -> memref<32xf32, #tpu.memory_space<vmem_shared>>
      %dma_start3A_204 = tpu.memref_slice %arg15[%run_scoped3A_123, %mul3A_121] : memref<6x512xf32, #tpu.memory_space<vmem_shared>> -> memref<1x32xf32, #tpu.memory_space<vmem_shared>>
      %dma_start3A_205 = tpu.memref_squeeze %dma_start3A_204 : memref<1x32xf32, #tpu.memory_space<vmem_shared>> -> memref<32xf32, #tpu.memory_space<vmem_shared>>
      %dma_start3A_206 = arith.constant 0 : i32
      %dma_start3A_207 = tpu.memref_slice %arg13[%run_scoped3A_122, %dma_start3A_206] : memref<6x32xf32, #tpu.memory_space<vmem>> -> memref<1x32xf32, #tpu.memory_space<vmem>>
      %dma_start3A_208 = tpu.memref_squeeze %dma_start3A_207 : memref<1x32xf32, #tpu.memory_space<vmem>> -> memref<32xf32, #tpu.memory_space<vmem>>
      tpu.enqueue_dma source(%dma_start3A_208 : memref<32xf32, #tpu.memory_space<vmem>>) target(%dma_start3A_205 : memref<32xf32, #tpu.memory_space<vmem_shared>>) target_semaphore(%run_scoped3A_198 : memref<!tpu.dma_semaphore, #tpu.memory_space<semaphore_mem>>)
      %dma_wait3A_209 = arith.constant 0 : i32
      %dma_wait3A_210 = tpu.memref_slice %arg13[%run_scoped3A_122, %dma_wait3A_209] : memref<6x32xf32, #tpu.memory_space<vmem>> -> memref<1x32xf32, #tpu.memory_space<vmem>>
      %dma_wait3A_211 = tpu.memref_squeeze %dma_wait3A_210 : memref<1x32xf32, #tpu.memory_space<vmem>> -> memref<32xf32, #tpu.memory_space<vmem>>
      %dma_wait3A_212 = tpu.memref_slice %arg15[%run_scoped3A_123, %mul3A_121] : memref<6x512xf32, #tpu.memory_space<vmem_shared>> -> memref<1x32xf32, #tpu.memory_space<vmem_shared>>
      %dma_wait3A_213 = tpu.memref_squeeze %dma_wait3A_212 : memref<1x32xf32, #tpu.memory_space<vmem_shared>> -> memref<32xf32, #tpu.memory_space<vmem_shared>>
      %dma_wait3A_214 = tpu.memref_slice %arg15[%run_scoped3A_123, %mul3A_121] : memref<6x512xf32, #tpu.memory_space<vmem_shared>> -> memref<1x32xf32, #tpu.memory_space<vmem_shared>>
      %dma_wait3A_215 = tpu.memref_squeeze %dma_wait3A_214 : memref<1x32xf32, #tpu.memory_space<vmem_shared>> -> memref<32xf32, #tpu.memory_space<vmem_shared>>
      %dma_wait3A_216 = arith.constant 0 : i32
      %dma_wait3A_217 = tpu.memref_slice %arg13[%run_scoped3A_122, %dma_wait3A_216] : memref<6x32xf32, #tpu.memory_space<vmem>> -> memref<1x32xf32, #tpu.memory_space<vmem>>
      %dma_wait3A_218 = tpu.memref_squeeze %dma_wait3A_217 : memref<1x32xf32, #tpu.memory_space<vmem>> -> memref<32xf32, #tpu.memory_space<vmem>>
      tpu.wait_dma2 semaphore(%run_scoped3A_198 : memref<!tpu.dma_semaphore, #tpu.memory_space<semaphore_mem>>) src(%dma_wait3A_218 : memref<32xf32, #tpu.memory_space<vmem>>) dst(%dma_wait3A_215 : memref<32xf32, #tpu.memory_space<vmem_shared>>)
      tpu.yield
    }) : () -> ()
    %lt3A = arith.constant 4 : i32
    %lt3A_124 = arith.cmpi slt, %arg1, %lt3A : i32
    %convert_element_type3A = arith.extui %lt3A_124 : i1 to i32
    %cond3A = arith.constant 0 : i32
    %cond3A_125 = arith.cmpi ne, %convert_element_type3A, %cond3A : i32
    scf.if %cond3A_125 {
      %eq3A = arith.constant 3 : i32
      %eq3A_198 = arith.cmpi eq, %arg1, %eq3A : i32
      %mul3A_199 = arith.constant 16 : i32
      %mul3A_200 = arith.muli %arg1, %mul3A_199 : i32
      %jit3A = arith.constant 33 : i32
      %select_n3A = arith.select %eq3A_198, %jit3A, %mul3A_200 : i32
      %eq3A_201 = arith.constant 3 : i32
      %eq3A_202 = arith.cmpi eq, %arg1, %eq3A_201 : i32
      %broadcast_in_dim3A_203 = arith.constant 15 : i32
      %broadcast_in_dim3A_204 = vector.broadcast %broadcast_in_dim3A_203 : i32 to vector<16xi32>
      %select_n3A_205 = arith.select %eq3A_202, %broadcast_in_dim3A_204, %iota3A : vector<16xi32>
      "tpu.region"() ({
        %run_scoped3A_270 = tpu.sem_alloc : memref<!tpu.dma_semaphore, #tpu.memory_space<semaphore_mem>>
        %dma_start3A_271 = arith.constant 0 : i32
        %dma_start3A_272 = tpu.memref_slice %arg4[%select_n3A, %dma_start3A_271] : memref<49x32xf32, #tpu.memory_space<hbm>> -> memref<16x32xf32, #tpu.memory_space<hbm>>
        %dma_start3A_273 = arith.constant 0 : i32
        %dma_start3A_274 = tpu.memref_slice %arg4[%select_n3A, %dma_start3A_273] : memref<49x32xf32, #tpu.memory_space<hbm>> -> memref<16x32xf32, #tpu.memory_space<hbm>>
        tpu.enqueue_dma source(%dma_start3A_274 : memref<16x32xf32, #tpu.memory_space<hbm>>) target(%arg10 : memref<16x32xf32, #tpu.memory_space<vmem>>) target_semaphore(%run_scoped3A_270 : memref<!tpu.dma_semaphore, #tpu.memory_space<semaphore_mem>>)
        %dma_wait3A_275 = arith.constant 0 : i32
        %dma_wait3A_276 = tpu.memref_slice %arg4[%select_n3A, %dma_wait3A_275] : memref<49x32xf32, #tpu.memory_space<hbm>> -> memref<16x32xf32, #tpu.memory_space<hbm>>
        %dma_wait3A_277 = arith.constant 0 : i32
        %dma_wait3A_278 = tpu.memref_slice %arg4[%select_n3A, %dma_wait3A_277] : memref<49x32xf32, #tpu.memory_space<hbm>> -> memref<16x32xf32, #tpu.memory_space<hbm>>
        tpu.wait_dma2 semaphore(%run_scoped3A_270 : memref<!tpu.dma_semaphore, #tpu.memory_space<semaphore_mem>>) src(%dma_wait3A_278 : memref<16x32xf32, #tpu.memory_space<hbm>>) dst(%arg10 : memref<16x32xf32, #tpu.memory_space<vmem>>)
        tpu.yield
      }) : () -> ()
      %broadcast_in_dim3A_206 = arith.constant 0.000000e+00 : f32
      %broadcast_in_dim3A_207 = vector.broadcast %broadcast_in_dim3A_206 : f32 to vector<16xf32>
      %broadcast_in_dim3A_208 = arith.constant 0.000000e+00 : f32
      %broadcast_in_dim3A_209 = vector.broadcast %broadcast_in_dim3A_208 : f32 to vector<16xf32>
      %broadcast_in_dim3A_210 = arith.constant 0.000000e+00 : f32
      %broadcast_in_dim3A_211 = vector.broadcast %broadcast_in_dim3A_210 : f32 to vector<16xf32>
      %broadcast_in_dim3A_212 = arith.constant 0.000000e+00 : f32
      %broadcast_in_dim3A_213 = vector.broadcast %broadcast_in_dim3A_212 : f32 to vector<16xf32>
      %broadcast_in_dim3A_214 = arith.constant 0.000000e+00 : f32
      %broadcast_in_dim3A_215 = vector.broadcast %broadcast_in_dim3A_214 : f32 to vector<16xf32>
      %broadcast_in_dim3A_216 = arith.constant 0.000000e+00 : f32
      %broadcast_in_dim3A_217 = vector.broadcast %broadcast_in_dim3A_216 : f32 to vector<16xf32>
      %parallel_loop3A_218 = arith.constant 0 : i32
      %parallel_loop3A_219 = arith.constant 32 : i32
      %parallel_loop3A_220 = arith.constant 1 : i32
      %parallel_loop3A_221:6 = scf.for %parallel_loop3A_270 = %parallel_loop3A_218 to %parallel_loop3A_219 step %parallel_loop3A_220 iter_args(%parallel_loop3A_271 = %broadcast_in_dim3A_207, %parallel_loop3A_272 = %broadcast_in_dim3A_209, %parallel_loop3A_273 = %broadcast_in_dim3A_211, %parallel_loop3A_274 = %broadcast_in_dim3A_213, %parallel_loop3A_275 = %broadcast_in_dim3A_215, %parallel_loop3A_276 = %broadcast_in_dim3A_217) -> (vector<16xf32>, vector<16xf32>, vector<16xf32>, vector<16xf32>, vector<16xf32>, vector<16xf32>)  : i32 {
        %parallel_loop3A_277 = vector.broadcast %parallel_loop3A_270 : i32 to vector<16xi32>
        %parallel_loop3A_278 = tpu.vector_load_idx %arg10[%select_n3A_205, %parallel_loop3A_277] : memref<16x32xf32, #tpu.memory_space<vmem>>[vector<16xi32>, vector<16xi32>], vector<16xf32>,
        %parallel_loop3A_279 = arith.constant 32 : i32
        %parallel_loop3A_280 = vector.broadcast %parallel_loop3A_279 : i32 to vector<16xi32>
        %parallel_loop3A_281 = arith.addi %parallel_loop3A_277, %parallel_loop3A_280 : vector<16xi32>
        %parallel_loop3A_282 = tpu.vector_load_idx %arg11[%broadcast_in_dim3A_23, %parallel_loop3A_281] : memref<6x64xf32, #tpu.memory_space<vmem>>[vector<16xi32>, vector<16xi32>], vector<16xf32>,
        %parallel_loop3A_283 = arith.mulf %parallel_loop3A_278, %parallel_loop3A_282 : vector<16xf32>
        %parallel_loop3A_284 = arith.addf %parallel_loop3A_271, %parallel_loop3A_283 : vector<16xf32>
        %parallel_loop3A_285 = tpu.vector_load_idx %arg11[%broadcast_in_dim3A_25, %parallel_loop3A_281] : memref<6x64xf32, #tpu.memory_space<vmem>>[vector<16xi32>, vector<16xi32>], vector<16xf32>,
        %parallel_loop3A_286 = arith.mulf %parallel_loop3A_278, %parallel_loop3A_285 : vector<16xf32>
        %parallel_loop3A_287 = arith.addf %parallel_loop3A_272, %parallel_loop3A_286 : vector<16xf32>
        %parallel_loop3A_288 = tpu.vector_load_idx %arg11[%broadcast_in_dim3A_27, %parallel_loop3A_281] : memref<6x64xf32, #tpu.memory_space<vmem>>[vector<16xi32>, vector<16xi32>], vector<16xf32>,
        %parallel_loop3A_289 = arith.mulf %parallel_loop3A_278, %parallel_loop3A_288 : vector<16xf32>
        %parallel_loop3A_290 = arith.addf %parallel_loop3A_273, %parallel_loop3A_289 : vector<16xf32>
        %parallel_loop3A_291 = tpu.vector_load_idx %arg11[%broadcast_in_dim3A_29, %parallel_loop3A_281] : memref<6x64xf32, #tpu.memory_space<vmem>>[vector<16xi32>, vector<16xi32>], vector<16xf32>,
        %parallel_loop3A_292 = arith.mulf %parallel_loop3A_278, %parallel_loop3A_291 : vector<16xf32>
        %parallel_loop3A_293 = arith.addf %parallel_loop3A_274, %parallel_loop3A_292 : vector<16xf32>
        %parallel_loop3A_294 = tpu.vector_load_idx %arg11[%broadcast_in_dim3A_31, %parallel_loop3A_281] : memref<6x64xf32, #tpu.memory_space<vmem>>[vector<16xi32>, vector<16xi32>], vector<16xf32>,
        %parallel_loop3A_295 = arith.mulf %parallel_loop3A_278, %parallel_loop3A_294 : vector<16xf32>
        %parallel_loop3A_296 = arith.addf %parallel_loop3A_275, %parallel_loop3A_295 : vector<16xf32>
        %parallel_loop3A_297 = tpu.vector_load_idx %arg11[%broadcast_in_dim3A_33, %parallel_loop3A_281] : memref<6x64xf32, #tpu.memory_space<vmem>>[vector<16xi32>, vector<16xi32>], vector<16xf32>,
        %parallel_loop3A_298 = arith.mulf %parallel_loop3A_278, %parallel_loop3A_297 : vector<16xf32>
        %parallel_loop3A_299 = arith.addf %parallel_loop3A_276, %parallel_loop3A_298 : vector<16xf32>
        scf.yield %parallel_loop3A_284, %parallel_loop3A_287, %parallel_loop3A_290, %parallel_loop3A_293, %parallel_loop3A_296, %parallel_loop3A_299 : vector<16xf32>, vector<16xf32>, vector<16xf32>, vector<16xf32>, vector<16xf32>, vector<16xf32>
      } {sc.loop_unroll_factor = 2 : i64, sc.parallel_access}
      %swap3A_222 = arith.constant 0 : i32
      %swap3A_223 = arith.index_cast %swap3A_222 : i32 to index
      %swap3A_224 = arith.constant 0 : index
      %swap3A_225 = tpu.vector_load %arg13[%swap3A_223, %swap3A_224] {strides = array<i32>} : memref<6x32xf32, #tpu.memory_space<vmem>>, vector<16xf32>,
      tpu.vector_store %arg13[%swap3A_223, %swap3A_224], %parallel_loop3A_221#0 {strides = array<i32>} : memref<6x32xf32, #tpu.memory_space<vmem>>, vector<16xf32>,
      %swap3A_226 = arith.constant 1 : i32
      %swap3A_227 = arith.index_cast %swap3A_226 : i32 to index
      %swap3A_228 = arith.constant 0 : index
      %swap3A_229 = tpu.vector_load %arg13[%swap3A_227, %swap3A_228] {strides = array<i32>} : memref<6x32xf32, #tpu.memory_space<vmem>>, vector<16xf32>,
      tpu.vector_store %arg13[%swap3A_227, %swap3A_228], %parallel_loop3A_221#1 {strides = array<i32>} : memref<6x32xf32, #tpu.memory_space<vmem>>, vector<16xf32>,
      %swap3A_230 = arith.constant 2 : i32
      %swap3A_231 = arith.index_cast %swap3A_230 : i32 to index
      %swap3A_232 = arith.constant 0 : index
      %swap3A_233 = tpu.vector_load %arg13[%swap3A_231, %swap3A_232] {strides = array<i32>} : memref<6x32xf32, #tpu.memory_space<vmem>>, vector<16xf32>,
      tpu.vector_store %arg13[%swap3A_231, %swap3A_232], %parallel_loop3A_221#2 {strides = array<i32>} : memref<6x32xf32, #tpu.memory_space<vmem>>, vector<16xf32>,
      %swap3A_234 = arith.constant 3 : i32
      %swap3A_235 = arith.index_cast %swap3A_234 : i32 to index
      %swap3A_236 = arith.constant 0 : index
      %swap3A_237 = tpu.vector_load %arg13[%swap3A_235, %swap3A_236] {strides = array<i32>} : memref<6x32xf32, #tpu.memory_space<vmem>>, vector<16xf32>,
      tpu.vector_store %arg13[%swap3A_235, %swap3A_236], %parallel_loop3A_221#3 {strides = array<i32>} : memref<6x32xf32, #tpu.memory_space<vmem>>, vector<16xf32>,
      %swap3A_238 = arith.constant 4 : i32
      %swap3A_239 = arith.index_cast %swap3A_238 : i32 to index
      %swap3A_240 = arith.constant 0 : index
      %swap3A_241 = tpu.vector_load %arg13[%swap3A_239, %swap3A_240] {strides = array<i32>} : memref<6x32xf32, #tpu.memory_space<vmem>>, vector<16xf32>,
      tpu.vector_store %arg13[%swap3A_239, %swap3A_240], %parallel_loop3A_221#4 {strides = array<i32>} : memref<6x32xf32, #tpu.memory_space<vmem>>, vector<16xf32>,
      %swap3A_242 = arith.constant 5 : i32
      %swap3A_243 = arith.index_cast %swap3A_242 : i32 to index
      %swap3A_244 = arith.constant 0 : index
      %swap3A_245 = tpu.vector_load %arg13[%swap3A_243, %swap3A_244] {strides = array<i32>} : memref<6x32xf32, #tpu.memory_space<vmem>>, vector<16xf32>,
      tpu.vector_store %arg13[%swap3A_243, %swap3A_244], %parallel_loop3A_221#5 {strides = array<i32>} : memref<6x32xf32, #tpu.memory_space<vmem>>, vector<16xf32>,
      %mul3A_246 = arith.constant 16 : i32
      %mul3A_247 = arith.muli %arg1, %mul3A_246 : i32
      %run_scoped3A_248 = arith.constant 0 : i32
      %run_scoped3A_249 = arith.constant 0 : i32
      "tpu.region"() ({
        %run_scoped3A_270 = tpu.sem_alloc : memref<!tpu.dma_semaphore, #tpu.memory_space<semaphore_mem>>
        %dma_start3A_271 = arith.constant 0 : i32
        %dma_start3A_272 = tpu.memref_slice %arg13[%run_scoped3A_248, %dma_start3A_271] : memref<6x32xf32, #tpu.memory_space<vmem>> -> memref<1x16xf32, #tpu.memory_space<vmem>>
        %dma_start3A_273 = tpu.memref_squeeze %dma_start3A_272 : memref<1x16xf32, #tpu.memory_space<vmem>> -> memref<16xf32, #tpu.memory_space<vmem>>
        %dma_start3A_274 = tpu.memref_slice %arg16[%run_scoped3A_249, %mul3A_247] : memref<6x64xf32, #tpu.memory_space<vmem_shared>> -> memref<1x16xf32, #tpu.memory_space<vmem_shared>>
        %dma_start3A_275 = tpu.memref_squeeze %dma_start3A_274 : memref<1x16xf32, #tpu.memory_space<vmem_shared>> -> memref<16xf32, #tpu.memory_space<vmem_shared>>
        %dma_start3A_276 = tpu.memref_slice %arg16[%run_scoped3A_249, %mul3A_247] : memref<6x64xf32, #tpu.memory_space<vmem_shared>> -> memref<1x16xf32, #tpu.memory_space<vmem_shared>>
        %dma_start3A_277 = tpu.memref_squeeze %dma_start3A_276 : memref<1x16xf32, #tpu.memory_space<vmem_shared>> -> memref<16xf32, #tpu.memory_space<vmem_shared>>
        %dma_start3A_278 = arith.constant 0 : i32
        %dma_start3A_279 = tpu.memref_slice %arg13[%run_scoped3A_248, %dma_start3A_278] : memref<6x32xf32, #tpu.memory_space<vmem>> -> memref<1x16xf32, #tpu.memory_space<vmem>>
        %dma_start3A_280 = tpu.memref_squeeze %dma_start3A_279 : memref<1x16xf32, #tpu.memory_space<vmem>> -> memref<16xf32, #tpu.memory_space<vmem>>
        tpu.enqueue_dma source(%dma_start3A_280 : memref<16xf32, #tpu.memory_space<vmem>>) target(%dma_start3A_277 : memref<16xf32, #tpu.memory_space<vmem_shared>>) target_semaphore(%run_scoped3A_270 : memref<!tpu.dma_semaphore, #tpu.memory_space<semaphore_mem>>)
        %dma_wait3A_281 = arith.constant 0 : i32
        %dma_wait3A_282 = tpu.memref_slice %arg13[%run_scoped3A_248, %dma_wait3A_281] : memref<6x32xf32, #tpu.memory_space<vmem>> -> memref<1x16xf32, #tpu.memory_space<vmem>>
        %dma_wait3A_283 = tpu.memref_squeeze %dma_wait3A_282 : memref<1x16xf32, #tpu.memory_space<vmem>> -> memref<16xf32, #tpu.memory_space<vmem>>
        %dma_wait3A_284 = tpu.memref_slice %arg16[%run_scoped3A_249, %mul3A_247] : memref<6x64xf32, #tpu.memory_space<vmem_shared>> -> memref<1x16xf32, #tpu.memory_space<vmem_shared>>
        %dma_wait3A_285 = tpu.memref_squeeze %dma_wait3A_284 : memref<1x16xf32, #tpu.memory_space<vmem_shared>> -> memref<16xf32, #tpu.memory_space<vmem_shared>>
        %dma_wait3A_286 = tpu.memref_slice %arg16[%run_scoped3A_249, %mul3A_247] : memref<6x64xf32, #tpu.memory_space<vmem_shared>> -> memref<1x16xf32, #tpu.memory_space<vmem_shared>>
        %dma_wait3A_287 = tpu.memref_squeeze %dma_wait3A_286 : memref<1x16xf32, #tpu.memory_space<vmem_shared>> -> memref<16xf32, #tpu.memory_space<vmem_shared>>
        %dma_wait3A_288 = arith.constant 0 : i32
        %dma_wait3A_289 = tpu.memref_slice %arg13[%run_scoped3A_248, %dma_wait3A_288] : memref<6x32xf32, #tpu.memory_space<vmem>> -> memref<1x16xf32, #tpu.memory_space<vmem>>
        %dma_wait3A_290 = tpu.memref_squeeze %dma_wait3A_289 : memref<1x16xf32, #tpu.memory_space<vmem>> -> memref<16xf32, #tpu.memory_space<vmem>>
        tpu.wait_dma2 semaphore(%run_scoped3A_270 : memref<!tpu.dma_semaphore, #tpu.memory_space<semaphore_mem>>) src(%dma_wait3A_290 : memref<16xf32, #tpu.memory_space<vmem>>) dst(%dma_wait3A_287 : memref<16xf32, #tpu.memory_space<vmem_shared>>)
        tpu.yield
      }) : () -> ()
      %mul3A_250 = arith.constant 16 : i32
      %mul3A_251 = arith.muli %arg1, %mul3A_250 : i32
      %run_scoped3A_252 = arith.constant 1 : i32
      %run_scoped3A_253 = arith.constant 1 : i32
      "tpu.region"() ({
        %run_scoped3A_270 = tpu.sem_alloc : memref<!tpu.dma_semaphore, #tpu.memory_space<semaphore_mem>>
        %dma_start3A_271 = arith.constant 0 : i32
        %dma_start3A_272 = tpu.memref_slice %arg13[%run_scoped3A_252, %dma_start3A_271] : memref<6x32xf32, #tpu.memory_space<vmem>> -> memref<1x16xf32, #tpu.memory_space<vmem>>
        %dma_start3A_273 = tpu.memref_squeeze %dma_start3A_272 : memref<1x16xf32, #tpu.memory_space<vmem>> -> memref<16xf32, #tpu.memory_space<vmem>>
        %dma_start3A_274 = tpu.memref_slice %arg16[%run_scoped3A_253, %mul3A_251] : memref<6x64xf32, #tpu.memory_space<vmem_shared>> -> memref<1x16xf32, #tpu.memory_space<vmem_shared>>
        %dma_start3A_275 = tpu.memref_squeeze %dma_start3A_274 : memref<1x16xf32, #tpu.memory_space<vmem_shared>> -> memref<16xf32, #tpu.memory_space<vmem_shared>>
        %dma_start3A_276 = tpu.memref_slice %arg16[%run_scoped3A_253, %mul3A_251] : memref<6x64xf32, #tpu.memory_space<vmem_shared>> -> memref<1x16xf32, #tpu.memory_space<vmem_shared>>
        %dma_start3A_277 = tpu.memref_squeeze %dma_start3A_276 : memref<1x16xf32, #tpu.memory_space<vmem_shared>> -> memref<16xf32, #tpu.memory_space<vmem_shared>>
        %dma_start3A_278 = arith.constant 0 : i32
        %dma_start3A_279 = tpu.memref_slice %arg13[%run_scoped3A_252, %dma_start3A_278] : memref<6x32xf32, #tpu.memory_space<vmem>> -> memref<1x16xf32, #tpu.memory_space<vmem>>
        %dma_start3A_280 = tpu.memref_squeeze %dma_start3A_279 : memref<1x16xf32, #tpu.memory_space<vmem>> -> memref<16xf32, #tpu.memory_space<vmem>>
        tpu.enqueue_dma source(%dma_start3A_280 : memref<16xf32, #tpu.memory_space<vmem>>) target(%dma_start3A_277 : memref<16xf32, #tpu.memory_space<vmem_shared>>) target_semaphore(%run_scoped3A_270 : memref<!tpu.dma_semaphore, #tpu.memory_space<semaphore_mem>>)
        %dma_wait3A_281 = arith.constant 0 : i32
        %dma_wait3A_282 = tpu.memref_slice %arg13[%run_scoped3A_252, %dma_wait3A_281] : memref<6x32xf32, #tpu.memory_space<vmem>> -> memref<1x16xf32, #tpu.memory_space<vmem>>
        %dma_wait3A_283 = tpu.memref_squeeze %dma_wait3A_282 : memref<1x16xf32, #tpu.memory_space<vmem>> -> memref<16xf32, #tpu.memory_space<vmem>>
        %dma_wait3A_284 = tpu.memref_slice %arg16[%run_scoped3A_253, %mul3A_251] : memref<6x64xf32, #tpu.memory_space<vmem_shared>> -> memref<1x16xf32, #tpu.memory_space<vmem_shared>>
        %dma_wait3A_285 = tpu.memref_squeeze %dma_wait3A_284 : memref<1x16xf32, #tpu.memory_space<vmem_shared>> -> memref<16xf32, #tpu.memory_space<vmem_shared>>
        %dma_wait3A_286 = tpu.memref_slice %arg16[%run_scoped3A_253, %mul3A_251] : memref<6x64xf32, #tpu.memory_space<vmem_shared>> -> memref<1x16xf32, #tpu.memory_space<vmem_shared>>
        %dma_wait3A_287 = tpu.memref_squeeze %dma_wait3A_286 : memref<1x16xf32, #tpu.memory_space<vmem_shared>> -> memref<16xf32, #tpu.memory_space<vmem_shared>>
        %dma_wait3A_288 = arith.constant 0 : i32
        %dma_wait3A_289 = tpu.memref_slice %arg13[%run_scoped3A_252, %dma_wait3A_288] : memref<6x32xf32, #tpu.memory_space<vmem>> -> memref<1x16xf32, #tpu.memory_space<vmem>>
        %dma_wait3A_290 = tpu.memref_squeeze %dma_wait3A_289 : memref<1x16xf32, #tpu.memory_space<vmem>> -> memref<16xf32, #tpu.memory_space<vmem>>
        tpu.wait_dma2 semaphore(%run_scoped3A_270 : memref<!tpu.dma_semaphore, #tpu.memory_space<semaphore_mem>>) src(%dma_wait3A_290 : memref<16xf32, #tpu.memory_space<vmem>>) dst(%dma_wait3A_287 : memref<16xf32, #tpu.memory_space<vmem_shared>>)
        tpu.yield
      }) : () -> ()
      %mul3A_254 = arith.constant 16 : i32
      %mul3A_255 = arith.muli %arg1, %mul3A_254 : i32
      %run_scoped3A_256 = arith.constant 2 : i32
      %run_scoped3A_257 = arith.constant 2 : i32
      "tpu.region"() ({
        %run_scoped3A_270 = tpu.sem_alloc : memref<!tpu.dma_semaphore, #tpu.memory_space<semaphore_mem>>
        %dma_start3A_271 = arith.constant 0 : i32
        %dma_start3A_272 = tpu.memref_slice %arg13[%run_scoped3A_256, %dma_start3A_271] : memref<6x32xf32, #tpu.memory_space<vmem>> -> memref<1x16xf32, #tpu.memory_space<vmem>>
        %dma_start3A_273 = tpu.memref_squeeze %dma_start3A_272 : memref<1x16xf32, #tpu.memory_space<vmem>> -> memref<16xf32, #tpu.memory_space<vmem>>
        %dma_start3A_274 = tpu.memref_slice %arg16[%run_scoped3A_257, %mul3A_255] : memref<6x64xf32, #tpu.memory_space<vmem_shared>> -> memref<1x16xf32, #tpu.memory_space<vmem_shared>>
        %dma_start3A_275 = tpu.memref_squeeze %dma_start3A_274 : memref<1x16xf32, #tpu.memory_space<vmem_shared>> -> memref<16xf32, #tpu.memory_space<vmem_shared>>
        %dma_start3A_276 = tpu.memref_slice %arg16[%run_scoped3A_257, %mul3A_255] : memref<6x64xf32, #tpu.memory_space<vmem_shared>> -> memref<1x16xf32, #tpu.memory_space<vmem_shared>>
        %dma_start3A_277 = tpu.memref_squeeze %dma_start3A_276 : memref<1x16xf32, #tpu.memory_space<vmem_shared>> -> memref<16xf32, #tpu.memory_space<vmem_shared>>
        %dma_start3A_278 = arith.constant 0 : i32
        %dma_start3A_279 = tpu.memref_slice %arg13[%run_scoped3A_256, %dma_start3A_278] : memref<6x32xf32, #tpu.memory_space<vmem>> -> memref<1x16xf32, #tpu.memory_space<vmem>>
        %dma_start3A_280 = tpu.memref_squeeze %dma_start3A_279 : memref<1x16xf32, #tpu.memory_space<vmem>> -> memref<16xf32, #tpu.memory_space<vmem>>
        tpu.enqueue_dma source(%dma_start3A_280 : memref<16xf32, #tpu.memory_space<vmem>>) target(%dma_start3A_277 : memref<16xf32, #tpu.memory_space<vmem_shared>>) target_semaphore(%run_scoped3A_270 : memref<!tpu.dma_semaphore, #tpu.memory_space<semaphore_mem>>)
        %dma_wait3A_281 = arith.constant 0 : i32
        %dma_wait3A_282 = tpu.memref_slice %arg13[%run_scoped3A_256, %dma_wait3A_281] : memref<6x32xf32, #tpu.memory_space<vmem>> -> memref<1x16xf32, #tpu.memory_space<vmem>>
        %dma_wait3A_283 = tpu.memref_squeeze %dma_wait3A_282 : memref<1x16xf32, #tpu.memory_space<vmem>> -> memref<16xf32, #tpu.memory_space<vmem>>
        %dma_wait3A_284 = tpu.memref_slice %arg16[%run_scoped3A_257, %mul3A_255] : memref<6x64xf32, #tpu.memory_space<vmem_shared>> -> memref<1x16xf32, #tpu.memory_space<vmem_shared>>
        %dma_wait3A_285 = tpu.memref_squeeze %dma_wait3A_284 : memref<1x16xf32, #tpu.memory_space<vmem_shared>> -> memref<16xf32, #tpu.memory_space<vmem_shared>>
        %dma_wait3A_286 = tpu.memref_slice %arg16[%run_scoped3A_257, %mul3A_255] : memref<6x64xf32, #tpu.memory_space<vmem_shared>> -> memref<1x16xf32, #tpu.memory_space<vmem_shared>>
        %dma_wait3A_287 = tpu.memref_squeeze %dma_wait3A_286 : memref<1x16xf32, #tpu.memory_space<vmem_shared>> -> memref<16xf32, #tpu.memory_space<vmem_shared>>
        %dma_wait3A_288 = arith.constant 0 : i32
        %dma_wait3A_289 = tpu.memref_slice %arg13[%run_scoped3A_256, %dma_wait3A_288] : memref<6x32xf32, #tpu.memory_space<vmem>> -> memref<1x16xf32, #tpu.memory_space<vmem>>
        %dma_wait3A_290 = tpu.memref_squeeze %dma_wait3A_289 : memref<1x16xf32, #tpu.memory_space<vmem>> -> memref<16xf32, #tpu.memory_space<vmem>>
        tpu.wait_dma2 semaphore(%run_scoped3A_270 : memref<!tpu.dma_semaphore, #tpu.memory_space<semaphore_mem>>) src(%dma_wait3A_290 : memref<16xf32, #tpu.memory_space<vmem>>) dst(%dma_wait3A_287 : memref<16xf32, #tpu.memory_space<vmem_shared>>)
        tpu.yield
      }) : () -> ()
      %mul3A_258 = arith.constant 16 : i32
      %mul3A_259 = arith.muli %arg1, %mul3A_258 : i32
      %run_scoped3A_260 = arith.constant 3 : i32
      %run_scoped3A_261 = arith.constant 3 : i32
      "tpu.region"() ({
        %run_scoped3A_270 = tpu.sem_alloc : memref<!tpu.dma_semaphore, #tpu.memory_space<semaphore_mem>>
        %dma_start3A_271 = arith.constant 0 : i32
        %dma_start3A_272 = tpu.memref_slice %arg13[%run_scoped3A_260, %dma_start3A_271] : memref<6x32xf32, #tpu.memory_space<vmem>> -> memref<1x16xf32, #tpu.memory_space<vmem>>
        %dma_start3A_273 = tpu.memref_squeeze %dma_start3A_272 : memref<1x16xf32, #tpu.memory_space<vmem>> -> memref<16xf32, #tpu.memory_space<vmem>>
        %dma_start3A_274 = tpu.memref_slice %arg16[%run_scoped3A_261, %mul3A_259] : memref<6x64xf32, #tpu.memory_space<vmem_shared>> -> memref<1x16xf32, #tpu.memory_space<vmem_shared>>
        %dma_start3A_275 = tpu.memref_squeeze %dma_start3A_274 : memref<1x16xf32, #tpu.memory_space<vmem_shared>> -> memref<16xf32, #tpu.memory_space<vmem_shared>>
        %dma_start3A_276 = tpu.memref_slice %arg16[%run_scoped3A_261, %mul3A_259] : memref<6x64xf32, #tpu.memory_space<vmem_shared>> -> memref<1x16xf32, #tpu.memory_space<vmem_shared>>
        %dma_start3A_277 = tpu.memref_squeeze %dma_start3A_276 : memref<1x16xf32, #tpu.memory_space<vmem_shared>> -> memref<16xf32, #tpu.memory_space<vmem_shared>>
        %dma_start3A_278 = arith.constant 0 : i32
        %dma_start3A_279 = tpu.memref_slice %arg13[%run_scoped3A_260, %dma_start3A_278] : memref<6x32xf32, #tpu.memory_space<vmem>> -> memref<1x16xf32, #tpu.memory_space<vmem>>
        %dma_start3A_280 = tpu.memref_squeeze %dma_start3A_279 : memref<1x16xf32, #tpu.memory_space<vmem>> -> memref<16xf32, #tpu.memory_space<vmem>>
        tpu.enqueue_dma source(%dma_start3A_280 : memref<16xf32, #tpu.memory_space<vmem>>) target(%dma_start3A_277 : memref<16xf32, #tpu.memory_space<vmem_shared>>) target_semaphore(%run_scoped3A_270 : memref<!tpu.dma_semaphore, #tpu.memory_space<semaphore_mem>>)
        %dma_wait3A_281 = arith.constant 0 : i32
        %dma_wait3A_282 = tpu.memref_slice %arg13[%run_scoped3A_260, %dma_wait3A_281] : memref<6x32xf32, #tpu.memory_space<vmem>> -> memref<1x16xf32, #tpu.memory_space<vmem>>
        %dma_wait3A_283 = tpu.memref_squeeze %dma_wait3A_282 : memref<1x16xf32, #tpu.memory_space<vmem>> -> memref<16xf32, #tpu.memory_space<vmem>>
        %dma_wait3A_284 = tpu.memref_slice %arg16[%run_scoped3A_261, %mul3A_259] : memref<6x64xf32, #tpu.memory_space<vmem_shared>> -> memref<1x16xf32, #tpu.memory_space<vmem_shared>>
        %dma_wait3A_285 = tpu.memref_squeeze %dma_wait3A_284 : memref<1x16xf32, #tpu.memory_space<vmem_shared>> -> memref<16xf32, #tpu.memory_space<vmem_shared>>
        %dma_wait3A_286 = tpu.memref_slice %arg16[%run_scoped3A_261, %mul3A_259] : memref<6x64xf32, #tpu.memory_space<vmem_shared>> -> memref<1x16xf32, #tpu.memory_space<vmem_shared>>
        %dma_wait3A_287 = tpu.memref_squeeze %dma_wait3A_286 : memref<1x16xf32, #tpu.memory_space<vmem_shared>> -> memref<16xf32, #tpu.memory_space<vmem_shared>>
        %dma_wait3A_288 = arith.constant 0 : i32
        %dma_wait3A_289 = tpu.memref_slice %arg13[%run_scoped3A_260, %dma_wait3A_288] : memref<6x32xf32, #tpu.memory_space<vmem>> -> memref<1x16xf32, #tpu.memory_space<vmem>>
        %dma_wait3A_290 = tpu.memref_squeeze %dma_wait3A_289 : memref<1x16xf32, #tpu.memory_space<vmem>> -> memref<16xf32, #tpu.memory_space<vmem>>
        tpu.wait_dma2 semaphore(%run_scoped3A_270 : memref<!tpu.dma_semaphore, #tpu.memory_space<semaphore_mem>>) src(%dma_wait3A_290 : memref<16xf32, #tpu.memory_space<vmem>>) dst(%dma_wait3A_287 : memref<16xf32, #tpu.memory_space<vmem_shared>>)
        tpu.yield
      }) : () -> ()
      %mul3A_262 = arith.constant 16 : i32
      %mul3A_263 = arith.muli %arg1, %mul3A_262 : i32
      %run_scoped3A_264 = arith.constant 4 : i32
      %run_scoped3A_265 = arith.constant 4 : i32
      "tpu.region"() ({
        %run_scoped3A_270 = tpu.sem_alloc : memref<!tpu.dma_semaphore, #tpu.memory_space<semaphore_mem>>
        %dma_start3A_271 = arith.constant 0 : i32
        %dma_start3A_272 = tpu.memref_slice %arg13[%run_scoped3A_264, %dma_start3A_271] : memref<6x32xf32, #tpu.memory_space<vmem>> -> memref<1x16xf32, #tpu.memory_space<vmem>>
        %dma_start3A_273 = tpu.memref_squeeze %dma_start3A_272 : memref<1x16xf32, #tpu.memory_space<vmem>> -> memref<16xf32, #tpu.memory_space<vmem>>
        %dma_start3A_274 = tpu.memref_slice %arg16[%run_scoped3A_265, %mul3A_263] : memref<6x64xf32, #tpu.memory_space<vmem_shared>> -> memref<1x16xf32, #tpu.memory_space<vmem_shared>>
        %dma_start3A_275 = tpu.memref_squeeze %dma_start3A_274 : memref<1x16xf32, #tpu.memory_space<vmem_shared>> -> memref<16xf32, #tpu.memory_space<vmem_shared>>
        %dma_start3A_276 = tpu.memref_slice %arg16[%run_scoped3A_265, %mul3A_263] : memref<6x64xf32, #tpu.memory_space<vmem_shared>> -> memref<1x16xf32, #tpu.memory_space<vmem_shared>>
        %dma_start3A_277 = tpu.memref_squeeze %dma_start3A_276 : memref<1x16xf32, #tpu.memory_space<vmem_shared>> -> memref<16xf32, #tpu.memory_space<vmem_shared>>
        %dma_start3A_278 = arith.constant 0 : i32
        %dma_start3A_279 = tpu.memref_slice %arg13[%run_scoped3A_264, %dma_start3A_278] : memref<6x32xf32, #tpu.memory_space<vmem>> -> memref<1x16xf32, #tpu.memory_space<vmem>>
        %dma_start3A_280 = tpu.memref_squeeze %dma_start3A_279 : memref<1x16xf32, #tpu.memory_space<vmem>> -> memref<16xf32, #tpu.memory_space<vmem>>
        tpu.enqueue_dma source(%dma_start3A_280 : memref<16xf32, #tpu.memory_space<vmem>>) target(%dma_start3A_277 : memref<16xf32, #tpu.memory_space<vmem_shared>>) target_semaphore(%run_scoped3A_270 : memref<!tpu.dma_semaphore, #tpu.memory_space<semaphore_mem>>)
        %dma_wait3A_281 = arith.constant 0 : i32
        %dma_wait3A_282 = tpu.memref_slice %arg13[%run_scoped3A_264, %dma_wait3A_281] : memref<6x32xf32, #tpu.memory_space<vmem>> -> memref<1x16xf32, #tpu.memory_space<vmem>>
        %dma_wait3A_283 = tpu.memref_squeeze %dma_wait3A_282 : memref<1x16xf32, #tpu.memory_space<vmem>> -> memref<16xf32, #tpu.memory_space<vmem>>
        %dma_wait3A_284 = tpu.memref_slice %arg16[%run_scoped3A_265, %mul3A_263] : memref<6x64xf32, #tpu.memory_space<vmem_shared>> -> memref<1x16xf32, #tpu.memory_space<vmem_shared>>
        %dma_wait3A_285 = tpu.memref_squeeze %dma_wait3A_284 : memref<1x16xf32, #tpu.memory_space<vmem_shared>> -> memref<16xf32, #tpu.memory_space<vmem_shared>>
        %dma_wait3A_286 = tpu.memref_slice %arg16[%run_scoped3A_265, %mul3A_263] : memref<6x64xf32, #tpu.memory_space<vmem_shared>> -> memref<1x16xf32, #tpu.memory_space<vmem_shared>>
        %dma_wait3A_287 = tpu.memref_squeeze %dma_wait3A_286 : memref<1x16xf32, #tpu.memory_space<vmem_shared>> -> memref<16xf32, #tpu.memory_space<vmem_shared>>
        %dma_wait3A_288 = arith.constant 0 : i32
        %dma_wait3A_289 = tpu.memref_slice %arg13[%run_scoped3A_264, %dma_wait3A_288] : memref<6x32xf32, #tpu.memory_space<vmem>> -> memref<1x16xf32, #tpu.memory_space<vmem>>
        %dma_wait3A_290 = tpu.memref_squeeze %dma_wait3A_289 : memref<1x16xf32, #tpu.memory_space<vmem>> -> memref<16xf32, #tpu.memory_space<vmem>>
        tpu.wait_dma2 semaphore(%run_scoped3A_270 : memref<!tpu.dma_semaphore, #tpu.memory_space<semaphore_mem>>) src(%dma_wait3A_290 : memref<16xf32, #tpu.memory_space<vmem>>) dst(%dma_wait3A_287 : memref<16xf32, #tpu.memory_space<vmem_shared>>)
        tpu.yield
      }) : () -> ()
      %mul3A_266 = arith.constant 16 : i32
      %mul3A_267 = arith.muli %arg1, %mul3A_266 : i32
      %run_scoped3A_268 = arith.constant 5 : i32
      %run_scoped3A_269 = arith.constant 5 : i32
      "tpu.region"() ({
        %run_scoped3A_270 = tpu.sem_alloc : memref<!tpu.dma_semaphore, #tpu.memory_space<semaphore_mem>>
        %dma_start3A_271 = arith.constant 0 : i32
        %dma_start3A_272 = tpu.memref_slice %arg13[%run_scoped3A_268, %dma_start3A_271] : memref<6x32xf32, #tpu.memory_space<vmem>> -> memref<1x16xf32, #tpu.memory_space<vmem>>
        %dma_start3A_273 = tpu.memref_squeeze %dma_start3A_272 : memref<1x16xf32, #tpu.memory_space<vmem>> -> memref<16xf32, #tpu.memory_space<vmem>>
        %dma_start3A_274 = tpu.memref_slice %arg16[%run_scoped3A_269, %mul3A_267] : memref<6x64xf32, #tpu.memory_space<vmem_shared>> -> memref<1x16xf32, #tpu.memory_space<vmem_shared>>
        %dma_start3A_275 = tpu.memref_squeeze %dma_start3A_274 : memref<1x16xf32, #tpu.memory_space<vmem_shared>> -> memref<16xf32, #tpu.memory_space<vmem_shared>>
        %dma_start3A_276 = tpu.memref_slice %arg16[%run_scoped3A_269, %mul3A_267] : memref<6x64xf32, #tpu.memory_space<vmem_shared>> -> memref<1x16xf32, #tpu.memory_space<vmem_shared>>
        %dma_start3A_277 = tpu.memref_squeeze %dma_start3A_276 : memref<1x16xf32, #tpu.memory_space<vmem_shared>> -> memref<16xf32, #tpu.memory_space<vmem_shared>>
        %dma_start3A_278 = arith.constant 0 : i32
        %dma_start3A_279 = tpu.memref_slice %arg13[%run_scoped3A_268, %dma_start3A_278] : memref<6x32xf32, #tpu.memory_space<vmem>> -> memref<1x16xf32, #tpu.memory_space<vmem>>
        %dma_start3A_280 = tpu.memref_squeeze %dma_start3A_279 : memref<1x16xf32, #tpu.memory_space<vmem>> -> memref<16xf32, #tpu.memory_space<vmem>>
        tpu.enqueue_dma source(%dma_start3A_280 : memref<16xf32, #tpu.memory_space<vmem>>) target(%dma_start3A_277 : memref<16xf32, #tpu.memory_space<vmem_shared>>) target_semaphore(%run_scoped3A_270 : memref<!tpu.dma_semaphore, #tpu.memory_space<semaphore_mem>>)
        %dma_wait3A_281 = arith.constant 0 : i32
        %dma_wait3A_282 = tpu.memref_slice %arg13[%run_scoped3A_268, %dma_wait3A_281] : memref<6x32xf32, #tpu.memory_space<vmem>> -> memref<1x16xf32, #tpu.memory_space<vmem>>
        %dma_wait3A_283 = tpu.memref_squeeze %dma_wait3A_282 : memref<1x16xf32, #tpu.memory_space<vmem>> -> memref<16xf32, #tpu.memory_space<vmem>>
        %dma_wait3A_284 = tpu.memref_slice %arg16[%run_scoped3A_269, %mul3A_267] : memref<6x64xf32, #tpu.memory_space<vmem_shared>> -> memref<1x16xf32, #tpu.memory_space<vmem_shared>>
        %dma_wait3A_285 = tpu.memref_squeeze %dma_wait3A_284 : memref<1x16xf32, #tpu.memory_space<vmem_shared>> -> memref<16xf32, #tpu.memory_space<vmem_shared>>
        %dma_wait3A_286 = tpu.memref_slice %arg16[%run_scoped3A_269, %mul3A_267] : memref<6x64xf32, #tpu.memory_space<vmem_shared>> -> memref<1x16xf32, #tpu.memory_space<vmem_shared>>
        %dma_wait3A_287 = tpu.memref_squeeze %dma_wait3A_286 : memref<1x16xf32, #tpu.memory_space<vmem_shared>> -> memref<16xf32, #tpu.memory_space<vmem_shared>>
        %dma_wait3A_288 = arith.constant 0 : i32
        %dma_wait3A_289 = tpu.memref_slice %arg13[%run_scoped3A_268, %dma_wait3A_288] : memref<6x32xf32, #tpu.memory_space<vmem>> -> memref<1x16xf32, #tpu.memory_space<vmem>>
        %dma_wait3A_290 = tpu.memref_squeeze %dma_wait3A_289 : memref<1x16xf32, #tpu.memory_space<vmem>> -> memref<16xf32, #tpu.memory_space<vmem>>
        tpu.wait_dma2 semaphore(%run_scoped3A_270 : memref<!tpu.dma_semaphore, #tpu.memory_space<semaphore_mem>>) src(%dma_wait3A_290 : memref<16xf32, #tpu.memory_space<vmem>>) dst(%dma_wait3A_287 : memref<16xf32, #tpu.memory_space<vmem_shared>>)
        tpu.yield
      }) : () -> ()
    } else {
    }
    %dma_wait3A_126 = arith.constant 0 : i32
    %dma_wait3A_127 = tpu.memref_slice %arg2[%dma_wait3A_126, %mul3A_2] : memref<5x16384xf32, #tpu.memory_space<hbm>> -> memref<5x512xf32, #tpu.memory_space<hbm>>
    %dma_wait3A_128 = arith.constant 0 : i32
    %dma_wait3A_129 = tpu.memref_slice %arg2[%dma_wait3A_128, %mul3A_2] : memref<5x16384xf32, #tpu.memory_space<hbm>> -> memref<5x512xf32, #tpu.memory_space<hbm>>
    tpu.wait_dma2 semaphore(%arg20 : memref<!tpu.dma_semaphore, #tpu.memory_space<semaphore_mem>>) src(%dma_wait3A_129 : memref<5x512xf32, #tpu.memory_space<hbm>>) dst(%arg8 : memref<5x512xf32, #tpu.memory_space<vmem>>)
    %broadcast_in_dim3A_130 = arith.constant 0.999878764 : f32
    %broadcast_in_dim3A_131 = vector.broadcast %broadcast_in_dim3A_130 : f32 to vector<16xf32>
    %broadcast_in_dim3A_132 = arith.constant -0.330405563 : f32
    %broadcast_in_dim3A_133 = vector.broadcast %broadcast_in_dim3A_132 : f32 to vector<16xf32>
    %broadcast_in_dim3A_134 = arith.constant 0.18041268 : f32
    %broadcast_in_dim3A_135 = vector.broadcast %broadcast_in_dim3A_134 : f32 to vector<16xf32>
    %broadcast_in_dim3A_136 = arith.constant -0.0854083076 : f32
    %broadcast_in_dim3A_137 = vector.broadcast %broadcast_in_dim3A_136 : f32 to vector<16xf32>
    %broadcast_in_dim3A_138 = arith.constant 0.020931812 : f32
    %broadcast_in_dim3A_139 = vector.broadcast %broadcast_in_dim3A_138 : f32 to vector<16xf32>
    %broadcast_in_dim3A_140 = arith.constant 1.00001442 : f32
    %broadcast_in_dim3A_141 = vector.broadcast %broadcast_in_dim3A_140 : f32 to vector<16xf32>
    %broadcast_in_dim3A_142 = arith.constant -0.499844044 : f32
    %broadcast_in_dim3A_143 = vector.broadcast %broadcast_in_dim3A_142 : f32 to vector<16xf32>
    %broadcast_in_dim3A_144 = arith.constant 0.33224234 : f32
    %broadcast_in_dim3A_145 = vector.broadcast %broadcast_in_dim3A_144 : f32 to vector<16xf32>
    %broadcast_in_dim3A_146 = arith.constant -0.254872978 : f32
    %broadcast_in_dim3A_147 = vector.broadcast %broadcast_in_dim3A_146 : f32 to vector<16xf32>
    %broadcast_in_dim3A_148 = arith.constant 0.223252654 : f32
    %broadcast_in_dim3A_149 = vector.broadcast %broadcast_in_dim3A_148 : f32 to vector<16xf32>
    %broadcast_in_dim3A_150 = arith.constant -0.142301932 : f32
    %broadcast_in_dim3A_151 = vector.broadcast %broadcast_in_dim3A_150 : f32 to vector<16xf32>
    %broadcast_in_dim3A_152 = arith.constant 1.000000e-35 : f32
    %broadcast_in_dim3A_153 = vector.broadcast %broadcast_in_dim3A_152 : f32 to vector<16xf32>
    %broadcast_in_dim3A_154 = arith.constant 1597463007 : i32
    %broadcast_in_dim3A_155 = vector.broadcast %broadcast_in_dim3A_154 : i32 to vector<16xi32>
    %broadcast_in_dim3A_156 = arith.constant 1.500000e+00 : f32
    %broadcast_in_dim3A_157 = vector.broadcast %broadcast_in_dim3A_156 : f32 to vector<16xf32>
    %broadcast_in_dim3A_158 = arith.constant 5.000000e-01 : f32
    %broadcast_in_dim3A_159 = vector.broadcast %broadcast_in_dim3A_158 : f32 to vector<16xf32>
    %broadcast_in_dim3A_160 = arith.constant 2.000000e-01 : f32
    %broadcast_in_dim3A_161 = vector.broadcast %broadcast_in_dim3A_160 : f32 to vector<16xf32>
    %broadcast_in_dim3A_162 = arith.constant 1.57079637 : f32
    %broadcast_in_dim3A_163 = vector.broadcast %broadcast_in_dim3A_162 : f32 to vector<16xf32>
    %broadcast_in_dim3A_164 = arith.constant 3.14159274 : f32
    %broadcast_in_dim3A_165 = vector.broadcast %broadcast_in_dim3A_164 : f32 to vector<16xf32>
    %broadcast_in_dim3A_166 = arith.constant 57.2957802 : f32
    %broadcast_in_dim3A_167 = vector.broadcast %broadcast_in_dim3A_166 : f32 to vector<16xf32>
    %broadcast_in_dim3A_168 = arith.constant 9.000000e+01 : f32
    %broadcast_in_dim3A_169 = vector.broadcast %broadcast_in_dim3A_168 : f32 to vector<16xf32>
    %broadcast_in_dim3A_170 = arith.constant 3.600000e+02 : f32
    %broadcast_in_dim3A_171 = vector.broadcast %broadcast_in_dim3A_170 : f32 to vector<16xf32>
    %broadcast_in_dim3A_172 = arith.constant 0.00277777785 : f32
    %broadcast_in_dim3A_173 = vector.broadcast %broadcast_in_dim3A_172 : f32 to vector<16xf32>
    %broadcast_in_dim3A_174 = arith.constant 0.13333334 : f32
    %broadcast_in_dim3A_175 = vector.broadcast %broadcast_in_dim3A_174 : f32 to vector<16xf32>
    %broadcast_in_dim3A_176 = arith.constant 0.000000e+00 : f32
    %broadcast_in_dim3A_177 = vector.broadcast %broadcast_in_dim3A_176 : f32 to vector<16xf32>
    %broadcast_in_dim3A_178 = arith.constant 1.000000e+00 : f32
    %broadcast_in_dim3A_179 = vector.broadcast %broadcast_in_dim3A_178 : f32 to vector<16xf32>
    %broadcast_in_dim3A_180 = arith.constant 0.693147182 : f32
    %broadcast_in_dim3A_181 = vector.broadcast %broadcast_in_dim3A_180 : f32 to vector<16xf32>
    %broadcast_in_dim3A_182 = arith.constant 1.41421354 : f32
    %broadcast_in_dim3A_183 = vector.broadcast %broadcast_in_dim3A_182 : f32 to vector<16xf32>
    %broadcast_in_dim3A_184 = arith.constant 127 : i32
    %broadcast_in_dim3A_185 = vector.broadcast %broadcast_in_dim3A_184 : i32 to vector<16xi32>
    %broadcast_in_dim3A_186 = arith.constant 8388607 : i32
    %broadcast_in_dim3A_187 = vector.broadcast %broadcast_in_dim3A_186 : i32 to vector<16xi32>
    %broadcast_in_dim3A_188 = arith.constant 1065353216 : i32
    %broadcast_in_dim3A_189 = vector.broadcast %broadcast_in_dim3A_188 : i32 to vector<16xi32>
    %broadcast_in_dim3A_190 = arith.constant 63 : i32
    %broadcast_in_dim3A_191 = vector.broadcast %broadcast_in_dim3A_190 : i32 to vector<16xi32>
    %parallel_loop3A_192 = arith.constant 0 : i32
    %parallel_loop3A_193 = arith.constant 32 : i32
    %parallel_loop3A_194 = arith.constant 1 : i32
    scf.for %parallel_loop3A_198 = %parallel_loop3A_192 to %parallel_loop3A_193 step %parallel_loop3A_194  : i32 {
      %parallel_loop3A_199 = arith.constant 16 : i32
      %parallel_loop3A_200 = arith.muli %parallel_loop3A_198, %parallel_loop3A_199 : i32
      %parallel_loop3A_201 = arith.constant 0 : i32
      %parallel_loop3A_202 = arith.index_cast %parallel_loop3A_201 : i32 to index
      %parallel_loop3A_203 = arith.index_cast %parallel_loop3A_200 : i32 to index
      %parallel_loop3A_204 = tpu.vector_load %arg8[%parallel_loop3A_202, %parallel_loop3A_203] {strides = array<i32>} : memref<5x512xf32, #tpu.memory_space<vmem>>, vector<16xf32>,
      %parallel_loop3A_205 = arith.constant 1 : i32
      %parallel_loop3A_206 = arith.index_cast %parallel_loop3A_205 : i32 to index
      %parallel_loop3A_207 = arith.index_cast %parallel_loop3A_200 : i32 to index
      %parallel_loop3A_208 = tpu.vector_load %arg8[%parallel_loop3A_206, %parallel_loop3A_207] {strides = array<i32>} : memref<5x512xf32, #tpu.memory_space<vmem>>, vector<16xf32>,
      %parallel_loop3A_209 = arith.constant 2 : i32
      %parallel_loop3A_210 = arith.index_cast %parallel_loop3A_209 : i32 to index
      %parallel_loop3A_211 = arith.index_cast %parallel_loop3A_200 : i32 to index
      %parallel_loop3A_212 = tpu.vector_load %arg8[%parallel_loop3A_210, %parallel_loop3A_211] {strides = array<i32>} : memref<5x512xf32, #tpu.memory_space<vmem>>, vector<16xf32>,
      %parallel_loop3A_213 = arith.constant 3 : i32
      %parallel_loop3A_214 = arith.index_cast %parallel_loop3A_213 : i32 to index
      %parallel_loop3A_215 = arith.index_cast %parallel_loop3A_200 : i32 to index
      %parallel_loop3A_216 = tpu.vector_load %arg8[%parallel_loop3A_214, %parallel_loop3A_215] {strides = array<i32>} : memref<5x512xf32, #tpu.memory_space<vmem>>, vector<16xf32>,
      %parallel_loop3A_217 = arith.constant 4 : i32
      %parallel_loop3A_218 = arith.index_cast %parallel_loop3A_217 : i32 to index
      %parallel_loop3A_219 = arith.index_cast %parallel_loop3A_200 : i32 to index
      %parallel_loop3A_220 = tpu.vector_load %arg8[%parallel_loop3A_218, %parallel_loop3A_219] {strides = array<i32>} : memref<5x512xf32, #tpu.memory_space<vmem>>, vector<16xf32>,
      %parallel_loop3A_221 = arith.subf %parallel_loop3A_216, %parallel_loop3A_204 : vector<16xf32>
      %parallel_loop3A_222 = arith.subf %parallel_loop3A_220, %parallel_loop3A_208 : vector<16xf32>
      %parallel_loop3A_223 = arith.mulf %parallel_loop3A_221, %parallel_loop3A_221 : vector<16xf32>
      %parallel_loop3A_224 = arith.mulf %parallel_loop3A_222, %parallel_loop3A_222 : vector<16xf32>
      %parallel_loop3A_225 = arith.addf %parallel_loop3A_223, %parallel_loop3A_224 : vector<16xf32>
      %parallel_loop3A_226 = arith.maximumf %parallel_loop3A_225, %broadcast_in_dim3A_153 : vector<16xf32>
      %parallel_loop3A_227 = tpu.bitcast %parallel_loop3A_226 : vector<16xf32> -> vector<16xi32>
      %parallel_loop3A_228 = arith.constant 1 : i32
      %parallel_loop3A_229 = vector.broadcast %parallel_loop3A_228 : i32 to vector<16xi32>
      %parallel_loop3A_230 = arith.shrsi %parallel_loop3A_227, %parallel_loop3A_229 : vector<16xi32>
      %parallel_loop3A_231 = arith.subi %broadcast_in_dim3A_155, %parallel_loop3A_230 : vector<16xi32>
      %parallel_loop3A_232 = tpu.bitcast %parallel_loop3A_231 : vector<16xi32> -> vector<16xf32>
      %parallel_loop3A_233 = arith.mulf %parallel_loop3A_226, %broadcast_in_dim3A_159 : vector<16xf32>
      %parallel_loop3A_234 = arith.mulf %parallel_loop3A_233, %parallel_loop3A_232 : vector<16xf32>
      %parallel_loop3A_235 = arith.mulf %parallel_loop3A_234, %parallel_loop3A_232 : vector<16xf32>
      %parallel_loop3A_236 = arith.subf %broadcast_in_dim3A_157, %parallel_loop3A_235 : vector<16xf32>
      %parallel_loop3A_237 = arith.mulf %parallel_loop3A_232, %parallel_loop3A_236 : vector<16xf32>
      %parallel_loop3A_238 = arith.mulf %parallel_loop3A_233, %parallel_loop3A_237 : vector<16xf32>
      %parallel_loop3A_239 = arith.mulf %parallel_loop3A_238, %parallel_loop3A_237 : vector<16xf32>
      %parallel_loop3A_240 = arith.subf %broadcast_in_dim3A_157, %parallel_loop3A_239 : vector<16xf32>
      %parallel_loop3A_241 = arith.mulf %parallel_loop3A_237, %parallel_loop3A_240 : vector<16xf32>
      %parallel_loop3A_242 = arith.mulf %parallel_loop3A_226, %parallel_loop3A_241 : vector<16xf32>
      %parallel_loop3A_243 = arith.mulf %parallel_loop3A_242, %broadcast_in_dim3A_161 : vector<16xf32>
      %parallel_loop3A_244 = arith.fptosi %parallel_loop3A_243 : vector<16xf32> to vector<16xi32>
      %parallel_loop3A_245 = math.absf %parallel_loop3A_221 : vector<16xf32>
      %parallel_loop3A_246 = math.absf %parallel_loop3A_222 : vector<16xf32>
      %parallel_loop3A_247 = arith.cmpf ogt, %parallel_loop3A_246, %parallel_loop3A_245 : vector<16xf32>
      %parallel_loop3A_248 = arith.select %parallel_loop3A_247, %parallel_loop3A_245, %parallel_loop3A_246 : vector<16xi1>, vector<16xf32>
      %parallel_loop3A_249 = arith.select %parallel_loop3A_247, %parallel_loop3A_246, %parallel_loop3A_245 : vector<16xi1>, vector<16xf32>
      %parallel_loop3A_250 = arith.divf %parallel_loop3A_248, %parallel_loop3A_249 : vector<16xf32>
      %parallel_loop3A_251 = arith.cmpf oeq, %parallel_loop3A_249, %broadcast_in_dim3A_177 : vector<16xf32>
      %parallel_loop3A_252 = arith.select %parallel_loop3A_251, %broadcast_in_dim3A_177, %parallel_loop3A_250 : vector<16xi1>, vector<16xf32>
      %parallel_loop3A_253 = arith.mulf %parallel_loop3A_252, %parallel_loop3A_252 : vector<16xf32>
      %parallel_loop3A_254 = arith.mulf %broadcast_in_dim3A_139, %parallel_loop3A_253 : vector<16xf32>
      %parallel_loop3A_255 = arith.addf %parallel_loop3A_254, %broadcast_in_dim3A_137 : vector<16xf32>
      %parallel_loop3A_256 = arith.mulf %parallel_loop3A_255, %parallel_loop3A_253 : vector<16xf32>
      %parallel_loop3A_257 = arith.addf %parallel_loop3A_256, %broadcast_in_dim3A_135 : vector<16xf32>
      %parallel_loop3A_258 = arith.mulf %parallel_loop3A_257, %parallel_loop3A_253 : vector<16xf32>
      %parallel_loop3A_259 = arith.addf %parallel_loop3A_258, %broadcast_in_dim3A_133 : vector<16xf32>
      %parallel_loop3A_260 = arith.mulf %parallel_loop3A_259, %parallel_loop3A_253 : vector<16xf32>
      %parallel_loop3A_261 = arith.addf %parallel_loop3A_260, %broadcast_in_dim3A_131 : vector<16xf32>
      %parallel_loop3A_262 = arith.mulf %parallel_loop3A_261, %parallel_loop3A_252 : vector<16xf32>
      %parallel_loop3A_263 = arith.subf %broadcast_in_dim3A_163, %parallel_loop3A_262 : vector<16xf32>
      %parallel_loop3A_264 = arith.select %parallel_loop3A_247, %parallel_loop3A_263, %parallel_loop3A_262 : vector<16xi1>, vector<16xf32>
      %parallel_loop3A_265 = arith.cmpf olt, %parallel_loop3A_221, %broadcast_in_dim3A_177 : vector<16xf32>
      %parallel_loop3A_266 = arith.subf %broadcast_in_dim3A_165, %parallel_loop3A_264 : vector<16xf32>
      %parallel_loop3A_267 = arith.select %parallel_loop3A_265, %parallel_loop3A_266, %parallel_loop3A_264 : vector<16xi1>, vector<16xf32>
      %parallel_loop3A_268 = arith.cmpf olt, %parallel_loop3A_222, %broadcast_in_dim3A_177 : vector<16xf32>
      %parallel_loop3A_269 = arith.constant 0.000000e+00 : f32
      %parallel_loop3A_270 = vector.broadcast %parallel_loop3A_269 : f32 to vector<16xf32>
      %parallel_loop3A_271 = arith.subf %parallel_loop3A_270, %parallel_loop3A_267 : vector<16xf32>
      %parallel_loop3A_272 = arith.select %parallel_loop3A_268, %parallel_loop3A_271, %parallel_loop3A_267 : vector<16xi1>, vector<16xf32>
      %parallel_loop3A_273 = arith.mulf %parallel_loop3A_272, %broadcast_in_dim3A_167 : vector<16xf32>
      %parallel_loop3A_274 = arith.subf %broadcast_in_dim3A_169, %parallel_loop3A_273 : vector<16xf32>
      %parallel_loop3A_275 = arith.subf %parallel_loop3A_274, %parallel_loop3A_212 : vector<16xf32>
      %parallel_loop3A_276 = arith.mulf %parallel_loop3A_275, %broadcast_in_dim3A_173 : vector<16xf32>
      %parallel_loop3A_277 = arith.fptosi %parallel_loop3A_276 : vector<16xf32> to vector<16xi32>
      %parallel_loop3A_278 = arith.sitofp %parallel_loop3A_277 : vector<16xi32> to vector<16xf32>
      %parallel_loop3A_279 = arith.mulf %parallel_loop3A_278, %broadcast_in_dim3A_171 : vector<16xf32>
      %parallel_loop3A_280 = arith.subf %parallel_loop3A_275, %parallel_loop3A_279 : vector<16xf32>
      %parallel_loop3A_281 = arith.cmpf olt, %parallel_loop3A_280, %broadcast_in_dim3A_177 : vector<16xf32>
      %parallel_loop3A_282 = arith.addf %parallel_loop3A_280, %broadcast_in_dim3A_171 : vector<16xf32>
      %parallel_loop3A_283 = arith.select %parallel_loop3A_281, %parallel_loop3A_282, %parallel_loop3A_280 : vector<16xi1>, vector<16xf32>
      %parallel_loop3A_284 = arith.cmpf oge, %parallel_loop3A_283, %broadcast_in_dim3A_171 : vector<16xf32>
      %parallel_loop3A_285 = arith.subf %parallel_loop3A_283, %broadcast_in_dim3A_171 : vector<16xf32>
      %parallel_loop3A_286 = arith.select %parallel_loop3A_284, %parallel_loop3A_285, %parallel_loop3A_283 : vector<16xi1>, vector<16xf32>
      %parallel_loop3A_287 = arith.mulf %parallel_loop3A_286, %broadcast_in_dim3A_175 : vector<16xf32>
      %parallel_loop3A_288 = arith.fptosi %parallel_loop3A_287 : vector<16xf32> to vector<16xi32>
      %parallel_loop3A_289 = arith.minsi %parallel_loop3A_288, %broadcast_in_dim3A_191 : vector<16xi32>
      %parallel_loop3A_290 = arith.constant 0 : i32
      %parallel_loop3A_291 = arith.index_cast %parallel_loop3A_290 : i32 to index
      %parallel_loop3A_292 = arith.index_cast %parallel_loop3A_200 : i32 to index
      %parallel_loop3A_293 = tpu.vector_load %arg14[%parallel_loop3A_291, %parallel_loop3A_292] {strides = array<i32>} : memref<2x512xi32, #tpu.memory_space<vmem>>, vector<16xi32>,
      tpu.vector_store %arg14[%parallel_loop3A_291, %parallel_loop3A_292], %parallel_loop3A_244 {strides = array<i32>} : memref<2x512xi32, #tpu.memory_space<vmem>>, vector<16xi32>,
      %parallel_loop3A_294 = arith.constant 1 : i32
      %parallel_loop3A_295 = arith.index_cast %parallel_loop3A_294 : i32 to index
      %parallel_loop3A_296 = arith.index_cast %parallel_loop3A_200 : i32 to index
      %parallel_loop3A_297 = tpu.vector_load %arg14[%parallel_loop3A_295, %parallel_loop3A_296] {strides = array<i32>} : memref<2x512xi32, #tpu.memory_space<vmem>>, vector<16xi32>,
      tpu.vector_store %arg14[%parallel_loop3A_295, %parallel_loop3A_296], %parallel_loop3A_289 {strides = array<i32>} : memref<2x512xi32, #tpu.memory_space<vmem>>, vector<16xi32>,
    } {sc.loop_unroll_factor = 4 : i64, sc.parallel_access}
    %barrier3A = arith.constant 0 : index
    tpu.barrier barrier_id(%barrier3A)
    "tpu.region"() ({
      %run_scoped3A_198 = tpu.sem_alloc : memref<!tpu.dma_semaphore, #tpu.memory_space<semaphore_mem>>
      tpu.enqueue_dma source(%arg15 : memref<6x512xf32, #tpu.memory_space<vmem_shared>>) target(%arg17 : memref<6x512xf32, #tpu.memory_space<vmem>>) target_semaphore(%run_scoped3A_198 : memref<!tpu.dma_semaphore, #tpu.memory_space<semaphore_mem>>)
      tpu.wait_dma2 semaphore(%run_scoped3A_198 : memref<!tpu.dma_semaphore, #tpu.memory_space<semaphore_mem>>) src(%arg15 : memref<6x512xf32, #tpu.memory_space<vmem_shared>>) dst(%arg17 : memref<6x512xf32, #tpu.memory_space<vmem>>)
      tpu.yield
    }) : () -> ()
    "tpu.region"() ({
      %run_scoped3A_198 = tpu.sem_alloc : memref<!tpu.dma_semaphore, #tpu.memory_space<semaphore_mem>>
      tpu.enqueue_dma source(%arg16 : memref<6x64xf32, #tpu.memory_space<vmem_shared>>) target(%arg18 : memref<6x64xf32, #tpu.memory_space<vmem>>) target_semaphore(%run_scoped3A_198 : memref<!tpu.dma_semaphore, #tpu.memory_space<semaphore_mem>>)
      tpu.wait_dma2 semaphore(%run_scoped3A_198 : memref<!tpu.dma_semaphore, #tpu.memory_space<semaphore_mem>>) src(%arg16 : memref<6x64xf32, #tpu.memory_space<vmem_shared>>) dst(%arg18 : memref<6x64xf32, #tpu.memory_space<vmem>>)
      tpu.yield
    }) : () -> ()
    %parallel_loop3A_195 = arith.constant 0 : i32
    %parallel_loop3A_196 = arith.constant 32 : i32
    %parallel_loop3A_197 = arith.constant 1 : i32
    scf.for %parallel_loop3A_198 = %parallel_loop3A_195 to %parallel_loop3A_196 step %parallel_loop3A_197  : i32 {
      %parallel_loop3A_199 = arith.constant 16 : i32
      %parallel_loop3A_200 = arith.muli %parallel_loop3A_198, %parallel_loop3A_199 : i32
      %parallel_loop3A_201 = arith.constant 0 : i32
      %parallel_loop3A_202 = arith.index_cast %parallel_loop3A_201 : i32 to index
      %parallel_loop3A_203 = arith.index_cast %parallel_loop3A_200 : i32 to index
      %parallel_loop3A_204 = tpu.vector_load %arg14[%parallel_loop3A_202, %parallel_loop3A_203] {strides = array<i32>} : memref<2x512xi32, #tpu.memory_space<vmem>>, vector<16xi32>,
      %parallel_loop3A_205 = arith.constant 1 : i32
      %parallel_loop3A_206 = arith.index_cast %parallel_loop3A_205 : i32 to index
      %parallel_loop3A_207 = arith.index_cast %parallel_loop3A_200 : i32 to index
      %parallel_loop3A_208 = tpu.vector_load %arg14[%parallel_loop3A_206, %parallel_loop3A_207] {strides = array<i32>} : memref<2x512xi32, #tpu.memory_space<vmem>>, vector<16xi32>,
      %parallel_loop3A_209 = tpu.vector_load_idx %arg17[%broadcast_in_dim3A_23, %parallel_loop3A_204] : memref<6x512xf32, #tpu.memory_space<vmem>>[vector<16xi32>, vector<16xi32>], vector<16xf32>,
      %parallel_loop3A_210 = tpu.vector_load_idx %arg18[%broadcast_in_dim3A_23, %parallel_loop3A_208] : memref<6x64xf32, #tpu.memory_space<vmem>>[vector<16xi32>, vector<16xi32>], vector<16xf32>,
      %parallel_loop3A_211 = arith.addf %parallel_loop3A_209, %parallel_loop3A_210 : vector<16xf32>
      %parallel_loop3A_212 = tpu.vector_load_idx %arg17[%broadcast_in_dim3A_25, %parallel_loop3A_204] : memref<6x512xf32, #tpu.memory_space<vmem>>[vector<16xi32>, vector<16xi32>], vector<16xf32>,
      %parallel_loop3A_213 = tpu.vector_load_idx %arg18[%broadcast_in_dim3A_25, %parallel_loop3A_208] : memref<6x64xf32, #tpu.memory_space<vmem>>[vector<16xi32>, vector<16xi32>], vector<16xf32>,
      %parallel_loop3A_214 = arith.addf %parallel_loop3A_212, %parallel_loop3A_213 : vector<16xf32>
      %parallel_loop3A_215 = tpu.vector_load_idx %arg17[%broadcast_in_dim3A_27, %parallel_loop3A_204] : memref<6x512xf32, #tpu.memory_space<vmem>>[vector<16xi32>, vector<16xi32>], vector<16xf32>,
      %parallel_loop3A_216 = tpu.vector_load_idx %arg18[%broadcast_in_dim3A_27, %parallel_loop3A_208] : memref<6x64xf32, #tpu.memory_space<vmem>>[vector<16xi32>, vector<16xi32>], vector<16xf32>,
      %parallel_loop3A_217 = arith.addf %parallel_loop3A_215, %parallel_loop3A_216 : vector<16xf32>
      %parallel_loop3A_218 = tpu.vector_load_idx %arg17[%broadcast_in_dim3A_29, %parallel_loop3A_204] : memref<6x512xf32, #tpu.memory_space<vmem>>[vector<16xi32>, vector<16xi32>], vector<16xf32>,
      %parallel_loop3A_219 = tpu.vector_load_idx %arg18[%broadcast_in_dim3A_29, %parallel_loop3A_208] : memref<6x64xf32, #tpu.memory_space<vmem>>[vector<16xi32>, vector<16xi32>], vector<16xf32>,
      %parallel_loop3A_220 = arith.addf %parallel_loop3A_218, %parallel_loop3A_219 : vector<16xf32>
      %parallel_loop3A_221 = tpu.vector_load_idx %arg17[%broadcast_in_dim3A_31, %parallel_loop3A_204] : memref<6x512xf32, #tpu.memory_space<vmem>>[vector<16xi32>, vector<16xi32>], vector<16xf32>,
      %parallel_loop3A_222 = tpu.vector_load_idx %arg18[%broadcast_in_dim3A_31, %parallel_loop3A_208] : memref<6x64xf32, #tpu.memory_space<vmem>>[vector<16xi32>, vector<16xi32>], vector<16xf32>,
      %parallel_loop3A_223 = arith.addf %parallel_loop3A_221, %parallel_loop3A_222 : vector<16xf32>
      %parallel_loop3A_224 = tpu.vector_load_idx %arg17[%broadcast_in_dim3A_33, %parallel_loop3A_204] : memref<6x512xf32, #tpu.memory_space<vmem>>[vector<16xi32>, vector<16xi32>], vector<16xf32>,
      %parallel_loop3A_225 = tpu.vector_load_idx %arg18[%broadcast_in_dim3A_33, %parallel_loop3A_208] : memref<6x64xf32, #tpu.memory_space<vmem>>[vector<16xi32>, vector<16xi32>], vector<16xf32>,
      %parallel_loop3A_226 = arith.addf %parallel_loop3A_224, %parallel_loop3A_225 : vector<16xf32>
      %parallel_loop3A_227 = math.exp %parallel_loop3A_211 : vector<16xf32>
      %parallel_loop3A_228 = math.exp %parallel_loop3A_214 : vector<16xf32>
      %parallel_loop3A_229 = math.exp %parallel_loop3A_217 : vector<16xf32>
      %parallel_loop3A_230 = math.exp %parallel_loop3A_220 : vector<16xf32>
      %parallel_loop3A_231 = math.exp %parallel_loop3A_223 : vector<16xf32>
      %parallel_loop3A_232 = math.exp %parallel_loop3A_226 : vector<16xf32>
      %parallel_loop3A_233 = arith.addf %parallel_loop3A_227, %parallel_loop3A_228 : vector<16xf32>
      %parallel_loop3A_234 = arith.addf %parallel_loop3A_229, %parallel_loop3A_230 : vector<16xf32>
      %parallel_loop3A_235 = arith.addf %parallel_loop3A_233, %parallel_loop3A_234 : vector<16xf32>
      %parallel_loop3A_236 = arith.addf %parallel_loop3A_231, %parallel_loop3A_232 : vector<16xf32>
      %parallel_loop3A_237 = arith.addf %parallel_loop3A_235, %parallel_loop3A_236 : vector<16xf32>
      %parallel_loop3A_238 = tpu.bitcast %parallel_loop3A_237 : vector<16xf32> -> vector<16xi32>
      %parallel_loop3A_239 = arith.constant 23 : i32
      %parallel_loop3A_240 = vector.broadcast %parallel_loop3A_239 : i32 to vector<16xi32>
      %parallel_loop3A_241 = arith.shrsi %parallel_loop3A_238, %parallel_loop3A_240 : vector<16xi32>
      %parallel_loop3A_242 = arith.subi %parallel_loop3A_241, %broadcast_in_dim3A_185 : vector<16xi32>
      %parallel_loop3A_243 = arith.andi %parallel_loop3A_238, %broadcast_in_dim3A_187 : vector<16xi32>
      %parallel_loop3A_244 = arith.ori %parallel_loop3A_243, %broadcast_in_dim3A_189 : vector<16xi32>
      %parallel_loop3A_245 = tpu.bitcast %parallel_loop3A_244 : vector<16xi32> -> vector<16xf32>
      %parallel_loop3A_246 = arith.cmpf ogt, %parallel_loop3A_245, %broadcast_in_dim3A_183 : vector<16xf32>
      %parallel_loop3A_247 = arith.mulf %parallel_loop3A_245, %broadcast_in_dim3A_159 : vector<16xf32>
      %parallel_loop3A_248 = arith.select %parallel_loop3A_246, %parallel_loop3A_247, %parallel_loop3A_245 : vector<16xi1>, vector<16xf32>
      %parallel_loop3A_249 = arith.extui %parallel_loop3A_246 : vector<16xi1> to vector<16xi32>
      %parallel_loop3A_250 = arith.addi %parallel_loop3A_242, %parallel_loop3A_249 : vector<16xi32>
      %parallel_loop3A_251 = arith.subf %parallel_loop3A_248, %broadcast_in_dim3A_179 : vector<16xf32>
      %parallel_loop3A_252 = arith.mulf %broadcast_in_dim3A_151, %parallel_loop3A_251 : vector<16xf32>
      %parallel_loop3A_253 = arith.addf %parallel_loop3A_252, %broadcast_in_dim3A_149 : vector<16xf32>
      %parallel_loop3A_254 = arith.mulf %parallel_loop3A_253, %parallel_loop3A_251 : vector<16xf32>
      %parallel_loop3A_255 = arith.addf %parallel_loop3A_254, %broadcast_in_dim3A_147 : vector<16xf32>
      %parallel_loop3A_256 = arith.mulf %parallel_loop3A_255, %parallel_loop3A_251 : vector<16xf32>
      %parallel_loop3A_257 = arith.addf %parallel_loop3A_256, %broadcast_in_dim3A_145 : vector<16xf32>
      %parallel_loop3A_258 = arith.mulf %parallel_loop3A_257, %parallel_loop3A_251 : vector<16xf32>
      %parallel_loop3A_259 = arith.addf %parallel_loop3A_258, %broadcast_in_dim3A_143 : vector<16xf32>
      %parallel_loop3A_260 = arith.mulf %parallel_loop3A_259, %parallel_loop3A_251 : vector<16xf32>
      %parallel_loop3A_261 = arith.addf %parallel_loop3A_260, %broadcast_in_dim3A_141 : vector<16xf32>
      %parallel_loop3A_262 = arith.sitofp %parallel_loop3A_250 : vector<16xi32> to vector<16xf32>
      %parallel_loop3A_263 = arith.mulf %parallel_loop3A_262, %broadcast_in_dim3A_181 : vector<16xf32>
      %parallel_loop3A_264 = arith.mulf %parallel_loop3A_261, %parallel_loop3A_251 : vector<16xf32>
      %parallel_loop3A_265 = arith.addf %parallel_loop3A_263, %parallel_loop3A_264 : vector<16xf32>
      %parallel_loop3A_266 = arith.subf %parallel_loop3A_211, %parallel_loop3A_265 : vector<16xf32>
      %parallel_loop3A_267 = arith.constant 0 : i32
      %parallel_loop3A_268 = arith.index_cast %parallel_loop3A_267 : i32 to index
      %parallel_loop3A_269 = arith.index_cast %parallel_loop3A_200 : i32 to index
      %parallel_loop3A_270 = tpu.vector_load %arg19[%parallel_loop3A_268, %parallel_loop3A_269] {strides = array<i32>} : memref<6x512xf32, #tpu.memory_space<vmem>>, vector<16xf32>,
      tpu.vector_store %arg19[%parallel_loop3A_268, %parallel_loop3A_269], %parallel_loop3A_266 {strides = array<i32>} : memref<6x512xf32, #tpu.memory_space<vmem>>, vector<16xf32>,
      %parallel_loop3A_271 = arith.subf %parallel_loop3A_214, %parallel_loop3A_265 : vector<16xf32>
      %parallel_loop3A_272 = arith.constant 1 : i32
      %parallel_loop3A_273 = arith.index_cast %parallel_loop3A_272 : i32 to index
      %parallel_loop3A_274 = arith.index_cast %parallel_loop3A_200 : i32 to index
      %parallel_loop3A_275 = tpu.vector_load %arg19[%parallel_loop3A_273, %parallel_loop3A_274] {strides = array<i32>} : memref<6x512xf32, #tpu.memory_space<vmem>>, vector<16xf32>,
      tpu.vector_store %arg19[%parallel_loop3A_273, %parallel_loop3A_274], %parallel_loop3A_271 {strides = array<i32>} : memref<6x512xf32, #tpu.memory_space<vmem>>, vector<16xf32>,
      %parallel_loop3A_276 = arith.subf %parallel_loop3A_217, %parallel_loop3A_265 : vector<16xf32>
      %parallel_loop3A_277 = arith.constant 2 : i32
      %parallel_loop3A_278 = arith.index_cast %parallel_loop3A_277 : i32 to index
      %parallel_loop3A_279 = arith.index_cast %parallel_loop3A_200 : i32 to index
      %parallel_loop3A_280 = tpu.vector_load %arg19[%parallel_loop3A_278, %parallel_loop3A_279] {strides = array<i32>} : memref<6x512xf32, #tpu.memory_space<vmem>>, vector<16xf32>,
      tpu.vector_store %arg19[%parallel_loop3A_278, %parallel_loop3A_279], %parallel_loop3A_276 {strides = array<i32>} : memref<6x512xf32, #tpu.memory_space<vmem>>, vector<16xf32>,
      %parallel_loop3A_281 = arith.subf %parallel_loop3A_220, %parallel_loop3A_265 : vector<16xf32>
      %parallel_loop3A_282 = arith.constant 3 : i32
      %parallel_loop3A_283 = arith.index_cast %parallel_loop3A_282 : i32 to index
      %parallel_loop3A_284 = arith.index_cast %parallel_loop3A_200 : i32 to index
      %parallel_loop3A_285 = tpu.vector_load %arg19[%parallel_loop3A_283, %parallel_loop3A_284] {strides = array<i32>} : memref<6x512xf32, #tpu.memory_space<vmem>>, vector<16xf32>,
      tpu.vector_store %arg19[%parallel_loop3A_283, %parallel_loop3A_284], %parallel_loop3A_281 {strides = array<i32>} : memref<6x512xf32, #tpu.memory_space<vmem>>, vector<16xf32>,
      %parallel_loop3A_286 = arith.subf %parallel_loop3A_223, %parallel_loop3A_265 : vector<16xf32>
      %parallel_loop3A_287 = arith.constant 4 : i32
      %parallel_loop3A_288 = arith.index_cast %parallel_loop3A_287 : i32 to index
      %parallel_loop3A_289 = arith.index_cast %parallel_loop3A_200 : i32 to index
      %parallel_loop3A_290 = tpu.vector_load %arg19[%parallel_loop3A_288, %parallel_loop3A_289] {strides = array<i32>} : memref<6x512xf32, #tpu.memory_space<vmem>>, vector<16xf32>,
      tpu.vector_store %arg19[%parallel_loop3A_288, %parallel_loop3A_289], %parallel_loop3A_286 {strides = array<i32>} : memref<6x512xf32, #tpu.memory_space<vmem>>, vector<16xf32>,
      %parallel_loop3A_291 = arith.subf %parallel_loop3A_226, %parallel_loop3A_265 : vector<16xf32>
      %parallel_loop3A_292 = arith.constant 5 : i32
      %parallel_loop3A_293 = arith.index_cast %parallel_loop3A_292 : i32 to index
      %parallel_loop3A_294 = arith.index_cast %parallel_loop3A_200 : i32 to index
      %parallel_loop3A_295 = tpu.vector_load %arg19[%parallel_loop3A_293, %parallel_loop3A_294] {strides = array<i32>} : memref<6x512xf32, #tpu.memory_space<vmem>>, vector<16xf32>,
      tpu.vector_store %arg19[%parallel_loop3A_293, %parallel_loop3A_294], %parallel_loop3A_291 {strides = array<i32>} : memref<6x512xf32, #tpu.memory_space<vmem>>, vector<16xf32>,
    } {sc.loop_unroll_factor = 4 : i64, sc.parallel_access}
    "tpu.region"() ({
      %run_scoped3A_198 = tpu.sem_alloc : memref<!tpu.dma_semaphore, #tpu.memory_space<semaphore_mem>>
      %dma_start3A_199 = arith.constant 0 : i32
      %dma_start3A_200 = tpu.memref_slice %arg7[%dma_start3A_199, %mul3A_2] : memref<6x16384xf32, #tpu.memory_space<hbm>> -> memref<6x512xf32, #tpu.memory_space<hbm>>
      %dma_start3A_201 = arith.constant 0 : i32
      %dma_start3A_202 = tpu.memref_slice %arg7[%dma_start3A_201, %mul3A_2] : memref<6x16384xf32, #tpu.memory_space<hbm>> -> memref<6x512xf32, #tpu.memory_space<hbm>>
      tpu.enqueue_dma source(%arg19 : memref<6x512xf32, #tpu.memory_space<vmem>>) target(%dma_start3A_202 : memref<6x512xf32, #tpu.memory_space<hbm>>) target_semaphore(%run_scoped3A_198 : memref<!tpu.dma_semaphore, #tpu.memory_space<semaphore_mem>>)
      %dma_wait3A_203 = arith.constant 0 : i32
      %dma_wait3A_204 = tpu.memref_slice %arg7[%dma_wait3A_203, %mul3A_2] : memref<6x16384xf32, #tpu.memory_space<hbm>> -> memref<6x512xf32, #tpu.memory_space<hbm>>
      %dma_wait3A_205 = arith.constant 0 : i32
      %dma_wait3A_206 = tpu.memref_slice %arg7[%dma_wait3A_205, %mul3A_2] : memref<6x16384xf32, #tpu.memory_space<hbm>> -> memref<6x512xf32, #tpu.memory_space<hbm>>
      tpu.wait_dma2 semaphore(%run_scoped3A_198 : memref<!tpu.dma_semaphore, #tpu.memory_space<semaphore_mem>>) src(%arg19 : memref<6x512xf32, #tpu.memory_space<vmem>>) dst(%dma_wait3A_206 : memref<6x512xf32, #tpu.memory_space<hbm>>)
      tpu.yield
    }) : () -> ()
    return
  }
}

</mosaic_0001>

<sc_bundles>
// kernel: kernel.3.cloned.1.call-start
scs
__scs_entry_jumppad:
0x0: {  	(pc) =	sbr.rel $0x88, $3  }
0x1: {  	(tag) =	ssettag $0x0;
	lr =	simm.s32 $0x1  }
0x2: {  	[smem:$0x3F9B] =	sst lr;
	_ =	strace $0xD0000000  }
0x3: {  	_ = 	snop  }
0x4: {  	_ = 	snop  }
0x5: {  	_ = 	snop  }
0x6: {  	_ = 	snop  }
0x7: {  	_ = 	snop  }
__scs_overlays_trampoline_lowered:
0x8: {  	[smem:$0x3FAA] =	sst s0  }
0x9: {  	[smem:$0x3FAB] =	sst s1  }
0xa: {  	[smem:$0x3FAC] =	sst s2  }
0xb: {  	[smem:$0x3FAD] =	sst s3  }
0xc: {  	[smem:$0x3FAE] =	sst s4  }
0xd: {  	[smem:$0x3FAF] =	sst s5  }
0xe: {  	[smem:$0x3FB0] =	sst s6  }
0xf: {  	[smem:$0x3FB1] =	sst s7  }
0x10: {  	[smem:$0x3FB2] =	sst s8  }
0x11: {  	[smem:$0x3FB3] =	sst s9;
	s0 =	simm.s32 @!p0 $0x0  }
0x12: {  	s1 =	sld [smem:$0x3F99];
	s0 =	simm.s32 @p0 $0x1  }
0x13: {  	[smem:$0x3FB4] =	sst s0;
	s0 =	simm.s32 @!p1 $0x0  }
0x14: {  	s2 =	sld [smem:$0x3F98];
	s0 =	simm.s32 @p1 $0x1  }
0x15: {  	[smem:$0x3FB5] =	sst s0;
	s0 =	simm.s32 @!p2 $0x0  }
0x16: {  	s3 =	sld [smem:$0x3FDB];
	s0 =	simm.s32 @p2 $0x1  }
0x17: {  	s4 =	simm.s32 $0x1BF5;
	[smem:$0x3FB7] =	sst s0  }
0x18: {  	s0 =	sld [smem:$0x3F9A];
	_ =	swait.ge [sflag:s4], $0x0  }
0x19: {  	s7 =	sld [smem:$0x3F9B]  }
0x1a: {  	s8 =	sadd.s32 $0xFFFFE003, lr  }
0x1b: {  	s9 =	sadd.s32 $0xFFFFFEF7, lr;
	s5 =	simm.s32 $0xFFFFFFFF;
	p2 =	slt.u32 s8, $0xFFFFF086  }
0x1c: {  	p1 =	slt.u32 s9, $0xF7A;
	s5 =	simm.s32 @!p2 $0x0  }
0x1d: {  	s5 =	simm.s32 @p1 $0x1;
	p0 =	seq.s32 s7, s2  }
0x1e: {  	s7 =	smul.u32 @!p0 $0xF7A, s2;
	p2 =	seq.s32 @!p0 s5, $0x0  }
0x1f: {  	s9 =	smul.u32 $0xF7A, s1;
	s8 =	simm.s32 @!p0 $0x1BF5;
	p2 =	por !p2, p0  }
0x20: {  	[sflag:s8] =	ssyncset.s32 @!p0 $0xFFFFF086;
	s6 =	sadd.s32 @!p0 s3, s7;
	s7 =	simm.s32 @!p0 $0x108  }
0x21: {  	s3 =	sadd.s32 s3, s9;
	s6 =	sadd.s32 @!p0 $0x88, s6;
	s7 =	simm.s32 @p2 $0x1082  }
0x22: {  	[simem:s7], [sflag:s8] =	dma.local @!p0 [hbm:s6], $0xF7A  }
0x23: {  	s9 =	sor.u32 $0xD0000000, s2;
	s6 =	simm.s32 $0x108;
	_ =	swait.ge @!p0 [sflag:s8], $0x0  }
0x24: {  	s3 =	sadd.s32 $0x88, s3;
	s6 =	simm.s32 @!p1 $0x1082;
	[sflag:s4] =	ssyncset.s32 $0xFFFFF086  }
0x25: {  	[simem:s6], [sflag:s4] =	dma.local [hbm:s3], $0xF7A  }
0x26: {  	[smem:$0x3F9B] =	sst s1;
	(tag) =	ssettag s2;
	_ =	strace s9  }
0x27: {  	s1 =	sld [smem:$0x3FAB]  }
0x28: {  	s2 =	sld [smem:$0x3FAC]  }
0x29: {  	s4 =	sld [smem:$0x3FAE]  }
0x2a: {  	p0 =	seq.s32 s5, $0x0;
	s5 =	sld [smem:$0x3FAF]  }
0x2b: {  	s6 =	sld [smem:$0x3FB0]  }
0x2c: {  	s7 =	sld [smem:$0x3FB1]  }
0x2d: {  	s3 =	simm.s32 $0x108;
	s8 =	sld [smem:$0x3FB2]  }
0x2e: {  	s3 =	simm.s32 @!p0 $0x1082;
	s9 =	sld [smem:$0x3FB3]  }
0x2f: {  	lr =	sadd.s32 s0, s3;
	s0 =	sld [smem:$0x3FAA]  }
0x30: {  	s3 =	sld [smem:$0x3FAD]  }
0x31: {  	[smem:$0x3FB6] =	sst s10  }
0x32: {  	s10 =	sld [smem:$0x3FB4];
	_ =	sdelay $0x3  }
0x33: {  	p0 =	seq.s32 s10, $0x1;
	s10 =	sld [smem:$0x3FB6];
	_ =	sdelay $0x3  }
0x34: {  	[smem:$0x3FB6] =	sst s10  }
0x35: {  	s10 =	sld [smem:$0x3FB5];
	_ =	sdelay $0x3  }
0x36: {  	p1 =	seq.s32 s10, $0x1;
	s10 =	sld [smem:$0x3FB6];
	_ =	sdelay $0x3  }
0x37: {  	[smem:$0x3FB6] =	sst s10  }
0x38: {  	s10 =	sld [smem:$0x3FB7]  }
0x39: {  	_ = 	snop;
	(pc) =	sbr.ind lr, $3  }
0x3a: {  	_ = 	snop  }
0x3b: {  	_ = 	snop  }
0x3c: {  	p2 =	seq.s32 s10, $0x1;
	s10 =	sld [smem:$0x3FB6]  }
0x3d: {  	_ =	shalt  }
0x3e: {  	_ =	shalt  }
0x3f: {  	_ =	shalt  }
0x40: {  	_ =	shalt  }
0x41: {  	_ =	shalt  }
0x42: {  	_ =	shalt  }
0x43: {  	_ =	shalt  }
0x44: {  	_ =	shalt  }
0x45: {  	_ =	shalt  }
0x46: {  	_ =	shalt  }
0x47: {  	_ =	shalt  }
0x48: {  	_ =	shalt  }
0x49: {  	_ =	shalt  }
0x4a: {  	_ =	shalt  }
0x4b: {  	_ =	shalt  }
0x4c: {  	_ =	shalt  }
0x4d: {  	_ =	shalt  }
0x4e: {  	_ =	shalt  }
0x4f: {  	_ =	shalt  }
0x50: {  	_ =	shalt  }
0x51: {  	_ =	shalt  }
0x52: {  	_ =	shalt  }
0x53: {  	_ =	shalt  }
0x54: {  	_ =	shalt  }
0x55: {  	_ =	shalt  }
0x56: {  	_ =	shalt  }
0x57: {  	_ =	shalt  }
0x58: {  	_ =	shalt  }
0x59: {  	_ =	shalt  }
0x5a: {  	_ =	shalt  }
0x5b: {  	_ =	shalt  }
0x5c: {  	_ =	shalt  }
0x5d: {  	_ =	shalt  }
0x5e: {  	_ =	shalt  }
0x5f: {  	_ =	shalt  }
0x60: {  	_ =	shalt  }
0x61: {  	_ =	shalt  }
0x62: {  	_ =	shalt  }
0x63: {  	_ =	shalt  }
0x64: {  	_ =	shalt  }
0x65: {  	_ =	shalt  }
0x66: {  	_ =	shalt  }
0x67: {  	_ =	shalt  }
0x68: {  	_ =	shalt  }
0x69: {  	_ =	shalt  }
0x6a: {  	_ =	shalt  }
0x6b: {  	_ =	shalt  }
0x6c: {  	_ =	shalt  }
0x6d: {  	_ =	shalt  }
0x6e: {  	_ =	shalt  }
0x6f: {  	_ =	shalt  }
0x70: {  	_ =	shalt  }
0x71: {  	_ =	shalt  }
0x72: {  	_ =	shalt  }
0x73: {  	_ =	shalt  }
0x74: {  	_ =	shalt  }
0x75: {  	_ =	shalt  }
0x76: {  	_ =	shalt  }
0x77: {  	_ =	shalt  }
0x78: {  	_ =	shalt  }
0x79: {  	_ =	shalt  }
0x7a: {  	_ =	shalt  }
0x7b: {  	_ =	shalt  }
0x7c: {  	_ =	shalt  }
0x7d: {  	_ =	shalt  }
0x7e: {  	_ =	shalt  }
0x7f: {  	_ =	shalt  }
0x80: {  	_ =	shalt  }
0x81: {  	_ =	shalt  }
0x82: {  	_ =	shalt  }
0x83: {  	_ =	shalt  }
0x84: {  	_ =	shalt  }
0x85: {  	_ =	shalt  }
0x86: {  	_ =	shalt  }
0x87: {  	_ =	shalt  }
.Lfunc_end0:
.L_simem_size_0:
called_computation_lowered:
.L_overlay_start_0:
0x88: {  	s2 =	sld [smem:$0x3FD9]  }
0x89: {  	s3 =	sld [smem:$0x3FFE];
	_ =	sdelay $0x1  }
0x8a: {  	s1 =	srdreg.scid  }
0x8b: {  	s0 =	sand.u32 $0x1, s1  }
0x8c: {  	s17 =	sshll.u32 s0, $0xA;
	s2 =	sadd.s32 s3, s2  }
0x8d: {  	s2 =	sadd.s32 s2, s17  }
0x8e: {  	[smem:$0x3FC2] =	sst s2  }
0x8f: {  	_ = 	snop  }
0x90: {  	s2 =	sld [smem:$0x3FC4]  }
0x91: {  	s18 =	sld [smem:$0x3FD0];
	(tm) =	ssettm $0x1  }
0x92: {  	s4 =	sld [smem:$0x3FFB];
	_ =	sdelay $0x3  }
0x93: {  	_ =	strace s4  }
0x94: {  	s4 =	sld [smem:$0x3FFC];
	_ =	sdelay $0x3  }
0x95: {  	_ =	strace s4  }
0x96: {  	s4 =	sld [smem:$0x3FFD];
	_ =	sdelay $0x3  }
0x97: {  	_ =	strace s4  }
0x98: {  	_ =	strace $0x8FFFFFFF  }
0x99: {  	s19 =	sld [smem:$0x3FDB];
	_ =	sdelay $0x1  }
0x9a: {  	s5 =	simm.s32 $_scs_section_size  }
0x9b: {  	s6 =	simm.s32 $_size__tile_overlayer_lowered;
	s7 =	simm.s32 $_tile_overlayer_lowered  }
0x9c: {  	s22 =	simm.s32 $0x1BFF;
	s21 =	sshll.u32 s7, $0x1;
	s4 =	sadd.s32 s5, s19  }
0x9d: {  	s8 =	simm.s32 $0x0;
	s20 =	sshll.u32 s6, $0x1;
	s6 =	sadd.s32 s21, s4  }
0x9e: {  	[timem:s8], [sflag:s22] =	dma.local [hbm:s6], s20  }
0x9f: {  	_ =	swait.ge [sflag:s22], s20  }
0xa0: {  	s5 =	ssub.s32 $0x0, s20;
	[sflag:s22] =	ssyncset.done $0x0  }
0xa1: {  	[sflag:s22] =	ssyncadd.s32 s5;
	_ =	sdelay $0x1  }
0xa2: {  	s23 =	simm.s32 $0x1B8B  }
0xa3: {  	_ =	swait.ge [sflag:s23], $0x1  }
0xa4: {  	[sflag:s23] =	ssyncset.done $0x0  }
0xa5: {  	s25 =	simm.s32 $0x1B8E;
	s24 =	sld [smem:$0x3FFE];
	[sflag:s23] =	ssyncadd.s32 $0xFFFFFFFF  }
0xa6: {  	s26 =	simm.s32 $execute0_lowered;
	[smem:$0x3FD2] =	sst s25  }
0xa7: {  	s6 =	sshll.u32 s26, $0x1;
	_ =	strace $0x80000046;
	[dreg:$0x1] =	wrdreg $0xFFFFFFFF  }
0xa8: {  	s28 =	simm.s32 $_size_execute0_lowered;
	s4 =	sadd.s32 s4, s6;
	[dreg:$0x0] =	wrdreg $0x0  }
0xa9: {  	s6 =	sshll.u32 s28, $0x1;
	[dreg:$0x2] =	wrdreg s4  }
0xaa: {  	[dreg:$0x3] =	wrdreg s6  }
0xab: {  	[dreg:$0x4] =	wrdreg $0xC0  }
0xac: {  	_ =	task [dreg:s8], $0x5FFFF  }
0xad: {  	[dreg:$0x1] =	wrdreg $0xFFFFFFFF  }
0xae: {  	[dreg:$0x0] =	wrdreg $0x60  }
0xaf: {  	[dreg:$0x2] =	wrdreg s18  }
0xb0: {  	[dreg:$0x3] =	wrdreg s24  }
0xb1: {  	[dreg:$0x4] =	wrdreg s2  }
0xb2: {  	[dreg:$0x5] =	wrdreg $0x16500  }
0xb3: {  	[dreg:$0x6] =	wrdreg $0x17100  }
0xb4: {  	[dreg:$0x7] =	wrdreg $0x9  }
0xb5: {  	_ =	task.clear_ibuf [dreg:s8], $0x8FFFF;
	_ =	strace $0x90000046  }
0xb6: {  	s29 =	simm.s32 $0x9;
	_ =	strace $0x80000048  }
0xb7: {  	_ =	swait.ge [sflag:s29], $0x1  }
0xb8: {  	[sflag:s29] =	ssyncadd.s32 $0xFFFFFFFF  }
0xb9: {  	_ =	strace $0x90000048  }
0xba: {  	_ =	sfence  }
0xbb: {  	s30 =	sld [smem:$0x0];
	_ =	sdelay $0x2  }
0xbc: {  	s31 =	sshll.u32 s1, $0xD;
	s1 =	sshrl.u32 s1, $0x2  }
0xbd: {  	s3 =	sand.u32 $0x4000, s31;
	s1 =	sadd.s32 s1, s30  }
0xbe: {  	s0 =	sor.u32 s3, s0;
	s1 =	sshll.u32 s1, $0x11  }
0xbf: {  	s0 =	sor.u32 s1, s0  }
0xc0: {  	s0 =	sadd.s32 $0x8F2B, s0  }
0xc1: {  	[sflag:s0] =	ssyncadd.remote.s32 $0x1  }
0xc2: {  	_ =	sfence.sel $0xFFFF  }
0xc3: {  	[dreg:$0x0] =	wrdreg $0xFFFFFFFF;
	(pc) =	sbr.abs _section_cstart, $3  }
0xc4: {  	[dreg:$0x1] =	wrdreg $0xFFFFFFFF  }
0xc5: {  	_ =	task.clear_ibuf [dreg:s8], $0x2FFFF;
	_ =	strace $0x9FFFFFFF  }
0xc6: {  	(tm) =	ssettm $0x7FFFFFFF  }
0xc7: {  	_ =	shalt  }
tec
execute0_lowered:
.L_overlay_start_1:
0x0: {  	(tag) =	ssettag $0x1  }
0x1: {  	s0 =	rddreg [dreg:$0x0]  }
0x2: {  	s1 =	rddreg [dreg:$0x1]  }
0x3: {  	s11 =	rddreg [dreg:$0x3]  }
0x4: {  	s17 =	rddreg [dreg:$0x4]  }
0x5: {  	s5 =	simm.s32 $0x0;
	s16 =	stileid.u32;
	s6 =	srdreg.scid  }
0x6: {  	s28 =	simm.s32 $0x1000;
	s30 =	simm.s32 $0x3;
	s31 =	simm.s32 $0x4  }
0x7: {  	s18 =	simm.s32 $0xE00;
	s19 =	simm.s32 $0x1;
	s20 =	simm.s32 $0x1728  }
0x8: {  	s21 =	simm.s32 $0x2328;
	[smem:$0x7FF] =	sst s5;
	s2 =	sshll.u32 s16, $0x6  }
0x9: {  	p1 =	seq.s32 s16, $0x3;
	s4 =	sshll.u32 s16, $0x7;
	s7 =	sand.u32 $0x1, s6  }
0xa: {  	s6 =	sadd.s32 $0x1400, s1;
	p0 =	sgt.u32 s16, $0x3;
	s16 =	simm.s32 $0x1210  }
0xb: {  	_ =	strace $0x80000047;
	s3 =	smov.u32 s2;
	s9 =	sadd.s32 s4, s1  }
0xc: {  	s8 =	sshll.u32 s7, $0x6;
	s7 =	ssub.s32 $0x2, s7;
	s22 =	sshrl.u32 s2, $0x2  }
0xd: {  	s3 =	simm.s32 @p1 $0x84;
	s8 =	sor.u32 s8, s4;
	s10 =	sshrl.u32 s7, $0x1  }
0xe: {  	s4 =	sshrl.u32 s4, $0x2;
	s9 =	sadd.s32 $0xA00, s9;
	s3 =	sadd.s32 s3, s1  }
0xf: {  	s1 =	sadd.s32 s8, s1;
	s15 =	ssub.s32 s7, s10;
	s7 =	sadd.s32 s4, s11  }
0x10: {  	s8 =	sadd.s32 s0, s8;
	s0 =	sadd.s32 s22, s17;
	s4 =	simm.s32 $0x11F0  }
0x11: {  	s17 =	simm.s32 $0x1230;
	s23 =	sadd.s32 $0x1200, s3;
	[dreg:$0x6] =	wrdreg s0  }
0x12: {  	s10 =	sadd.s32 $0x200, s7;
	s24 =	sadd.s32 $0x40, s0;
	[dreg:$0x7] =	wrdreg s23  }
0x13: {  	s11 =	sadd.s32 $0x400, s7;
	s25 =	sadd.s32 $0x80, s0;
	[dreg:$0x8] =	wrdreg s24  }
0x14: {  	v0 =	vlaneseq.u32;
	s12 =	sadd.s32 $0x600, s7;
	s26 =	sadd.s32 $0xC0, s0;
	[dreg:$0x9] =	wrdreg s25  }
0x15: {  	v0 =	vmul.u32 $0x20, v0;
	s13 =	sadd.s32 $0x800, s7;
	s29 =	sadd.s32 $0x100, s0;
	[dreg:$0xa] =	wrdreg s26  }
0x16: {  	s14 =	sadd.s32 $0xA00, s7;
	s0 =	sadd.s32 $0x140, s0;
	[dreg:$0xb] =	wrdreg s29  }
0x17: {  	v1 =	vpsel p1, $0x1E0, v0;
	[tilespmem:$0x1FFE0] =	vst v0;
	s22 =	sadd.s32 $0x1600, s1;
	s1 =	simm.s32 $0x5;
	[dreg:$0xc] =	wrdreg s0  }
0x18: {  	v2 =	vor.u32 $0x200, v0;
	[tilespmem:$0x1FFD0] =	vst v1;
	s23 =	smax.u32 s15, $0x1;
	s24 =	simm.s32 $0x200;
	s25 =	simm.s32 $0x4000  }
0x19: {  	v58 =	vimm.s32 $0x0;
	[tilespmem:$0x1FFF0] =	vst v2;
	s26 =	simm.s32 $0xA00;
	s0 =	simm.s32 $0x2;
	s15 =	simm.s32 $0x0  }
.LBB2_1:
0x1a: {  	[tilespmem:s5], [sflag:$0x1] =	stream.strided.gather [hbm4b:s8+s24], $0xA00, s25, s24, $0x38;
	[tilespmem:$0x30A8] =	vst v63  }
0x1b: {  	_ = 	snop  }
0x1c: {  	[tilespmem:s26], [sflag:$0x2] =	stream.linear.gather [hbm4b:s9+s5], $0x400, $0x38;
	[tilespmem:$0x30A8] =	vst v63  }
0x1d: {  	_ = 	snop  }
0x1e: {  	[tilespmem:s28], [sflag:$0x3] =	stream.linear.gather [hbm4b:s6+s5], $0x180, $0x38;
	[tilespmem:$0x30A8] =	vst v63  }
0x1f: {  	s2 =	rddreg [dreg:$0x2];
	s3 =	simm.s32 $0x1180  }
0x20: {  	[tilespmem:s3], [sflag:$0x4] =	stream.linear.gather [hbm4b:s2+s5], $0x6, $0x38;
	[tilespmem:$0x30A8] =	vst v63  }
0x21: {  	_ =	swait.ge [sflag:s30], $0x180  }
0x22: {  	[sflag:s30] =	ssyncset.done $0x0  }
0x23: {  	[sflag:s30] =	ssyncadd.s32 $0xFFFFFE80  }
0x24: {  	s29 =	simm.s32 $0x1;
	_ =	swait.ge [sflag:s31], $0x6  }
0x25: {  	v4 =	vmov s29;
	[sflag:s31] =	ssyncset.done $0x0  }
0x26: {  	v5 =	vand.u32 $0x1F, v4;
	[sflag:s31] =	ssyncadd.s32 $0xFFFFFFFA  }
0x27: {  	v6 =	vor.u32 $0x40, v5;
	_ =	swait.ge [sflag:s0], $0x400  }
0x28: {  	v7 =	vor.u32 $0x80, v5;
	[sflag:s0] =	ssyncset.done $0x0  }
0x29: {  	v8 =	vor.u32 v0, v5;
	[sflag:s0] =	ssyncadd.s32 $0xFFFFFC00  }
0x2a: {  	v10 =	vmov s5;
	v9 =	vld [tilespmem:$0x1180]  }
0x2b: {  	v12 =	vand.u32 $0x1E, v10;
	v11 =	vor.u32 $0x100, v5;
	v13 =	vld.idx.msk [tilespmem:v4+s28+$0x0], $0xffff  }
0x2c: {  	v4 =	vor.u32 v0, v12;
	v23 =	vld.idx.msk [tilespmem:v6+s28+$0x0], $0xffff  }
0x2d: {  	s29 =	simm.s32 $0x2;
	v6 =	vor.u32 v2, v12;
	v14 =	vld.idx.msk [tilespmem:v7+s28+$0x0], $0xffff  }
0x2e: {  	v41 =	vmov s29;
	v7 =	vor.u32 $0x140, v5;
	v17 =	vld.idx.msk [tilespmem:v8+s26+$0x0], $0xffff  }
0x2f: {  	v44 =	vand.u32 $0x1E, v41;
	v8 =	vor.u32 v2, v5;
	v10 =	vld.idx.msk [tilespmem:v10+s28+$0x0], $0xffff  }
0x30: {  	v15 =	vor.u32 $0x40, v12;
	v16 =	vor.u32 $0x100, v12;
	v47 =	vor.u32 v2, v44;
	v11 =	vld.idx.msk [tilespmem:v11+s28+$0x0], $0xffff  }
0x31: {  	v49 =	vor.u32 $0x40, v44;
	v50 =	vor.u32 $0x80, v44;
	v51 =	vor.u32 $0x100, v44;
	s3 =	simm.s32 $0x3;
	v20 =	vld.idx.msk [tilespmem:v4+s26+$0x0], $0xffff  }
0x32: {  	v52 =	vor.u32 $0x140, v44;
	v55 =	vor.u32 $0xC0, v44;
	v19 =	vmov s3;
	v6 =	vld.idx.msk [tilespmem:v6+s26+$0x0], $0xffff  }
0x33: {  	v34 =	vand.u32 $0x1F, v19;
	v21 =	vbroadcast v9, $0x0;
	v24 =	vbroadcast v9, $0x1;
	v25 =	vld.idx.msk [tilespmem:v7+s28+$0x0], $0xffff  }
0x34: {  	v4 =	vor.u32 $0xC0, v12;
	v22 =	vbroadcast v9, $0x2;
	v26 =	vbroadcast v9, $0x3;
	v29 =	vld.idx.msk [tilespmem:v8+s26+$0x0], $0xffff  }
0x35: {  	v36 =	vor.u32 v0, v34;
	v27 =	vbroadcast v9, $0x4;
	v31 =	vbroadcast v9, $0x5;
	v9 =	vld.idx.msk [tilespmem:v15+s28+$0x0], $0xffff  }
0x36: {  	v16 =	vld.idx.msk [tilespmem:v16+s28+$0x0], $0xffff;
	v7 =	vor.u32 $0x80, v12;
	v8 =	vmul.f32 v14, v17;
	v30 =	vmul.f32 v11, v17  }
0x37: {  	v15 =	vor.u32 $0xC0, v5;
	v18 =	vmul.f32 v13, v17;
	v33 =	vmul.f32 v23, v17  }
0x38: {  	v19 =	vld.idx.msk [tilespmem:v19+s28+$0x0], $0xffff;
	v12 =	vor.u32 $0x140, v12;
	v5 =	vmul.f32 v10, v20;
	v10 =	vmul.f32 v10, v6  }
0x39: {  	v37 =	vor.u32 $0x140, v34;
	v28 =	vld.idx.msk [tilespmem:v4+s28+$0x0], $0xffff;
	v4 =	vmul.f32 v25, v17;
	v13 =	vmul.f32 v13, v29  }
0x3a: {  	v38 =	vor.u32 $0x80, v34;
	v57 =	vld.idx.msk [tilespmem:v41+s28+$0x0], $0xffff;
	v11 =	vmul.f32 v11, v29;
	v35 =	vmul.f32 v9, v20  }
0x3b: {  	v39 =	vor.u32 $0x100, v34;
	v32 =	vld.idx.msk [tilespmem:v7+s28+$0x0], $0xffff;
	v42 =	vmul.f32 v9, v6;
	v43 =	vmul.f32 v16, v20  }
0x3c: {  	v46 =	vld.idx.msk [tilespmem:v15+s28+$0x0], $0xffff;
	v15 =	vor.u32 v0, v44;
	v54 =	vmul.f32 v16, v6;
	v5 =	vadd.f32 v5, v21  }
0x3d: {  	v12 =	vld.idx.msk [tilespmem:v12+s28+$0x0], $0xffff;
	v48 =	vmul.f32 v14, v29;
	v35 =	vadd.f32 v35, v24;
	v60 =	vadd.f32 v43, v27  }
0x3e: {  	v9 =	vld.idx.msk [tilespmem:v37+s28+$0x0], $0xffff;
	v63 =	vmul.f32 v23, v29;
	v27 =	vadd.f32 v54, v27;
	v7 =	vadd.f32 v18, v5  }
0x3f: {  	v14 =	vld.idx.msk [tilespmem:v38+s28+$0x0], $0xffff;
	v18 =	vor.u32 $0x40, v34;
	v5 =	vor.u32 $0xC0, v34;
	v40 =	vmul.f32 v28, v20  }
0x40: {  	v16 =	vld.idx.msk [tilespmem:v36+s26+$0x0], $0xffff;
	v34 =	vor.u32 v2, v34;
	v45 =	vmul.f32 v32, v20;
	v32 =	vmul.f32 v32, v6  }
0x41: {  	v23 =	vadd.f32 v30, v60;
	v30 =	vadd.f32 v33, v35;
	v33 =	vld.idx.msk [tilespmem:v51+s28+$0x0], $0xffff;
	v28 =	vmul.f32 v28, v6  }
0x42: {  	v61 =	vmul.f32 v12, v6;
	v6 =	vld.idx.msk [tilespmem:v15+s26+$0x0], $0xffff;
	v32 =	vadd.f32 v32, v22;
	v56 =	vadd.f32 v40, v26  }
0x43: {  	v62 =	vmul.f32 v12, v20;
	v22 =	vadd.f32 v45, v22;
	v26 =	vadd.f32 v28, v26;
	v28 =	vld.idx.msk [tilespmem:v39+s28+$0x0], $0xffff  }
0x44: {  	v10 =	vadd.f32 v10, v21;
	v59 =	vmul.f32 v46, v29;
	v12 =	vadd.f32 v11, v27;
	v18 =	vld.idx.msk [tilespmem:v18+s28+$0x0], $0xffff  }
0x45: {  	v35 =	vmul.f32 v19, v16;
	v37 =	vadd.f32 v62, v31;
	v15 =	vadd.f32 v8, v22;
	v8 =	vld.idx.msk [tilespmem:v47+s26+$0x0], $0xffff  }
0x46: {  	v22 =	vadd.f32 v13, v10;
	v13 =	vmul.f32 v25, v29;
	v10 =	vld.idx.msk [tilespmem:v52+s28+$0x0], $0xffff;
	v20 =	vadd.f32 v59, v26  }
0x47: {  	v25 =	vmul.f32 v46, v17;
	v27 =	vld.idx.msk [tilespmem:v34+s26+$0x0], $0xffff;
	v26 =	vadd.f32 v42, v24;
	v24 =	vadd.f32 v61, v31  }
0x48: {  	v21 =	vadd.f32 v48, v32;
	v17 =	vmul.f32 v14, v16;
	v34 =	vld.idx.msk [tilespmem:v49+s28+$0x0], $0xffff;
	v36 =	vmul.f32 v57, v6  }
0x49: {  	v32 =	vld.idx.msk [tilespmem:v50+s28+$0x0], $0xffff;
	v25 =	vadd.f32 v25, v56;
	v13 =	vadd.f32 v13, v24;
	v11 =	vmul.f32 v28, v16  }
0x4a: {  	s2 =	simm.s32 $0x4;
	v29 =	vld.idx.msk [tilespmem:v55+s28+$0x0], $0xffff;
	v26 =	vadd.f32 v63, v26;
	v31 =	vmul.f32 v57, v8;
	v24 =	vmul.f32 v18, v16  }
.LBB2_2:
0x4b: {  	s3 =	sadd.s32 $0x1, s2;
	v7 =	vadd.f32 v36, v7  }
0x4c: {  	p1 =	slt.u32 s2, $0x1E;
	v37 =	vadd.f32 v4, v37;
	v4 =	vmul.f32 v9, v16;
	v36 =	vmovc v18;
	v38 =	vmovc v9;
	v39 =	vmov v16;
	s29 =	smov.u32 s2;
	s2 =	sadd.s32 $0x2, s2  }
0x4d: {  	v40 =	vmul.f32 v19, v27;
	v41 =	vmul.f32 v28, v27;
	v42 =	vmovc v27;
	v9 =	vmov s3  }
0x4e: {  	v27 =	vmul.f32 v34, v6;
	v16 =	vand.u32 $0x1F, v9;
	v7 =	vadd.f32 v35, v7  }
0x4f: {  	v28 =	vor.u32 v0, v16;
	v18 =	vor.u32 $0x40, v16;
	v35 =	vor.u32 $0x140, v16  }
0x50: {  	v43 =	vor.u32 $0x80, v16;
	v44 =	vor.u32 $0x100, v16;
	v45 =	vmul.f32 v29, v6  }
0x51: {  	v46 =	vmov s29;
	v34 =	vmul.f32 v34, v8;
	v47 =	vmul.f32 v33, v6  }
0x52: {  	v48 =	vand.u32 $0x1E, v46;
	v49 =	vmul.f32 v32, v6;
	v50 =	vld.idx.msk [tilespmem:v5+s28+$0x0], $0xffff;
	v5 =	vor.u32 $0xC0, v16  }
0x53: {  	v53 =	vmul.f32 v14, v42;
	v51 =	vor.u32 v0, v48;
	v52 =	vor.u32 v2, v48;
	v19 =	vld.idx.msk [tilespmem:v9+s28+$0x0], $0xffff  }
0x54: {  	v32 =	vmul.f32 v32, v8;
	v54 =	vor.u32 $0x40, v48;
	v55 =	vor.u32 $0x80, v48;
	v18 =	vld.idx.msk [tilespmem:v18+s28+$0x0], $0xffff  }
0x55: {  	v56 =	vor.u32 $0x100, v48;
	v57 =	vor.u32 $0x140, v48;
	v33 =	vmul.f32 v33, v8;
	v9 =	vld.idx.msk [tilespmem:v35+s28+$0x0], $0xffff  }
0x56: {  	v30 =	vadd.f32 v27, v30;
	v27 =	vmul.f32 v29, v8;
	v35 =	vor.u32 v2, v16;
	v14 =	vld.idx.msk [tilespmem:v43+s28+$0x0], $0xffff  }
0x57: {  	v29 =	vor.u32 $0xC0, v48;
	v21 =	vadd.f32 v32, v21;
	v25 =	vadd.f32 v45, v25;
	v16 =	vld.idx.msk [tilespmem:v28+s26+$0x0], $0xffff  }
0x58: {  	v15 =	vadd.f32 v49, v15;
	v20 =	vadd.f32 v27, v20;
	v27 =	vmul.f32 v50, v42;
	v43 =	vld.idx.msk [tilespmem:v46+s28+$0x0], $0xffff  }
0x59: {  	v22 =	vadd.f32 v31, v22;
	v31 =	vmul.f32 v10, v8;
	v23 =	vadd.f32 v47, v23;
	v28 =	vld.idx.msk [tilespmem:v44+s28+$0x0], $0xffff  }
0x5a: {  	v12 =	vadd.f32 v33, v12;
	v33 =	vmul.f32 v10, v6;
	v15 =	vadd.f32 v17, v15;
	v6 =	vld.idx.msk [tilespmem:v51+s26+$0x0], $0xffff  }
0x5b: {  	v38 =	vmul.f32 v38, v42;
	v22 =	vadd.f32 v40, v22;
	v21 =	vadd.f32 v53, v21;
	v8 =	vld.idx.msk [tilespmem:v52+s26+$0x0], $0xffff  }
0x5c: {  	v12 =	vadd.f32 v41, v12;
	v32 =	vmul.f32 v50, v39;
	v20 =	vadd.f32 v27, v20;
	v10 =	vld.idx.msk [tilespmem:v57+s28+$0x0], $0xffff  }
.Ltmp0:
0x5d: {  	v26 =	vadd.f32 v34, v26;
	v13 =	vadd.f32 v31, v13;
	v17 =	vmul.f32 v14, v16;
	v27 =	vld.idx.msk [tilespmem:v35+s26+$0x0], $0xffff;
	(pc) =	sbr.rel @p1 .LBB2_2-.Ltmp0, $4  }
0x5e: {  	v23 =	vadd.f32 v11, v23;
	v39 =	vmul.f32 v36, v42;
	v25 =	vadd.f32 v32, v25;
	v34 =	vld.idx.msk [tilespmem:v54+s28+$0x0], $0xffff  }
0x5f: {  	v30 =	vadd.f32 v24, v30;
	v13 =	vadd.f32 v38, v13;
	v11 =	vmul.f32 v28, v16;
	v32 =	vld.idx.msk [tilespmem:v55+s28+$0x0], $0xffff  }
0x60: {  	v37 =	vadd.f32 v33, v37;
	v35 =	vmul.f32 v19, v16;
	v36 =	vmul.f32 v43, v6;
	v29 =	vld.idx.msk [tilespmem:v29+s28+$0x0], $0xffff  }
0x61: {  	v26 =	vadd.f32 v39, v26;
	v24 =	vmul.f32 v18, v16;
	v31 =	vmul.f32 v43, v8;
	v33 =	vld.idx.msk [tilespmem:v56+s28+$0x0], $0xffff  }
0x62: {  	v19 =	vmul.f32 v19, v27  }
0x63: {  	v14 =	vmul.f32 v14, v27;
	v18 =	vmul.f32 v18, v27  }
0x64: {  	v7 =	vadd.f32 v36, v7;
	v56 =	vmul.f32 v10, v6;
	v57 =	vmul.f32 v10, v8  }
0x65: {  	v4 =	vadd.f32 v4, v37;
	v60 =	vmul.f32 v9, v16;
	v61 =	vmul.f32 v9, v27  }
0x66: {  	v45 =	vmul.f32 v34, v6;
	v47 =	vmul.f32 v34, v8;
	v22 =	vadd.f32 v31, v22  }
0x67: {  	v7 =	vadd.f32 v35, v7;
	v38 =	vmul.f32 v32, v6;
	v4 =	vadd.f32 v56, v4  }
0x68: {  	v5 =	vld.idx.msk [tilespmem:v5+s28+$0x0], $0xffff;
	v49 =	vmul.f32 v32, v8;
	v30 =	vadd.f32 v45, v30;
	v19 =	vadd.f32 v19, v22  }
0x69: {  	v46 =	vmul.f32 v29, v6;
	v50 =	vadd.f32 v47, v26;
	[tilespmem:$0x1190] =	vst v7;
	v4 =	vadd.f32 v60, v4  }
0x6a: {  	v52 =	vmul.f32 v29, v8;
	v15 =	vadd.f32 v38, v15;
	v24 =	vadd.f32 v24, v30;
	[tilespmem:$0x11A0] =	vst v19  }
0x6b: {  	v48 =	vmul.f32 v33, v6;
	v21 =	vadd.f32 v49, v21;
	v18 =	vadd.f32 v18, v50;
	[tilespmem:$0x1230] =	vst v4  }
0x6c: {  	v51 =	vmul.f32 v33, v8;
	v8 =	vadd.f32 v57, v13;
	v15 =	vadd.f32 v17, v15;
	[tilespmem:$0x11B0] =	vst v24  }
0x6d: {  	v53 =	vadd.f32 v46, v25;
	v54 =	vmul.f32 v5, v16;
	v14 =	vadd.f32 v14, v21;
	[tilespmem:$0x11C0] =	vst v18  }
0x6e: {  	v7 =	vadd.f32 v52, v20;
	v5 =	vmul.f32 v5, v27;
	v63 =	vadd.f32 v61, v8;
	[tilespmem:$0x11D0] =	vst v15  }
0x6f: {  	v55 =	vadd.f32 v48, v23;
	v17 =	vadd.f32 v54, v53;
	[tilespmem:$0x11E0] =	vst v14  }
0x70: {  	v28 =	vmul.f32 v28, v27;
	v59 =	vadd.f32 v51, v12;
	v5 =	vadd.f32 v5, v7;
	[tilespmem:$0x1240] =	vst v63  }
0x71: {  	v11 =	vadd.f32 v11, v55;
	[tilespmem:$0x11F0] =	vst v17  }
0x72: {  	v62 =	vadd.f32 v28, v59;
	[tilespmem:$0x1200] =	vst v5  }
0x73: {  	[tilespmem:$0x1210] =	vst v11  }
0x74: {  	s2 =	simm.s32 $0x1190;
	[tilespmem:$0x1220] =	vst v62  }
0x75: {  	[spmem:s7] =	stream.linear.scatter [tilespmem:s2], [sflag:$0x5], $0x20, $0x38;
	[tilespmem:$0x30A8] =	vst v63  }
0x76: {  	_ =	swait.ge [sflag:s1], $0x20  }
0x77: {  	[sflag:s1] =	ssyncset.done $0x0  }
0x78: {  	s3 =	simm.s32 $0x11B0;
	[sflag:s1] =	ssyncadd.s32 $0xFFFFFFE0  }
0x79: {  	[spmem:s10] =	stream.linear.scatter [tilespmem:s3], [sflag:$0x5], $0x20, $0x38;
	[tilespmem:$0x30A8] =	vst v63  }
0x7a: {  	_ =	swait.ge [sflag:s1], $0x20  }
0x7b: {  	[sflag:s1] =	ssyncset.done $0x0  }
0x7c: {  	s29 =	simm.s32 $0x11D0;
	[sflag:s1] =	ssyncadd.s32 $0xFFFFFFE0  }
0x7d: {  	[spmem:s11] =	stream.linear.scatter [tilespmem:s29], [sflag:$0x5], $0x20, $0x38;
	[tilespmem:$0x30A8] =	vst v63  }
0x7e: {  	_ =	swait.ge [sflag:s1], $0x20  }
0x7f: {  	[sflag:s1] =	ssyncset.done $0x0  }
0x80: {  	[sflag:s1] =	ssyncadd.s32 $0xFFFFFFE0  }
0x81: {  	[spmem:s12] =	stream.linear.scatter [tilespmem:s4], [sflag:$0x5], $0x20, $0x38;
	[tilespmem:$0x30A8] =	vst v63  }
0x82: {  	_ =	swait.ge [sflag:s1], $0x20  }
0x83: {  	[sflag:s1] =	ssyncset.done $0x0  }
0x84: {  	[sflag:s1] =	ssyncadd.s32 $0xFFFFFFE0  }
0x85: {  	[spmem:s13] =	stream.linear.scatter [tilespmem:s16], [sflag:$0x5], $0x20, $0x38;
	[tilespmem:$0x30A8] =	vst v63  }
0x86: {  	_ =	swait.ge [sflag:s1], $0x20  }
0x87: {  	[sflag:s1] =	ssyncset.done $0x0  }
.Ltmp1:
0x88: {  	[sflag:s1] =	ssyncadd.s32 $0xFFFFFFE0;
	(pc) =	sbr.rel @p0 .LBB2_7-.Ltmp1, $4  }
0x89: {  	[spmem:s14] =	stream.linear.scatter [tilespmem:s17], [sflag:$0x5], $0x20, $0x38;
	[tilespmem:$0x30A8] =	vst v63  }
0x8a: {  	_ =	swait.ge [sflag:s1], $0x20  }
0x8b: {  	[sflag:s1] =	ssyncset.done $0x0  }
0x8c: {  	[sflag:s1] =	ssyncadd.s32 $0xFFFFFFE0  }
0x8d: {  	s2 =	simm.s32 $0x0  }
0x8e: {  	v1 =	vld [tilespmem:$0x1FFD0];
	v4 =	vmov s2  }
0x8f: {  	v6 =	vand.u32 $0x1E, v4  }
0x90: {  	s29 =	rddreg [dreg:$0x7];
	v7 =	vor.u32 $0x20, v6  }
0x91: {  	[tilespmem:s18], [sflag:$0x5] =	stream.linear.gather [hbm4b:s29+s2], $0x200, $0x38;
	v8 =	vor.u32 $0x60, v6;
	[tilespmem:$0x30A8] =	vst v63  }
0x92: {  	_ =	swait.ge [sflag:s1], $0x200;
	v9 =	vor.u32 $0xA0, v6  }
0x93: {  	[sflag:s1] =	ssyncset.done $0x0;
	v5 =	vor.u32 s2, v1  }
0x94: {  	v10 =	vor.u32 $0xE0, v6;
	[sflag:s1] =	ssyncadd.s32 $0xFFFFFE00  }
0x95: {  	v11 =	vor.u32 $0x120, v6;
	v7 =	vld.idx.msk [tilespmem:v7+s28+$0x0], $0xffff  }
0x96: {  	s3 =	simm.s32 $0x1;
	v6 =	vor.u32 $0x160, v6;
	v8 =	vld.idx.msk [tilespmem:v8+s28+$0x0], $0xffff  }
0x97: {  	s29 =	simm.s32 $0x3;
	v4 =	vor.u32 s3, v1;
	v9 =	vld.idx.msk [tilespmem:v9+s28+$0x0], $0xffff  }
0x98: {  	v24 =	vor.u32 s29, v1;
	v16 =	vld.idx.msk [tilespmem:v5+s18+$0x0], $0xffff;
	v5 =	vmov s3;
	s3 =	simm.s32 $0x2  }
0x99: {  	v10 =	vld.idx.msk [tilespmem:v10+s28+$0x0], $0xffff;
	v12 =	vand.u32 $0x1F, v5;
	v22 =	vor.u32 s3, v1  }
0x9a: {  	v11 =	vld.idx.msk [tilespmem:v11+s28+$0x0], $0xffff;
	v13 =	vor.u32 $0x20, v12  }
0x9b: {  	v20 =	vld.idx.msk [tilespmem:v6+s28+$0x0], $0xffff;
	v14 =	vor.u32 $0x60, v12  }
0x9c: {  	v4 =	vld.idx.msk [tilespmem:v4+s18+$0x0], $0xffff;
	v15 =	vor.u32 $0xA0, v12  }
0x9d: {  	v19 =	vor.u32 $0x120, v12;
	v31 =	vmul.f32 v9, v16;
	v9 =	vld.idx.msk [tilespmem:v24+s18+$0x0], $0xffff  }
0x9e: {  	v5 =	vimm.f32 $0.0e+00;
	v17 =	vor.u32 $0xE0, v12;
	v32 =	vmul.f32 v10, v16;
	v10 =	vld.idx.msk [tilespmem:v22+s18+$0x0], $0xffff  }
0x9f: {  	v6 =	vmov s3;
	v7 =	vmul.f32 v7, v16;
	v23 =	vld.idx.msk [tilespmem:v13+s28+$0x0], $0xffff;
	v13 =	vor.u32 $0x160, v12  }
0xa0: {  	v8 =	vmul.f32 v8, v16;
	v24 =	vmul.f32 v20, v16;
	v12 =	vand.u32 $0x1E, v6;
	v25 =	vld.idx.msk [tilespmem:v14+s28+$0x0], $0xffff  }
0xa1: {  	v20 =	vimm.f32 $0.0e+00;
	v22 =	vmul.f32 v11, v16;
	v28 =	vld.idx.msk [tilespmem:v15+s28+$0x0], $0xffff;
	v26 =	vor.u32 $0x20, v12  }
0xa2: {  	v6 =	vmov s29;
	v30 =	vld.idx.msk [tilespmem:v19+s28+$0x0], $0xffff;
	v7 =	vadd.f32 v7, v5;
	v27 =	vor.u32 $0x60, v12  }
0xa3: {  	v17 =	vld.idx.msk [tilespmem:v17+s28+$0x0], $0xffff;
	v8 =	vadd.f32 v8, v5;
	v6 =	vand.u32 $0x1F, v6;
	v29 =	vor.u32 $0xA0, v12  }
0xa4: {  	v18 =	vor.u32 $0xE0, v12;
	v15 =	vor.u32 $0x120, v12;
	v14 =	vor.u32 $0x160, v12;
	v21 =	vld.idx.msk [tilespmem:v13+s28+$0x0], $0xffff  }
0xa5: {  	v12 =	vor.u32 $0x20, v6;
	v19 =	vor.u32 $0xA0, v6;
	v33 =	vmul.f32 v23, v4  }
0xa6: {  	v13 =	vor.u32 $0x60, v6;
	v25 =	vmul.f32 v25, v4;
	v23 =	vmul.f32 v28, v4;
	v11 =	vld.idx.msk [tilespmem:v26+s28+$0x0], $0xffff  }
0xa7: {  	v28 =	vadd.f32 v32, v5;
	v16 =	vld.idx.msk [tilespmem:v27+s28+$0x0], $0xffff;
	v27 =	vadd.f32 v31, v5;
	v26 =	vmul.f32 v30, v4  }
0xa8: {  	s2 =	simm.s32 $0x4;
	v7 =	vadd.f32 v33, v7;
	v8 =	vadd.f32 v25, v8;
	v25 =	vmul.f32 v17, v4;
	v17 =	vld.idx.msk [tilespmem:v29+s28+$0x0], $0xffff  }
.LBB2_5:
0xa9: {  	p1 =	slt.u32 s2, $0x1E;
	v29 =	vld.idx.msk [tilespmem:v18+s28+$0x0], $0xffff;
	v5 =	vadd.f32 v22, v5;
	v18 =	vadd.f32 v24, v20;
	v0 =	vmul.f32 v21, v4  }
0xaa: {  	v21 =	vor.u32 $0xE0, v6;
	v22 =	vld.idx.msk [tilespmem:v15+s28+$0x0], $0xffff;
	v27 =	vadd.f32 v23, v27;
	v28 =	vadd.f32 v25, v28;
	v23 =	vmovc v10  }
0xab: {  	v10 =	vor.u32 $0x120, v6;
	v4 =	vmovc v9;
	v24 =	vld.idx.msk [tilespmem:v14+s28+$0x0], $0xffff;
	v5 =	vadd.f32 v26, v5;
	v20 =	vadd.f32 v0, v18  }
0xac: {  	s3 =	sadd.s32 $0x1, s2;
	v30 =	vor.u32 $0x160, v6;
	v9 =	vmov s2;
	v25 =	vor.u32 s2, v1;
	v26 =	vld.idx.msk [tilespmem:v12+s28+$0x0], $0xffff  }
0xad: {  	v6 =	vmov s3;
	v31 =	vor.u32 s3, v1;
	v9 =	vand.u32 $0x1E, v9;
	v32 =	vld.idx.msk [tilespmem:v13+s28+$0x0], $0xffff  }
0xae: {  	v6 =	vand.u32 $0x1F, v6;
	v33 =	vor.u32 $0x20, v9;
	v34 =	vor.u32 $0x60, v9;
	v35 =	vld.idx.msk [tilespmem:v19+s28+$0x0], $0xffff  }
0xaf: {  	v36 =	vor.u32 $0xA0, v9;
	v18 =	vor.u32 $0xE0, v9;
	v15 =	vor.u32 $0x120, v9;
	v37 =	vld.idx.msk [tilespmem:v21+s28+$0x0], $0xffff  }
0xb0: {  	v11 =	vmul.f32 v11, v23;
	v14 =	vor.u32 $0x160, v9;
	v16 =	vmul.f32 v16, v23;
	v38 =	vld.idx.msk [tilespmem:v10+s28+$0x0], $0xffff  }
0xb1: {  	v12 =	vor.u32 $0x20, v6;
	v39 =	vmul.f32 v17, v23;
	v29 =	vmul.f32 v29, v23;
	v21 =	vld.idx.msk [tilespmem:v30+s28+$0x0], $0xffff  }
.Ltmp2:
0xb2: {  	v13 =	vor.u32 $0x60, v6;
	v22 =	vmul.f32 v22, v23;
	v17 =	vmul.f32 v26, v4;
	v10 =	vld.idx.msk [tilespmem:v25+s18+$0x0], $0xffff;
	(pc) =	sbr.rel @p1 .LBB2_5-.Ltmp2, $4  }
0xb3: {  	v7 =	vadd.f32 v11, v7;
	v8 =	vadd.f32 v16, v8;
	v25 =	vmul.f32 v32, v4;
	v9 =	vld.idx.msk [tilespmem:v31+s18+$0x0], $0xffff  }
0xb4: {  	v19 =	vor.u32 $0xA0, v6;
	v24 =	vmul.f32 v24, v23;
	v23 =	vmul.f32 v35, v4;
	v11 =	vld.idx.msk [tilespmem:v33+s28+$0x0], $0xffff  }
0xb5: {  	v7 =	vadd.f32 v17, v7;
	v8 =	vadd.f32 v25, v8;
	v25 =	vmul.f32 v37, v4;
	v16 =	vld.idx.msk [tilespmem:v34+s28+$0x0], $0xffff  }
0xb6: {  	s2 =	sadd.s32 $0x2, s2;
	v27 =	vadd.f32 v39, v27;
	v28 =	vadd.f32 v29, v28;
	v26 =	vmul.f32 v38, v4;
	v17 =	vld.idx.msk [tilespmem:v36+s28+$0x0], $0xffff  }
0xb7: {  	_ =	sdelay $0x3  }
0xb8: {  	v18 =	vld.idx.msk [tilespmem:v18+s28+$0x0], $0xffff  }
0xb9: {  	v15 =	vld.idx.msk [tilespmem:v15+s28+$0x0], $0xffff;
	v29 =	vor.u32 $0xE0, v6  }
0xba: {  	v14 =	vld.idx.msk [tilespmem:v14+s28+$0x0], $0xffff;
	v30 =	vor.u32 $0x120, v6  }
0xbb: {  	v12 =	vld.idx.msk [tilespmem:v12+s28+$0x0], $0xffff;
	v50 =	vor.u32 $0x160, v6  }
0xbc: {  	v5 =	vadd.f32 v22, v5;
	v20 =	vadd.f32 v24, v20;
	v13 =	vld.idx.msk [tilespmem:v13+s28+$0x0], $0xffff  }
0xbd: {  	v4 =	vmul.f32 v21, v4;
	v19 =	vld.idx.msk [tilespmem:v19+s28+$0x0], $0xffff;
	v51 =	vadd.f32 v23, v27;
	v52 =	vadd.f32 v25, v28  }
0xbe: {  	v5 =	vadd.f32 v26, v5;
	v11 =	vmul.f32 v11, v10;
	v16 =	vmul.f32 v16, v10;
	v53 =	vld.idx.msk [tilespmem:v29+s28+$0x0], $0xffff  }
0xbf: {  	v4 =	vadd.f32 v4, v20;
	v17 =	vmul.f32 v17, v10;
	v54 =	vld.idx.msk [tilespmem:v30+s28+$0x0], $0xffff;
	v18 =	vmul.f32 v18, v10  }
0xc0: {  	v7 =	vadd.f32 v11, v7;
	v6 =	vld.idx.msk [tilespmem:v50+s28+$0x0], $0xffff;
	v15 =	vmul.f32 v15, v10;
	v12 =	vmul.f32 v12, v9  }
0xc1: {  	v8 =	vadd.f32 v16, v8;
	v55 =	vmul.f32 v13, v9;
	v56 =	vmul.f32 v14, v10  }
0xc2: {  	v57 =	vmul.f32 v19, v9;
	v59 =	vadd.f32 v17, v51;
	v7 =	vadd.f32 v12, v7  }
0xc3: {  	v8 =	vadd.f32 v55, v8;
	v61 =	vadd.f32 v18, v52;
	v60 =	vmul.f32 v53, v9  }
0xc4: {  	v5 =	vadd.f32 v15, v5;
	v12 =	vadd.f32 v57, v59;
	[tilespmem:$0x1190] =	vst v7;
	v62 =	vmul.f32 v54, v9  }
0xc5: {  	v4 =	vadd.f32 v56, v4;
	[tilespmem:$0x11B0] =	vst v8;
	v6 =	vmul.f32 v6, v9;
	v63 =	vadd.f32 v60, v61  }
0xc6: {  	[tilespmem:$0x11D0] =	vst v12;
	v5 =	vadd.f32 v62, v5  }
0xc7: {  	v4 =	vadd.f32 v6, v4;
	[tilespmem:$0x11F0] =	vst v63  }
0xc8: {  	[tilespmem:$0x1210] =	vst v5  }
0xc9: {  	s2 =	rddreg [dreg:$0x6];
	s3 =	simm.s32 $0x1190;
	[tilespmem:$0x1230] =	vst v4  }
0xca: {  	[spmem:s2] =	stream.linear.scatter [tilespmem:s3], [sflag:$0x5], $0x10, $0x38;
	[tilespmem:$0x30A8] =	vst v63  }
0xcb: {  	_ =	swait.ge [sflag:s1], $0x10  }
0xcc: {  	[sflag:s1] =	ssyncset.done $0x0  }
0xcd: {  	s29 =	simm.s32 $0x11B0;
	s3 =	rddreg [dreg:$0x8];
	[sflag:s1] =	ssyncadd.s32 $0xFFFFFFF0  }
0xce: {  	[spmem:s3] =	stream.linear.scatter [tilespmem:s29], [sflag:$0x5], $0x10, $0x38;
	[tilespmem:$0x30A8] =	vst v63  }
0xcf: {  	_ =	swait.ge [sflag:s1], $0x10  }
0xd0: {  	[sflag:s1] =	ssyncset.done $0x0  }
0xd1: {  	s29 =	simm.s32 $0x11D0;
	s3 =	rddreg [dreg:$0x9];
	[sflag:s1] =	ssyncadd.s32 $0xFFFFFFF0  }
0xd2: {  	[spmem:s3] =	stream.linear.scatter [tilespmem:s29], [sflag:$0x5], $0x10, $0x38;
	[tilespmem:$0x30A8] =	vst v63  }
0xd3: {  	_ =	swait.ge [sflag:s1], $0x10  }
0xd4: {  	[sflag:s1] =	ssyncset.done $0x0  }
0xd5: {  	s29 =	rddreg [dreg:$0xa];
	[sflag:s1] =	ssyncadd.s32 $0xFFFFFFF0  }
0xd6: {  	[spmem:s29] =	stream.linear.scatter [tilespmem:s4], [sflag:$0x5], $0x10, $0x38;
	[tilespmem:$0x30A8] =	vst v63  }
0xd7: {  	_ =	swait.ge [sflag:s1], $0x10  }
0xd8: {  	[sflag:s1] =	ssyncset.done $0x0  }
0xd9: {  	s3 =	rddreg [dreg:$0xb];
	[sflag:s1] =	ssyncadd.s32 $0xFFFFFFF0  }
0xda: {  	[spmem:s3] =	stream.linear.scatter [tilespmem:s16], [sflag:$0x5], $0x10, $0x38;
	[tilespmem:$0x30A8] =	vst v63  }
0xdb: {  	_ =	swait.ge [sflag:s1], $0x10  }
0xdc: {  	[sflag:s1] =	ssyncset.done $0x0  }
0xdd: {  	s29 =	rddreg [dreg:$0xc];
	[sflag:s1] =	ssyncadd.s32 $0xFFFFFFF0  }
0xde: {  	[spmem:s29] =	stream.linear.scatter [tilespmem:s17], [sflag:$0x5], $0x10, $0x38;
	[tilespmem:$0x30A8] =	vst v63  }
0xdf: {  	_ =	swait.ge [sflag:s1], $0x10  }
0xe0: {  	[sflag:s1] =	ssyncset.done $0x0  }
0xe1: {  	[sflag:s1] =	ssyncadd.s32 $0xFFFFFFF0  }
.LBB2_7:
0xe2: {  	_ =	swait.ge [sflag:s19], $0xA00  }
0xe3: {  	[sflag:s19] =	ssyncset.done $0x0  }
0xe4: {  	s2 =	simm.s32 $0x420;
	[sflag:s19] =	ssyncadd.s32 $0xFFFFF600  }
0xe5: {  	v4 =	vld [tilespmem:s2+$0xFFFFFC10]  }
0xe6: {  	v5 =	vld [tilespmem:s2+$0xFFFFFE10]  }
0xe7: {  	v6 =	vld [tilespmem:s2+$0x210]  }
0xe8: {  	v7 =	vld [tilespmem:s2+$0x410]  }
0xe9: {  	v10 =	vld [tilespmem:s2+$0xFFFFFDE0]  }
0xea: {  	v11 =	vld [tilespmem:s2+$0x1E0]  }
0xeb: {  	v12 =	vld [tilespmem:s2+$0x3E0]  }
0xec: {  	v13 =	vld [tilespmem:s2+$0xFFFFFBF0]  }
0xed: {  	v14 =	vld [tilespmem:s2+$0xFFFFFDF0]  }
0xee: {  	v21 =	vld [tilespmem:s2+$0xFFFFFBE0]  }
0xef: {  	v9 =	vsub.f32 v6, v4;
	v8 =	vsub.f32 v7, v5;
	v4 =	vld [tilespmem:s2+$0x1F0]  }
0xf0: {  	v15 =	vld [tilespmem:s2+$0xFFFFFC00]  }
0xf1: {  	v5 =	vld [tilespmem:s2+$0x3F0];
	v6 =	vand.u32 $0x7FFFFFFF, v9;
	v7 =	vand.u32 $0x7FFFFFFF, v8  }
0xf2: {  	v16 =	vld [tilespmem:s2+$0xFFFFFE00];
	v10 =	vsub.f32 v12, v10;
	vm5 =	vgt.f32 v7, v6  }
0xf3: {  	v12 =	vld [tilespmem:s2+$0x200];
	v11 =	vsub.f32 v11, v21;
	v18 =	vmul.f32 v9, v9;
	v17 =	vsel vm5, v7, v6  }
0xf4: {  	v19 =	vmul.f32 v8, v8;
	(erf) = vrcp.f32 v17;
	v4 =	vsub.f32 v4, v13;
	v13 =	vld [tilespmem:s2+$0x400]  }
0xf5: {  	v20 =	vand.u32 $0x7FFFFFFF, v10;
	vm0 =	vlt.f32 v10, $0.0e+00;
	v10 =	vmul.f32 v10, v10  }
0xf6: {  	v48 =	vand.u32 $0x7FFFFFFF, v11;
	vm9 =	vlt.f32 v11, $0.0e+00;
	v5 =	vsub.f32 v5, v14  }
0xf7: {  	v11 =	vmul.f32 v11, v11;
	vm7 =	vgt.f32 v20, v48;
	v47 =	vand.u32 $0x7FFFFFFF, v4  }
0xf8: {  	v22 =	vand.u32 $0x7FFFFFFF, v5;
	v23 =	vmul.f32 v5, v5;
	vm1 =	vlt.f32 v5, $0.0e+00  }
0xf9: {  	v5 =	vsub.f32 v12, v15;
	vm3 =	vgt.f32 v22, v47;
	v13 =	vsub.f32 v13, v16  }
0xfa: {  	v6 =	vsel vm5, v6, v7;
	v50 =	vsel vm7, v48, v20;
	v12 =	vsel vm3, v22, v47  }
0xfb: {  	v15 =	vand.u32 $0x7FFFFFFF, v5;
	(erf) = vrcp.f32 v12;
	v16 =	vand.u32 $0x7FFFFFFF, v13  }
0xfc: {  	v10 =	vadd.f32 v10, v11;
	v14 =	vadd.f32 v19, v18;
	vm6 =	vgt.f32 v16, v15  }
0xfd: {  	v46 =	vmul.f32 v4, v4;
	vm2 =	vlt.f32 v4, $0.0e+00;
	v7 =	vpop (erf);
	v49 =	vsel vm6, v16, v15  }
0xfe: {  	v4 =	vmax.f32 v14, $1.000000020e-35;
	v6 =	vmul.f32 v7, v6;
	(erf) = vrcp.f32 v49  }
0xff: {  	vm4 =	veq.f32 v17, $0.0e+00;
	v53 =	vshra.s32 v4, $0x1;
	v7 =	vsel vm7, v20, v48  }
0x100: {  	vm11 =	veq.f32 v12, $0.0e+00;
	(erf) = vrcp.f32 v7;
	v12 =	vsel vm4, $0x0, v6  }
0x101: {  	v14 =	vsel vm3, v47, v22;
	v52 =	vmul.f32 v5, v5;
	v51 =	vmul.f32 v12, v12  }
0x102: {  	vm14 =	vlt.f32 v13, $0.0e+00;
	v13 =	vmul.f32 v13, v13;
	vm10 =	veq.f32 v7, $0.0e+00  }
0x103: {  	v6 =	vsel vm6, v15, v16;
	v15 =	vadd.f32 v23, v46;
	v7 =	vmul.f32 $2.093181200e-02, v51  }
0x104: {  	vm8 =	vlt.f32 v5, $0.0e+00;
	v18 =	vsub.s32 $0x5F3759DF, v53;
	v11 =	vadd.f32 v13, v52;
	v5 =	vpop (erf)  }
0x105: {  	v14 =	vmul.f32 v5, v14;
	v5 =	vmax.f32 v15, $1.000000020e-35;
	v7 =	vadd.f32 $-8.540830760e-02, v7  }
0x106: {  	vm12 =	veq.f32 v49, $0.0e+00;
	v15 =	vmul.f32 $5.000000000e-01, v4;
	v61 =	vmul.f32 $5.000000000e-01, v5  }
0x107: {  	v25 =	vshra.s32 v5, $0x1;
	v13 =	vsel vm11, $0x0, v14;
	v14 =	vmul.f32 v7, v51;
	v54 =	vpop (erf)  }
0x108: {  	v7 =	vmax.f32 v10, $1.000000020e-35;
	v10 =	vmul.f32 v13, v13;
	v16 =	vmul.f32 v54, v6  }
0x109: {  	v34 =	vmul.f32 v18, v15;
	v56 =	vpop (erf);
	v6 =	vmax.f32 v11, $1.000000020e-35;
	v14 =	vadd.f32 $1.804126800e-01, v14  }
0x10a: {  	v11 =	vmul.f32 v56, v50;
	v57 =	vmul.f32 $2.093181200e-02, v10;
	v16 =	vsel vm12, $0x0, v16  }
0x10b: {  	v25 =	vsub.s32 $0x5F3759DF, v25;
	v14 =	vmul.f32 v14, v51;
	v60 =	vmul.f32 v16, v16  }
0x10c: {  	v29 =	vmul.f32 v25, v61;
	v11 =	vsel vm10, $0x0, v11;
	v17 =	vadd.f32 $-8.540830760e-02, v57  }
0x10d: {  	v24 =	vmul.f32 v11, v11;
	v14 =	vadd.f32 $-3.304055630e-01, v14;
	v26 =	vmul.f32 $2.093181200e-02, v60  }
0x10e: {  	vm15 =	vlt.f32 v9, $0.0e+00;
	v39 =	vmul.f32 v18, v34;
	v17 =	vmul.f32 v17, v10  }
0x10f: {  	v28 =	vmul.f32 $2.093181200e-02, v24;
	v14 =	vmul.f32 v14, v51;
	v63 =	vadd.f32 $-8.540830760e-02, v26  }
0x110: {  	v55 =	vshra.s32 v7, $0x1;
	v59 =	vmul.f32 $5.000000000e-01, v7;
	v17 =	vadd.f32 $1.804126800e-01, v17  }
0x111: {  	v28 =	vadd.f32 $-8.540830760e-02, v28;
	v14 =	vadd.f32 $9.998787640e-01, v14;
	v20 =	vmul.f32 v63, v60  }
0x112: {  	v36 =	vmul.f32 v25, v29;
	v62 =	vsub.s32 $0x5F3759DF, v55;
	v17 =	vmul.f32 v17, v10  }
0x113: {  	v28 =	vmul.f32 v28, v24;
	v12 =	vmul.f32 v14, v12;
	v20 =	vadd.f32 $1.804126800e-01, v20  }
0x114: {  	v0 =	vmul.f32 $5.000000000e-01, v6;
	v14 =	vmul.f32 v62, v59;
	v17 =	vadd.f32 $-3.304055630e-01, v17  }
0x115: {  	v28 =	vadd.f32 $1.804126800e-01, v28;
	v30 =	vsub.f32 $1.570796370e+00, v12;
	v1 =	vmul.f32 v20, v60  }
0x116: {  	v27 =	vshra.s32 v6, $0x1;
	v10 =	vmul.f32 v17, v10;
	v9 =	vmul.f32 v62, v14  }
0x117: {  	v2 =	vmul.f32 v28, v24;
	v12 =	vsel vm5, v30, v12;
	v17 =	vadd.f32 $-3.304055630e-01, v1  }
0x118: {  	v27 =	vsub.s32 $0x5F3759DF, v27;
	v10 =	vadd.f32 $9.998787640e-01, v10;
	v31 =	vsub.f32 $3.141592740e+00, v12  }
0x119: {  	v33 =	vmul.f32 v27, v0;
	v9 =	vsub.f32 $1.500000000e+00, v9;
	v20 =	vadd.f32 $-3.304055630e-01, v2  }
0x11a: {  	v14 =	vmul.f32 v17, v60;
	v10 =	vmul.f32 v10, v13;
	v12 =	vsel vm15, v31, v12  }
0x11b: {  	v9 =	vmul.f32 v62, v9;
	v35 =	vmul.f32 v20, v24;
	v13 =	vsub.f32 $0.0e+00, v12  }
0x11c: {  	vm10 =	vlt.f32 v8, $0.0e+00;
	v14 =	vadd.f32 $9.998787640e-01, v14;
	v37 =	vsub.f32 $1.570796370e+00, v10  }
0x11d: {  	v20 =	vsub.f32 $1.500000000e+00, v36;
	v48 =	vmul.f32 v9, v59;
	v8 =	vadd.f32 $9.998787640e-01, v35  }
0x11e: {  	v38 =	vld [tilespmem:s2+$0x10];
	v12 =	vsel vm10, v13, v12;
	v13 =	vmul.f32 v14, v16;
	v10 =	vsel vm3, v37, v10  }
0x11f: {  	v12 =	vmul.f32 $5.729578020e+01, v12;
	v8 =	vmul.f32 v8, v11;
	v41 =	vsub.f32 $3.141592740e+00, v10  }
0x120: {  	v20 =	vmul.f32 v25, v20;
	v11 =	vmul.f32 v27, v33;
	v14 =	vsub.f32 $1.570796370e+00, v13  }
0x121: {  	v12 =	vsub.f32 $9.000000000e+01, v12;
	v40 =	vsub.f32 $1.570796370e+00, v8;
	v10 =	vsel vm2, v41, v10  }
0x122: {  	v49 =	vmul.f32 v20, v61;
	v13 =	vsel vm6, v14, v13;
	v19 =	vsub.f32 $0.0e+00, v10  }
0x123: {  	v12 =	vsub.f32 v12, v38;
	v8 =	vsel vm7, v40, v8;
	v14 =	vsub.f32 $3.141592740e+00, v13  }
0x124: {  	v11 =	vsub.f32 $1.500000000e+00, v11;
	v56 =	vmul.f32 v49, v20;
	v17 =	vsub.f32 $3.141592740e+00, v8  }
0x125: {  	v44 =	vld [tilespmem:s2+$0xFFFFFFF0];
	v10 =	vsel vm1, v19, v10;
	v22 =	vmul.f32 $2.777777850e-03, v12;
	v13 =	vsel vm8, v14, v13  }
0x126: {  	v10 =	vmul.f32 $5.729578020e+01, v10;
	v8 =	vsel vm9, v17, v8;
	v42 =	vsub.f32 $0.0e+00, v13  }
0x127: {  	v11 =	vmul.f32 v27, v11;
	v43 =	vtrunc.f32 v22;
	v45 =	vsub.f32 $0.0e+00, v8  }
0x128: {  	v46 =	vld [tilespmem:s2+$0x0];
	v10 =	vsub.f32 $9.000000000e+01, v10;
	v17 =	vcvt.f32.s32 v43;
	v13 =	vsel vm14, v42, v13  }
0x129: {  	v47 =	vld [tilespmem:s2+$0xFFFFFFE0];
	v14 =	vsub.f32 $1.500000000e+00, v39;
	v8 =	vsel vm0, v45, v8;
	v13 =	vmul.f32 $5.729578020e+01, v13  }
0x12a: {  	v10 =	vsub.f32 v10, v44;
	v17 =	vcvt.s32.f32 v17;
	v8 =	vmul.f32 $5.729578020e+01, v8  }
0x12b: {  	v51 =	vmul.f32 v11, v0;
	v14 =	vmul.f32 v18, v14;
	v13 =	vsub.f32 $9.000000000e+01, v13  }
0x12c: {  	v50 =	vmul.f32 $2.777777850e-03, v10;
	v17 =	vmul.f32 $3.600000000e+02, v17;
	v8 =	vsub.f32 $9.000000000e+01, v8  }
0x12d: {  	v18 =	vmul.f32 v48, v9;
	v15 =	vmul.f32 v14, v15;
	v13 =	vsub.f32 v13, v46  }
0x12e: {  	v16 =	vtrunc.f32 v50;
	v12 =	vsub.f32 v12, v17;
	v8 =	vsub.f32 v8, v47  }
0x12f: {  	v18 =	vsub.f32 $1.500000000e+00, v18;
	v16 =	vcvt.f32.s32 v16;
	v19 =	vmul.f32 $2.777777850e-03, v13  }
0x130: {  	v15 =	vmul.f32 v15, v14;
	v52 =	vadd.f32 $3.600000000e+02, v12;
	v53 =	vmul.f32 $2.777777850e-03, v8  }
0x131: {  	vm11 =	vlt.f32 v12, $0.0e+00;
	v16 =	vcvt.s32.f32 v16;
	v19 =	vtrunc.f32 v19  }
0x132: {  	v12 =	vsel vm11, v52, v12;
	v54 =	vtrunc.f32 v53;
	v19 =	vcvt.f32.s32 v19  }
0x133: {  	v16 =	vmul.f32 $3.600000000e+02, v16;
	v55 =	vadd.f32 $-3.600000000e+02, v12;
	v22 =	vcvt.f32.s32 v54  }
0x134: {  	v18 =	vmul.f32 v18, v9;
	vm0 =	vge.f32 v12, $3.600000000e+02;
	v19 =	vcvt.s32.f32 v19  }
0x135: {  	v10 =	vsub.f32 v10, v16;
	v12 =	vsel vm0, v55, v12;
	v22 =	vcvt.s32.f32 v22  }
0x136: {  	v15 =	vsub.f32 $1.500000000e+00, v15;
	v12 =	vmul.f32 $1.333333400e-01, v12;
	v19 =	vmul.f32 $3.600000000e+02, v19  }
0x137: {  	v17 =	vmul.f32 v51, v11;
	v57 =	vadd.f32 $3.600000000e+02, v10;
	v22 =	vmul.f32 $3.600000000e+02, v22  }
0x138: {  	vm14 =	vlt.f32 v10, $0.0e+00;
	v12 =	vtrunc.f32 v12;
	v13 =	vsub.f32 v13, v19  }
0x139: {  	v10 =	vsel vm14, v57, v10;
	v12 =	vcvt.f32.s32 v12;
	v8 =	vsub.f32 v8, v22  }
0x13a: {  	vm1 =	vge.f32 v10, $3.600000000e+02;
	v63 =	vadd.f32 $-3.600000000e+02, v10;
	v59 =	vadd.f32 $3.600000000e+02, v13  }
0x13b: {  	vm15 =	vlt.f32 v13, $0.0e+00;
	vm12 =	vlt.s32 v12, $0x3F;
	v22 =	vadd.f32 $3.600000000e+02, v8  }
0x13c: {  	vm13 =	vlt.f32 v8, $0.0e+00;
	v10 =	vsel vm1, v63, v10;
	v60 =	vnsel vm12, $0x3F, v12  }
0x13d: {  	v61 =	vsel vm15, v59, v13;
	v12 =	vsub.f32 $1.500000000e+00, v56;
	v13 =	vsub.f32 $1.500000000e+00, v17  }
0x13e: {  	v10 =	vmul.f32 $1.333333400e-01, v10;
	v8 =	vsel vm13, v22, v8;
	vm2 =	vge.f32 v61, $3.600000000e+02  }
0x13f: {  	v21 =	vadd.f32 $-3.600000000e+02, v61;
	v62 =	vadd.f32 $-3.600000000e+02, v8;
	v9 =	vmul.f32 v12, v20  }
0x140: {  	vm0 =	vge.f32 v8, $3.600000000e+02;
	v12 =	vmul.f32 v13, v11;
	v11 =	vmul.f32 v18, v7  }
0x141: {  	s2 =	simm.s32 $0x1450;
	v16 =	vsel vm0, v62, v8;
	v8 =	vmul.f32 v15, v14;
	v14 =	vsel vm2, v21, v61  }
0x142: {  	s3 =	simm.s32 $0x0;
	s29 =	simm.s32 $0x460;
	[tilespmem:s2+$0x30] =	vst v60;
	v13 =	vmul.f32 $1.333333400e-01, v16;
	v7 =	vmul.f32 $1.333333400e-01, v14  }
.LBB2_8:
0x143: {  	v15 =	vld [tilespmem:s29+$0xFFFFFC10];
	v5 =	vmul.f32 v9, v5;
	v6 =	vmul.f32 v12, v6  }
0x144: {  	v12 =	vtrunc.f32 v13;
	v4 =	vmul.f32 v8, v4;
	v9 =	vld [tilespmem:s29+$0xFFFFFE10]  }
0x145: {  	v10 =	vtrunc.f32 v10;
	v7 =	vtrunc.f32 v7;
	v8 =	vld [tilespmem:s29+$0x210]  }
0x146: {  	s3 =	sadd.s32 $0x4, s3;
	v11 =	vmul.f32 $2.000000030e-01, v11;
	v5 =	vmul.f32 $2.000000030e-01, v5;
	v16 =	vld [tilespmem:s29+$0x410]  }
0x147: {  	p1 =	slt.u32 s3, $0x1C;
	v6 =	vmul.f32 $2.000000030e-01, v6;
	v4 =	vmul.f32 $2.000000030e-01, v4;
	v17 =	vld [tilespmem:s29+$0xFFFFFDE0]  }
0x148: {  	v19 =	vcvt.f32.s32 v12;
	v14 =	vcvt.f32.s32 v10;
	v18 =	vld [tilespmem:s29+$0x1E0]  }
0x149: {  	v13 =	vcvt.f32.s32 v7;
	v20 =	vtrunc.f32 v11;
	v10 =	vld [tilespmem:s29+$0x3E0]  }
0x14a: {  	vm1 =	vlt.s32 v19, $0x3F;
	v5 =	vtrunc.f32 v5;
	v6 =	vtrunc.f32 v6;
	v7 =	vld [tilespmem:s29+$0xFFFFFBF0]  }
0x14b: {  	v4 =	vtrunc.f32 v4;
	v12 =	vsub.f32 v8, v15;
	v21 =	vld [tilespmem:s29+$0xFFFFFDF0];
	v11 =	vsub.f32 v16, v9  }
0x14c: {  	vm7 =	vlt.s32 v14, $0x3F;
	vm3 =	vlt.s32 v13, $0x3F;
	v9 =	vcvt.f32.s32 v20;
	v8 =	vld [tilespmem:s29+$0x1F0]  }
0x14d: {  	v16 =	vmul.f32 v12, v12;
	v20 =	vand.u32 $0x7FFFFFFF, v12;
	v15 =	vld [tilespmem:s29+$0x3F0];
	v22 =	vand.u32 $0x7FFFFFFF, v11  }
0x14e: {  	v23 =	vmul.f32 v11, v11;
	v10 =	vsub.f32 v10, v17;
	v17 =	vld [tilespmem:s29+$0xFFFFFC00];
	vm5 =	vgt.f32 v22, v20;
	[tilespmem:s2+$0xFFFFFE00] =	vst v9  }
0x14f: {  	v5 =	vcvt.f32.s32 v5;
	v6 =	vcvt.f32.s32 v6;
	v24 =	vld [tilespmem:s29+$0xFFFFFE00];
	v25 =	vsel vm5, v22, v20  }
0x150: {  	v26 =	vand.u32 $0x7FFFFFFF, v10;
	vm0 =	vlt.f32 v10, $0.0e+00;
	v27 =	vld [tilespmem:s29+$0x200];
	(erf) = vrcp.f32 v25  }
0x151: {  	v16 =	vadd.f32 v23, v16;
	v28 =	vmul.f32 v10, v10;
	v7 =	vsub.f32 v8, v7;
	v29 =	vld [tilespmem:s29+$0x400];
	[tilespmem:s2+$0xFFFFFE10] =	vst v5  }
0x152: {  	v4 =	vcvt.f32.s32 v4;
	v9 =	vnsel vm1, $0x3F, v19;
	v5 =	vld [tilespmem:s29+$0xFFFFFBE0];
	v10 =	vsub.f32 v15, v21;
	[tilespmem:s2+$0xFFFFFE20] =	vst v6  }
0x153: {  	v8 =	vld [tilespmem:s29+$0xFFFFFFE0];
	v6 =	vmul.f32 v7, v7;
	v15 =	vand.u32 $0x7FFFFFFF, v7;
	vm2 =	vlt.f32 v7, $0.0e+00;
	[tilespmem:s2+$0x0] =	vst v9  }
0x154: {  	v9 =	vld [tilespmem:s29+$0xFFFFFFF0];
	v7 =	vmul.f32 v10, v10;
	v19 =	vand.u32 $0x7FFFFFFF, v10;
	vm1 =	vlt.f32 v10, $0.0e+00;
	[tilespmem:s2+$0xFFFFFE30] =	vst v4  }
0x155: {  	v4 =	vmax.f32 v16, $1.000000020e-35;
	vm6 =	vgt.f32 v19, v15;
	v10 =	vld [tilespmem:s29+$0x0];
	v17 =	vsub.f32 v27, v17  }
0x156: {  	v16 =	vsel vm6, v15, v19;
	v15 =	vsel vm6, v19, v15;
	v19 =	vsub.f32 v29, v24  }
0x157: {  	v5 =	vsub.f32 v18, v5;
	v18 =	vand.u32 $0x7FFFFFFF, v17;
	(erf) = vrcp.f32 v15  }
0x158: {  	vm13 =	veq.f32 v15, $0.0e+00;
	vm4 =	vlt.f32 v17, $0.0e+00;
	v15 =	vand.u32 $0x7FFFFFFF, v19  }
0x159: {  	v20 =	vsel vm5, v20, v22;
	v21 =	vand.u32 $0x7FFFFFFF, v5;
	vm9 =	vgt.f32 v15, v18;
	v22 =	vpop (erf)  }
0x15a: {  	vm10 =	vgt.f32 v26, v21;
	v23 =	vsel vm9, v15, v18;
	v20 =	vmul.f32 v22, v20  }
0x15b: {  	vm8 =	veq.f32 v25, $0.0e+00;
	v22 =	vsel vm10, v26, v21;
	(erf) = vrcp.f32 v23  }
0x15c: {  	v21 =	vsel vm10, v21, v26;
	v20 =	vsel vm8, $0x0, v20;
	(erf) = vrcp.f32 v22  }
0x15d: {  	v18 =	vsel vm9, v18, v15;
	vm12 =	veq.f32 v22, $0.0e+00;
	v22 =	vmul.f32 v20, v20  }
0x15e: {  	vm11 =	vlt.f32 v5, $0.0e+00;
	vm14 =	veq.f32 v23, $0.0e+00;
	vm8 =	vlt.f32 v19, $0.0e+00  }
0x15f: {  	v6 =	vadd.f32 v7, v6;
	v5 =	vmul.f32 v5, v5;
	v7 =	vmul.f32 $2.093181200e-02, v22  }
0x160: {  	v15 =	vmul.f32 v17, v17;
	v17 =	vmul.f32 v19, v19;
	v19 =	vshra.s32 v4, $0x1;
	v23 =	vpop (erf)  }
0x161: {  	v24 =	vadd.f32 v28, v5;
	v16 =	vmul.f32 v23, v16;
	v23 =	vadd.f32 $-8.540830760e-02, v7  }
0x162: {  	v5 =	vmax.f32 v6, $1.000000020e-35;
	v6 =	vadd.f32 v17, v15;
	v15 =	vmul.f32 $5.000000000e-01, v4  }
0x163: {  	v7 =	vmax.f32 v24, $1.000000020e-35;
	v24 =	vsel vm13, $0x0, v16;
	v0 =	vmul.f32 v23, v22  }
0x164: {  	v6 =	vmax.f32 v6, $1.000000020e-35;
	v23 =	vshra.s32 v7, $0x1;
	v25 =	vmul.f32 v24, v24;
	v26 =	vpop (erf)  }
0x165: {  	v16 =	vmul.f32 $5.000000000e-01, v7;
	v18 =	vmul.f32 v26, v18;
	v26 =	vadd.f32 $1.804126800e-01, v0;
	v17 =	vpop (erf)  }
0x166: {  	v27 =	vshra.s32 v5, $0x1;
	v21 =	vmul.f32 v17, v21;
	v28 =	vmul.f32 $2.093181200e-02, v25  }
0x167: {  	v17 =	vmul.f32 $5.000000000e-01, v5;
	v18 =	vsel vm14, $0x0, v18;
	v26 =	vmul.f32 v26, v22  }
0x168: {  	v21 =	vsel vm12, $0x0, v21;
	v28 =	vadd.f32 $-8.540830760e-02, v28;
	v29 =	vmul.f32 v18, v18  }
0x169: {  	v31 =	vshra.s32 v6, $0x1;
	v30 =	vmul.f32 v21, v21;
	v26 =	vadd.f32 $-3.304055630e-01, v26  }
0x16a: {  	v23 =	vsub.s32 $0x5F3759DF, v23;
	v28 =	vmul.f32 v28, v25;
	v32 =	vmul.f32 $2.093181200e-02, v29  }
0x16b: {  	v27 =	vsub.s32 $0x5F3759DF, v27;
	v33 =	vmul.f32 $2.093181200e-02, v30;
	v22 =	vmul.f32 v26, v22  }
0x16c: {  	v26 =	vadd.f32 $1.804126800e-01, v28;
	v28 =	vmul.f32 $5.000000000e-01, v6;
	v32 =	vadd.f32 $-8.540830760e-02, v32  }
0x16d: {  	v31 =	vsub.s32 $0x5F3759DF, v31;
	v33 =	vadd.f32 $-8.540830760e-02, v33;
	v22 =	vadd.f32 $9.998787640e-01, v22  }
0x16e: {  	v19 =	vsub.s32 $0x5F3759DF, v19;
	v26 =	vmul.f32 v26, v25;
	v32 =	vmul.f32 v32, v29  }
0x16f: {  	v14 =	vnsel vm7, $0x3F, v14;
	v33 =	vmul.f32 v33, v30;
	v20 =	vmul.f32 v22, v20  }
0x170: {  	v22 =	vmul.f32 v23, v16;
	v26 =	vadd.f32 $-3.304055630e-01, v26;
	v32 =	vadd.f32 $1.804126800e-01, v32;
	[tilespmem:s2+$0x10] =	vst v14  }
0x171: {  	v14 =	vadd.f32 $1.804126800e-01, v33;
	v33 =	vmul.f32 v27, v17;
	v34 =	vsub.f32 $1.570796370e+00, v20  }
0x172: {  	v13 =	vnsel vm3, $0x3F, v13;
	v25 =	vmul.f32 v26, v25;
	v26 =	vmul.f32 v32, v29  }
0x173: {  	v32 =	vmul.f32 v31, v28;
	v14 =	vmul.f32 v14, v30;
	v20 =	vsel vm5, v34, v20;
	[tilespmem:s2+$0x20] =	vst v13  }
0x174: {  	v13 =	vadd.f32 $-3.304055630e-01, v26;
	v26 =	vmul.f32 v19, v15;
	v34 =	vsub.f32 $3.141592740e+00, v20  }
0x175: {  	vm3 =	vlt.f32 v12, $0.0e+00;
	v25 =	vadd.f32 $9.998787640e-01, v25;
	v14 =	vadd.f32 $-3.304055630e-01, v14  }
0x176: {  	v12 =	vmul.f32 v23, v22;
	v13 =	vmul.f32 v13, v29;
	v20 =	vsel vm3, v34, v20  }
0x177: {  	v22 =	vmul.f32 v25, v24;
	v14 =	vmul.f32 v14, v30;
	v24 =	vsub.f32 $0.0e+00, v20  }
0x178: {  	v25 =	vmul.f32 v27, v33;
	vm3 =	vlt.f32 v11, $0.0e+00;
	v13 =	vadd.f32 $9.998787640e-01, v13  }
0x179: {  	v11 =	vadd.f32 $9.998787640e-01, v14;
	v14 =	vsub.f32 $1.570796370e+00, v22;
	v29 =	vld [tilespmem:s29+$0x10];
	v20 =	vsel vm3, v24, v20  }
0x17a: {  	v12 =	vsub.f32 $1.500000000e+00, v12;
	v13 =	vmul.f32 v13, v18;
	v18 =	vmul.f32 $5.729578020e+01, v20  }
0x17b: {  	v20 =	vmul.f32 v31, v32;
	v11 =	vmul.f32 v11, v21;
	v14 =	vsel vm6, v14, v22  }
0x17c: {  	v22 =	vmul.f32 v19, v26;
	v21 =	vsub.f32 $1.570796370e+00, v13;
	v18 =	vsub.f32 $9.000000000e+01, v18  }
0x17d: {  	v12 =	vmul.f32 v23, v12;
	v24 =	vsub.f32 $3.141592740e+00, v14;
	v23 =	vsub.f32 $1.570796370e+00, v11  }
0x17e: {  	v25 =	vsub.f32 $1.500000000e+00, v25;
	v13 =	vsel vm9, v21, v13;
	v18 =	vsub.f32 v18, v29  }
0x17f: {  	v14 =	vsel vm2, v24, v14;
	v11 =	vsel vm10, v23, v11;
	v21 =	vsub.f32 $3.141592740e+00, v13  }
0x180: {  	v24 =	vsub.f32 $0.0e+00, v14;
	v23 =	vsub.f32 $3.141592740e+00, v11;
	v26 =	vmul.f32 $2.777777850e-03, v18  }
0x181: {  	v20 =	vsub.f32 $1.500000000e+00, v20;
	v13 =	vsel vm4, v21, v13;
	v21 =	vsub.f32 $1.500000000e+00, v22  }
0x182: {  	v11 =	vsel vm11, v23, v11;
	v22 =	vsub.f32 $0.0e+00, v13;
	v23 =	vtrunc.f32 v26  }
0x183: {  	v14 =	vsel vm1, v24, v14;
	v26 =	vsub.f32 $0.0e+00, v11;
	v23 =	vcvt.f32.s32 v23  }
0x184: {  	v24 =	vmul.f32 v27, v25;
	v14 =	vmul.f32 $5.729578020e+01, v14;
	v13 =	vsel vm8, v22, v13  }
0x185: {  	v11 =	vsel vm0, v26, v11;
	v13 =	vmul.f32 $5.729578020e+01, v13;
	v22 =	vcvt.s32.f32 v23  }
0x186: {  	v20 =	vmul.f32 v31, v20;
	v14 =	vsub.f32 $9.000000000e+01, v14;
	v11 =	vmul.f32 $5.729578020e+01, v11  }
0x187: {  	v19 =	vmul.f32 v19, v21;
	v13 =	vsub.f32 $9.000000000e+01, v13;
	v21 =	vmul.f32 $3.600000000e+02, v22  }
0x188: {  	v16 =	vmul.f32 v12, v16;
	v9 =	vsub.f32 v14, v9;
	v11 =	vsub.f32 $9.000000000e+01, v11  }
0x189: {  	v14 =	vmul.f32 v24, v17;
	v10 =	vsub.f32 v13, v10;
	v13 =	vsub.f32 v18, v21  }
0x18a: {  	v17 =	vmul.f32 v20, v28;
	v8 =	vsub.f32 v11, v8;
	v11 =	vmul.f32 $2.777777850e-03, v9  }
0x18b: {  	v15 =	vmul.f32 v19, v15;
	v18 =	vmul.f32 $2.777777850e-03, v10;
	v21 =	vadd.f32 $3.600000000e+02, v13  }
0x18c: {  	vm0 =	vlt.f32 v13, $0.0e+00;
	v22 =	vmul.f32 $2.777777850e-03, v8;
	v11 =	vtrunc.f32 v11  }
0x18d: {  	v11 =	vcvt.f32.s32 v11;
	v18 =	vtrunc.f32 v18;
	v13 =	vsel vm0, v21, v13  }
0x18e: {  	v21 =	vtrunc.f32 v22;
	v18 =	vcvt.f32.s32 v18;
	v22 =	vadd.f32 $-3.600000000e+02, v13  }
0x18f: {  	vm0 =	vge.f32 v13, $3.600000000e+02;
	v21 =	vcvt.f32.s32 v21;
	v11 =	vcvt.s32.f32 v11  }
0x190: {  	v16 =	vmul.f32 v16, v12;
	v18 =	vcvt.s32.f32 v18;
	v13 =	vsel vm0, v22, v13  }
0x191: {  	v21 =	vcvt.s32.f32 v21;
	v13 =	vmul.f32 $1.333333400e-01, v13  }
0x192: {  	v16 =	vsub.f32 $1.500000000e+00, v16;
	v11 =	vmul.f32 $3.600000000e+02, v11;
	v18 =	vmul.f32 $3.600000000e+02, v18  }
0x193: {  	v21 =	vmul.f32 $3.600000000e+02, v21;
	v13 =	vtrunc.f32 v13  }
0x194: {  	v9 =	vsub.f32 v9, v11;
	v10 =	vsub.f32 v10, v18;
	v11 =	vcvt.f32.s32 v13  }
0x195: {  	v13 =	vmul.f32 v14, v24;
	v14 =	vmul.f32 v17, v20;
	v8 =	vsub.f32 v8, v21  }
0x196: {  	v17 =	vadd.f32 $3.600000000e+02, v9;
	v18 =	vadd.f32 $3.600000000e+02, v10;
	vm0 =	vlt.s32 v11, $0x3F  }
0x197: {  	s2 =	sadd.s32 $0x40, s2;
	v15 =	vmul.f32 v15, v19;
	v21 =	vadd.f32 $3.600000000e+02, v8;
	v11 =	vnsel vm0, $0x3F, v11  }
0x198: {  	vm1 =	vlt.f32 v9, $0.0e+00;
	vm2 =	vlt.f32 v10, $0.0e+00;
	vm0 =	vlt.f32 v8, $0.0e+00;
	[tilespmem:s2+$0x30] =	vst v11  }
0x199: {  	v11 =	vsel vm1, v17, v9;
	v17 =	vsel vm2, v18, v10;
	v8 =	vsel vm0, v21, v8  }
0x19a: {  	v9 =	vsub.f32 $1.500000000e+00, v13;
	v10 =	vsub.f32 $1.500000000e+00, v14;
	vm0 =	vge.f32 v8, $3.600000000e+02  }
0x19b: {  	v14 =	vsub.f32 $1.500000000e+00, v15;
	vm1 =	vge.f32 v11, $3.600000000e+02;
	v13 =	vadd.f32 $-3.600000000e+02, v8  }
.Ltmp3:
0x19c: {  	v15 =	vadd.f32 $-3.600000000e+02, v11;
	vm2 =	vge.f32 v17, $3.600000000e+02;
	v18 =	vadd.f32 $-3.600000000e+02, v17;
	(pc) =	sbr.rel @p1 .LBB2_8-.Ltmp3, $4  }
0x19d: {  	v16 =	vmul.f32 v16, v12;
	v9 =	vmul.f32 v9, v24;
	v13 =	vsel vm0, v13, v8  }
0x19e: {  	v12 =	vmul.f32 v10, v20;
	v11 =	vsel vm1, v15, v11;
	v8 =	vmul.f32 v14, v19  }
0x19f: {  	v10 =	vmul.f32 $1.333333400e-01, v11;
	v14 =	vsel vm2, v18, v17;
	v13 =	vmul.f32 $1.333333400e-01, v13  }
0x1a0: {  	s29 =	sadd.s32 $0x40, s29;
	v11 =	vmul.f32 v16, v7;
	v7 =	vmul.f32 $1.333333400e-01, v14  }
0x1a1: {  	v5 =	vmul.f32 v9, v5  }
0x1a2: {  	v6 =	vmul.f32 v12, v6;
	v9 =	vtrunc.f32 v13  }
0x1a3: {  	v4 =	vmul.f32 v8, v4;
	v8 =	vtrunc.f32 v10  }
0x1a4: {  	v10 =	vmul.f32 $2.000000030e-01, v11;
	v9 =	vcvt.f32.s32 v9  }
0x1a5: {  	v7 =	vtrunc.f32 v7;
	v8 =	vcvt.f32.s32 v8  }
0x1a6: {  	v5 =	vmul.f32 $2.000000030e-01, v5;
	v51 =	vcvt.f32.s32 v7;
	vm0 =	vlt.s32 v9, $0x3F  }
0x1a7: {  	v10 =	vtrunc.f32 v10;
	vm11 =	vlt.s32 v8, $0x3F;
	v52 =	vnsel vm0, $0x3F, v9  }
0x1a8: {  	v6 =	vmul.f32 $2.000000030e-01, v6;
	v10 =	vcvt.f32.s32 v10;
	v53 =	vnsel vm11, $0x3F, v8;
	[tilespmem:s2+$0x0] =	vst v52  }
0x1a9: {  	v4 =	vmul.f32 $2.000000030e-01, v4;
	v5 =	vtrunc.f32 v5;
	vm1 =	vlt.s32 v51, $0x3F;
	[tilespmem:s2+$0x10] =	vst v53  }
0x1aa: {  	v6 =	vtrunc.f32 v6;
	v5 =	vcvt.f32.s32 v5;
	v54 =	vnsel vm1, $0x3F, v51;
	[tilespmem:s2+$0xFFFFFE00] =	vst v10  }
0x1ab: {  	v4 =	vtrunc.f32 v4;
	v6 =	vcvt.f32.s32 v6;
	[tilespmem:s2+$0x20] =	vst v54  }
0x1ac: {  	v4 =	vcvt.f32.s32 v4;
	[tilespmem:s2+$0xFFFFFE10] =	vst v5  }
0x1ad: {  	[tilespmem:s2+$0xFFFFFE20] =	vst v6  }
0x1ae: {  	[tilespmem:s2+$0xFFFFFE30] =	vst v4  }
0x1af: {  	[bflag:$0x0] =	sbarrier.arrive $0xFFFF  }
0x1b0: {  	s3 =	rddreg [dreg:$0x3]  }
0x1b1: {  	[tilespmem:s20], [sflag:$0x5] =	stream.linear.gather [spmem:s3], $0xC00, $0x38;
	[tilespmem:$0x30A8] =	vst v63  }
0x1b2: {  	_ =	swait.ge [sflag:s1], $0xC00  }
0x1b3: {  	[sflag:s1] =	ssyncset.done $0x0  }
0x1b4: {  	[sflag:s1] =	ssyncadd.s32 $0xFFFFF400  }
0x1b5: {  	s3 =	rddreg [dreg:$0x4]  }
0x1b6: {  	[tilespmem:s21], [sflag:$0x5] =	stream.linear.gather [spmem:s3], $0x180, $0x38;
	[tilespmem:$0x30A8] =	vst v63  }
0x1b7: {  	_ =	swait.ge [sflag:s1], $0x180  }
0x1b8: {  	[sflag:s1] =	ssyncset.done $0x0  }
0x1b9: {  	s3 =	simm.s32 $0x1450;
	[sflag:s1] =	ssyncadd.s32 $0xFFFFFE80  }
0x1ba: {  	v55 =	vld [tilespmem:s3+$0xFFFFFE30]  }
0x1bb: {  	v56 =	vld [tilespmem:s3+$0x30];
	_ =	sdelay $0x1  }
0x1bc: {  	v57 =	vld [tilespmem:s3+$0x0]  }
0x1bd: {  	v9 =	vld [tilespmem:s3+$0xFFFFFE10]  }
0x1be: {  	v10 =	vld [tilespmem:s3+$0x10];
	v59 =	vadd.s32 $0x800, v55  }
0x1bf: {  	v14 =	vld [tilespmem:s3+$0xFFFFFE20];
	v8 =	vadd.s32 $0x100, v56  }
0x1c0: {  	v11 =	vld [tilespmem:s3+$0xFFFFFE00];
	v12 =	vadd.s32 $0x200, v55  }
0x1c1: {  	v16 =	vadd.s32 $0x40, v56;
	v15 =	vld.idx.msk [tilespmem:v55+s20+$0x0], $0xffff  }
0x1c2: {  	v18 =	vadd.s32 $0x400, v55;
	v17 =	vld.idx.msk [tilespmem:v56+s21+$0x0], $0xffff  }
0x1c3: {  	v19 =	vadd.s32 $0x80, v56;
	v7 =	vld.idx.msk [tilespmem:v59+s20+$0x0], $0xffff  }
0x1c4: {  	v20 =	vadd.s32 $0x600, v55;
	v8 =	vld.idx.msk [tilespmem:v8+s21+$0x0], $0xffff  }
0x1c5: {  	v21 =	vadd.s32 $0xC0, v56;
	v12 =	vld.idx.msk [tilespmem:v12+s20+$0x0], $0xffff  }
0x1c6: {  	v4 =	vadd.s32 $0xA00, v55;
	v16 =	vld.idx.msk [tilespmem:v16+s21+$0x0], $0xffff  }
0x1c7: {  	v5 =	vadd.s32 $0x140, v56;
	v18 =	vld.idx.msk [tilespmem:v18+s20+$0x0], $0xffff  }
0x1c8: {  	v19 =	vld.idx.msk [tilespmem:v19+s21+$0x0], $0xffff  }
0x1c9: {  	v22 =	vadd.s32 $0x200, v11;
	v20 =	vld.idx.msk [tilespmem:v20+s20+$0x0], $0xffff  }
0x1ca: {  	v24 =	vadd.s32 $0x400, v11;
	v27 =	vld.idx.msk [tilespmem:v21+s21+$0x0], $0xffff  }
0x1cb: {  	v28 =	vadd.s32 $0x80, v57;
	v4 =	vld.idx.msk [tilespmem:v4+s20+$0x0], $0xffff  }
0x1cc: {  	v23 =	vadd.s32 $0x40, v57;
	v62 =	vadd.s32 $0x600, v9;
	v5 =	vld.idx.msk [tilespmem:v5+s21+$0x0], $0xffff;
	v26 =	vadd.f32 v17, v15  }
0x1cd: {  	v13 =	vld [tilespmem:s3+$0x20];
	v29 =	vadd.s32 $0xC0, v57;
	v30 =	vadd.s32 $0x600, v11;
	v25 =	vadd.f32 v16, v12  }
0x1ce: {  	v63 =	vadd.s32 $0xC0, v10;
	v22 =	vld.idx.msk [tilespmem:v22+s20+$0x0], $0xffff;
	v21 =	vadd.f32 v19, v18;
	v19 =	vmul.f32 $1.442695020e+00, v26  }
0x1cf: {  	v24 =	vld.idx.msk [tilespmem:v24+s20+$0x0], $0xffff;
	v15 =	vadd.s32 $0x200, v9;
	v20 =	vadd.f32 v27, v20;
	v31 =	vmul.f32 $1.442695020e+00, v25  }
0x1d0: {  	v28 =	vld.idx.msk [tilespmem:v28+s21+$0x0], $0xffff;
	v18 =	vadd.f32 v8, v7;
	v60 =	vmul.f32 $1.442695020e+00, v21;
	(erf) = vpow2.f32 v19  }
0x1d1: {  	v32 =	vld.idx.msk [tilespmem:v62+s20+$0x0], $0xffff;
	v27 =	vadd.f32 v5, v4;
	v61 =	vmul.f32 $1.442695020e+00, v20;
	(erf) = vpow2.f32 v31  }
0x1d2: {  	v17 =	vadd.s32 $0x40, v10;
	v19 =	vld.idx.msk [tilespmem:v29+s21+$0x0], $0xffff;
	v29 =	vmul.f32 $1.442695020e+00, v18;
	(erf) = vpow2.f32 v60  }
0x1d3: {  	v0 =	vadd.s32 $0x200, v14;
	v8 =	vld.idx.msk [tilespmem:v30+s20+$0x0], $0xffff;
	v30 =	vmul.f32 $1.442695020e+00, v27;
	(erf) = vpow2.f32 v61  }
0x1d4: {  	v33 =	vadd.s32 $0x600, v14;
	v34 =	vld.idx.msk [tilespmem:v63+s21+$0x0], $0xffff;
	(erf) = vpow2.f32 v29  }
0x1d5: {  	v12 =	vadd.s32 $0x400, v9;
	v16 =	vld.idx.msk [tilespmem:v23+s21+$0x0], $0xffff;
	(erf) = vpow2.f32 v30  }
0x1d6: {  	v23 =	vadd.s32 $0x80, v10;
	v15 =	vld.idx.msk [tilespmem:v15+s20+$0x0], $0xffff  }
0x1d7: {  	v36 =	vadd.s32 $0xC0, v13;
	v17 =	vld.idx.msk [tilespmem:v17+s21+$0x0], $0xffff  }
0x1d8: {  	v35 =	vadd.s32 $0x800, v11;
	v38 =	vld.idx.msk [tilespmem:v0+s20+$0x0], $0xffff;
	v31 =	vadd.s32 $0x80, v13  }
0x1d9: {  	v37 =	vadd.s32 $0x100, v57;
	v39 =	vadd.s32 $0xA00, v11;
	v33 =	vld.idx.msk [tilespmem:v33+s20+$0x0], $0xffff;
	v29 =	vadd.s32 $0x40, v13;
	v1 =	vpop (erf)  }
0x1da: {  	v40 =	vadd.s32 $0x140, v57;
	v41 =	vadd.s32 $0x800, v9;
	v12 =	vld.idx.msk [tilespmem:v12+s20+$0x0], $0xffff;
	v30 =	vadd.s32 $0x400, v14;
	v42 =	vpop (erf)  }
0x1db: {  	v43 =	vadd.s32 $0x100, v10;
	v44 =	vadd.s32 $0xA00, v9;
	v23 =	vld.idx.msk [tilespmem:v23+s21+$0x0], $0xffff;
	v51 =	vadd.f32 v16, v22;
	v22 =	vpop (erf)  }
0x1dc: {  	v45 =	vadd.s32 $0x800, v14;
	v47 =	vadd.f32 v28, v24;
	v48 =	vadd.f32 v17, v15;
	v15 =	vld.idx.msk [tilespmem:v36+s21+$0x0], $0xffff;
	v28 =	vpop (erf)  }
0x1dd: {  	v62 =	vadd.s32 $0x140, v13;
	v24 =	vld.idx.msk [tilespmem:v31+s21+$0x0], $0xffff;
	v42 =	vadd.f32 v42, v1;
	v22 =	vadd.f32 v28, v22;
	v28 =	vpop (erf)  }
0x1de: {  	v53 =	vadd.f32 v34, v32;
	v52 =	vadd.f32 v19, v8;
	v31 =	vmul.f32 $1.442695020e+00, v51;
	v29 =	vld.idx.msk [tilespmem:v29+s21+$0x0], $0xffff;
	v17 =	vpop (erf)  }
0x1df: {  	v19 =	vmul.f32 $1.442695020e+00, v47;
	v16 =	vld.idx.msk [tilespmem:v30+s20+$0x0], $0xffff;
	v22 =	vadd.f32 v22, v42;
	v17 =	vadd.f32 v17, v28  }
0x1e0: {  	v2 =	vmul.f32 $1.442695020e+00, v52;
	v50 =	vadd.f32 v23, v12;
	v23 =	vld.idx.msk [tilespmem:v9+s20+$0x0], $0xffff;
	(erf) = vpow2.f32 v31  }
0x1e1: {  	v3 =	vmul.f32 $1.442695020e+00, v48;
	v31 =	vld.idx.msk [tilespmem:v11+s20+$0x0], $0xffff;
	(erf) = vpow2.f32 v19;
	v42 =	vadd.f32 v17, v22  }
0x1e2: {  	v9 =	vmul.f32 $1.442695020e+00, v50;
	v30 =	vadd.s32 $0x140, v10;
	v19 =	vld.idx.msk [tilespmem:v57+s21+$0x0], $0xffff;
	(erf) = vpow2.f32 v2  }
0x1e3: {  	v49 =	vadd.f32 v15, v33;
	(erf) = vpow2.f32 v3;
	v22 =	vld.idx.msk [tilespmem:v10+s21+$0x0], $0xffff;
	v10 =	vand.u32 $0x7FFFFF, v42  }
0x1e4: {  	v7 =	vld.idx.msk [tilespmem:v14+s20+$0x0], $0xffff;
	v12 =	vadd.f32 v29, v38;
	v46 =	vadd.f32 v24, v16;
	v55 =	vor.u32 $0x3F800000, v10  }
0x1e5: {  	v57 =	vld.idx.msk [tilespmem:v37+s21+$0x0], $0xffff;
	v17 =	vadd.s32 $0xA00, v14;
	v14 =	vmul.f32 $1.442695020e+00, v53;
	v24 =	vmul.f32 $5.000000000e-01, v55  }
0x1e6: {  	(erf) = vpow2.f32 v9;
	v29 =	vld.idx.msk [tilespmem:v13+s21+$0x0], $0xffff;
	v56 =	vmul.f32 $1.442695020e+00, v12;
	vm12 =	vgt.f32 v55, $1.414213540e+00  }
0x1e7: {  	v16 =	vld.idx.msk [tilespmem:v35+s20+$0x0], $0xffff;
	(erf) = vpow2.f32 v14;
	v14 =	vmul.f32 $1.442695020e+00, v46;
	v59 =	vsel vm12, v24, v55  }
0x1e8: {  	v15 =	vld.idx.msk [tilespmem:v39+s20+$0x0], $0xffff;
	(erf) = vpow2.f32 v56;
	v24 =	vadd.f32 v19, v31;
	v31 =	vadd.f32 $-1.000000000e+00, v59  }
0x1e9: {  	v60 =	vmul.f32 $1.442695020e+00, v49;
	(erf) = vpow2.f32 v14;
	v19 =	vld.idx.msk [tilespmem:v40+s21+$0x0], $0xffff;
	v55 =	vadd.f32 v22, v23  }
0x1ea: {  	v63 =	vld.idx.msk [tilespmem:v43+s21+$0x0], $0xffff;
	v28 =	vadd.s32 $0x100, v13;
	v22 =	vmul.f32 $1.442695020e+00, v24;
	v23 =	vmul.f32 $1.423019320e-01, v31  }
0x1eb: {  	v61 =	vld.idx.msk [tilespmem:v41+s20+$0x0], $0xffff;
	v54 =	vadd.f32 v29, v7;
	(erf) = vpow2.f32 v60;
	v0 =	vmul.f32 $1.442695020e+00, v55  }
0x1ec: {  	(erf) = vpow2.f32 v22;
	v22 =	vadd.f32 v57, v16;
	v16 =	vld.idx.msk [tilespmem:v30+s21+$0x0], $0xffff;
	v30 =	vsub.f32 $2.232526540e-01, v23  }
0x1ed: {  	v1 =	vpop (erf);
	v29 =	vld.idx.msk [tilespmem:v44+s20+$0x0], $0xffff;
	v2 =	vmul.f32 $1.442695020e+00, v54;
	(erf) = vpow2.f32 v0  }
0x1ee: {  	v3 =	vld.idx.msk [tilespmem:v45+s20+$0x0], $0xffff;
	v23 =	vadd.f32 v19, v15;
	v19 =	vmul.f32 $1.442695020e+00, v22;
	v30 =	vmul.f32 v30, v31  }
0x1ef: {  	v4 =	vpop (erf);
	v28 =	vld.idx.msk [tilespmem:v28+s21+$0x0], $0xffff;
	(erf) = vpow2.f32 v2  }
0x1f0: {  	v5 =	vpop (erf);
	v6 =	vld.idx.msk [tilespmem:v17+s20+$0x0], $0xffff;
	v17 =	vmul.f32 $1.442695020e+00, v23;
	(erf) = vpow2.f32 v19;
	v19 =	vadd.f32 $-2.548729780e-01, v30  }
0x1f1: {  	v7 =	vld.idx.msk [tilespmem:v62+s21+$0x0], $0xffff;
	v40 =	vpop (erf);
	v15 =	vadd.f32 v63, v61  }
0x1f2: {  	v16 =	vadd.f32 v16, v29;
	(erf) = vpow2.f32 v17;
	v30 =	vpop (erf);
	v19 =	vmul.f32 v19, v31  }
0x1f3: {  	v45 =	vmul.f32 $1.442695020e+00, v15;
	v29 =	vpop (erf)  }
0x1f4: {  	v10 =	vadd.f32 v28, v3;
	v57 =	vmul.f32 $1.442695020e+00, v16;
	v56 =	vpop (erf);
	v28 =	vadd.f32 $3.322423400e-01, v19  }
0x1f5: {  	(erf) = vpow2.f32 v45;
	v59 =	vpop (erf)  }
0x1f6: {  	v13 =	vadd.f32 v7, v6;
	(erf) = vpow2.f32 v57;
	v60 =	vpop (erf);
	v28 =	vmul.f32 v28, v31  }
0x1f7: {  	v3 =	vshra.s32 v42, $0x17;
	v62 =	vmul.f32 $1.442695020e+00, v10;
	v63 =	vadd.f32 v5, v4;
	v61 =	vpop (erf)  }
0x1f8: {  	v0 =	vmul.f32 $1.442695020e+00, v13;
	v29 =	vadd.f32 v29, v30;
	v30 =	vpop (erf);
	v28 =	vadd.f32 $-4.998440440e-01, v28  }
0x1f9: {  	v4 =	vsel vm12, $0x1, v58;
	v32 =	vadd.f32 v1, v61;
	(erf) = vpow2.f32 v62;
	v1 =	vpop (erf)  }
0x1fa: {  	v5 =	vadd.s32 v4, v3;
	(erf) = vpow2.f32 v0;
	v2 =	vpop (erf);
	v28 =	vmul.f32 v28, v31  }
0x1fb: {  	v7 =	vadd.s32 $0xFFFFFF81, v5;
	v30 =	vadd.f32 v40, v30;
	v32 =	vadd.f32 v63, v32;
	v6 =	vpop (erf)  }
0x1fc: {  	v36 =	vcvt.s32.f32 v7;
	v35 =	vadd.f32 v6, v2;
	v28 =	vadd.f32 $1.000014420e+00, v28  }
0x1fd: {  	v29 =	vadd.f32 v29, v30  }
0x1fe: {  	v30 =	vmul.f32 $6.931471820e-01, v36;
	v41 =	vpop (erf);
	v32 =	vadd.f32 v35, v32;
	v28 =	vmul.f32 v28, v31  }
0x1ff: {  	v33 =	vadd.f32 v60, v59;
	v34 =	vadd.f32 v56, v1;
	v31 =	vpop (erf)  }
0x200: {  	v43 =	vadd.f32 v31, v41;
	v42 =	vand.u32 $0x7FFFFF, v32;
	v31 =	vadd.f32 v28, v30  }
0x201: {  	v33 =	vadd.f32 v33, v34;
	v32 =	vshra.s32 v32, $0x17;
	v34 =	vor.u32 $0x3F800000, v42  }
0x202: {  	v29 =	vadd.f32 v43, v29;
	v28 =	vpop (erf);
	v30 =	vmul.f32 $5.000000000e-01, v34;
	v45 =	vsub.f32 v26, v31  }
0x203: {  	vm13 =	vgt.f32 v34, $1.414213540e+00;
	v26 =	vsub.f32 v27, v31;
	v25 =	vsub.f32 v25, v31;
	v27 =	vpop (erf)  }
0x204: {  	v56 =	vand.u32 $0x7FFFFF, v29;
	v30 =	vsel vm13, v30, v34;
	v27 =	vadd.f32 v27, v28  }
0x205: {  	v28 =	vadd.f32 $-1.000000000e+00, v30;
	v30 =	vshra.s32 v29, $0x17;
	v29 =	vor.u32 $0x3F800000, v56  }
0x206: {  	v44 =	vsel vm13, $0x1, v58;
	v34 =	vmul.f32 $5.000000000e-01, v29;
	v27 =	vadd.f32 v27, v33  }
0x207: {  	v32 =	vadd.s32 v44, v32;
	vm14 =	vgt.f32 v29, $1.414213540e+00;
	v57 =	vmul.f32 $1.423019320e-01, v28  }
0x208: {  	v29 =	vsel vm14, v34, v29;
	v60 =	vshra.s32 v27, $0x17;
	v27 =	vand.u32 $0x7FFFFF, v27  }
0x209: {  	v32 =	vadd.s32 $0xFFFFFF81, v32;
	v29 =	vadd.f32 $-1.000000000e+00, v29;
	v27 =	vor.u32 $0x3F800000, v27  }
0x20a: {  	v59 =	vsel vm14, $0x1, v58;
	v33 =	vsub.f32 $2.232526540e-01, v57;
	v61 =	vmul.f32 $5.000000000e-01, v27  }
0x20b: {  	v30 =	vadd.s32 v59, v30;
	vm15 =	vgt.f32 v27, $1.414213540e+00;
	v62 =	vmul.f32 $1.423019320e-01, v29  }
0x20c: {  	v33 =	vmul.f32 v33, v28;
	v63 =	vsel vm15, $0x1, v58;
	v35 =	vsel vm15, v61, v27  }
0x20d: {  	s2 =	simm.s32 $0x2AA8;
	v27 =	vadd.s32 $0xFFFFFF81, v30;
	v37 =	vsub.f32 $2.232526540e-01, v62;
	v30 =	vadd.f32 $-1.000000000e+00, v35  }
0x20e: {  	[tilespmem:s2+$0x430] =	vst v26;
	v32 =	vcvt.s32.f32 v32;
	v34 =	vadd.s32 v63, v60;
	v33 =	vadd.f32 $-2.548729780e-01, v33  }
0x20f: {  	s29 =	simm.s32 $0x0;
	s3 =	simm.s32 $0x1490;
	[tilespmem:s2+$0xFFFFFA30] =	vst v45;
	v26 =	vadd.s32 $0xFFFFFF81, v34;
	v35 =	vmul.f32 v37, v29;
	v34 =	vmul.f32 $1.423019320e-01, v30  }
.LBB2_10:
0x210: {  	[tilespmem:$0x1FF20] =	vst v50;
	v36 =	vld [tilespmem:s3+$0xFFFFFE30]  }
0x211: {  	[tilespmem:$0x1FF60] =	vst v16;
	v39 =	vld [tilespmem:s3+$0x30]  }
0x212: {  	[tilespmem:$0x1FF40] =	vst v15;
	v27 =	vcvt.s32.f32 v27;
	v21 =	vsub.f32 v21, v31;
	v37 =	vld [tilespmem:s3+$0x0]  }
0x213: {  	[tilespmem:$0x1FF90] =	vst v46;
	v26 =	vcvt.s32.f32 v26;
	v38 =	vld [tilespmem:s3+$0xFFFFFE10];
	v20 =	vsub.f32 v20, v31;
	v18 =	vsub.f32 v18, v31  }
0x214: {  	v16 =	vmovc v47;
	v47 =	vld [tilespmem:s3+$0xFFFFFE00];
	v33 =	vmul.f32 v33, v28;
	v35 =	vadd.f32 $-2.548729780e-01, v35;
	v34 =	vsub.f32 $2.232526540e-01, v34;
	[tilespmem:s2+$0xFFFFFC30] =	vst v25  }
0x215: {  	v15 =	vmovc v51;
	v51 =	vmul.f32 $6.931471820e-01, v32;
	v32 =	vld [tilespmem:s3+$0x20];
	[tilespmem:s2+$0xFFFFFE30] =	vst v21;
	v45 =	vmul.f32 $6.931471820e-01, v26;
	v26 =	vadd.s32 $0x800, v36  }
0x216: {  	v46 =	vmul.f32 $6.931471820e-01, v27;
	[tilespmem:s2+$0x30] =	vst v20;
	v27 =	vmul.f32 v34, v30;
	v34 =	vld [tilespmem:s3+$0x10];
	v31 =	vadd.s32 $0x100, v39  }
0x217: {  	[tilespmem:s2+$0x230] =	vst v18;
	v21 =	vmul.f32 v35, v29;
	v35 =	vld [tilespmem:s3+$0xFFFFFE20];
	v50 =	vadd.s32 $0x200, v36  }
0x218: {  	v25 =	vadd.f32 $3.322423400e-01, v33;
	v40 =	vadd.s32 $0x40, v39;
	v18 =	vld.idx.msk [tilespmem:v36+s20+$0x0], $0xffff  }
0x219: {  	v41 =	vadd.s32 $0x400, v36;
	v57 =	vld.idx.msk [tilespmem:v39+s21+$0x0], $0xffff  }
0x21a: {  	v25 =	vmul.f32 v25, v28;
	v21 =	vadd.f32 $3.322423400e-01, v21;
	v42 =	vadd.s32 $0x80, v39;
	v60 =	vld.idx.msk [tilespmem:v26+s20+$0x0], $0xffff  }
0x21b: {  	[tilespmem:$0x1FF00] =	vst v23;
	v27 =	vadd.f32 $-2.548729780e-01, v27;
	v20 =	vadd.s32 $0x40, v37;
	v33 =	vadd.s32 $0xA00, v36;
	v63 =	vld.idx.msk [tilespmem:v31+s21+$0x0], $0xffff  }
0x21c: {  	[tilespmem:$0x1FF30] =	vst v53;
	v23 =	vmovc v52;
	v52 =	vadd.s32 $0x80, v37;
	v53 =	vadd.s32 $0xC0, v37;
	v26 =	vadd.s32 $0x600, v36;
	v3 =	vld.idx.msk [tilespmem:v50+s20+$0x0], $0xffff  }
0x21d: {  	[tilespmem:$0x1FF70] =	vst v54;
	v54 =	vadd.s32 $0x200, v38;
	v56 =	vadd.s32 $0x400, v38;
	v31 =	vadd.s32 $0xC0, v39;
	v5 =	vld.idx.msk [tilespmem:v40+s21+$0x0], $0xffff  }
0x21e: {  	[tilespmem:$0x1FF80] =	vst v12;
	v59 =	vadd.s32 $0x600, v38;
	v1 =	vadd.s32 $0x200, v47;
	v9 =	vadd.s32 $0x140, v39;
	v8 =	vld.idx.msk [tilespmem:v41+s20+$0x0], $0xffff  }
0x21f: {  	[tilespmem:$0x1FFA0] =	vst v49;
	v0 =	vadd.s32 $0x400, v47;
	v2 =	vadd.s32 $0x600, v47;
	v49 =	vadd.s32 $0x100, v37;
	v12 =	vld.idx.msk [tilespmem:v42+s21+$0x0], $0xffff  }
0x220: {  	v44 =	vadd.s32 $0x140, v37;
	v43 =	vadd.s32 $0x800, v38;
	v4 =	vadd.s32 $0x40, v32;
	v17 =	vld.idx.msk [tilespmem:v33+s20+$0x0], $0xffff  }
0x221: {  	[tilespmem:$0x1FFC0] =	vst v13;
	v7 =	vadd.s32 $0x80, v32;
	v11 =	vadd.s32 $0xC0, v32;
	v25 =	vadd.f32 $-4.998440440e-01, v25;
	v13 =	vld.idx.msk [tilespmem:v26+s20+$0x0], $0xffff  }
0x222: {  	[tilespmem:$0x1FF10] =	vst v55;
	v19 =	vadd.s32 $0x140, v32;
	v27 =	vmul.f32 v27, v30;
	v55 =	vadd.s32 $0x40, v34;
	v14 =	vld.idx.msk [tilespmem:v31+s21+$0x0], $0xffff  }
0x223: {  	v58 =	vadd.s32 $0x80, v34;
	v9 =	vld.idx.msk [tilespmem:v9+s21+$0x0], $0xffff;
	v26 =	vadd.f32 v57, v18;
	v57 =	vmul.f32 v25, v28  }
0x224: {  	v1 =	vld.idx.msk [tilespmem:v1+s20+$0x0], $0xffff;
	v18 =	vmul.f32 v21, v29;
	v25 =	vadd.f32 v5, v3;
	v3 =	vadd.f32 $3.322423400e-01, v27  }
0x225: {  	[tilespmem:$0x1FF50] =	vst v19;
	v61 =	vadd.s32 $0xC0, v34;
	v19 =	vld.idx.msk [tilespmem:v20+s21+$0x0], $0xffff;
	v21 =	vadd.f32 v12, v8;
	v5 =	vmul.f32 $1.442695020e+00, v26  }
0x226: {  	v0 =	vld.idx.msk [tilespmem:v0+s20+$0x0], $0xffff;
	v8 =	vadd.f32 $-4.998440440e-01, v18;
	v3 =	vmul.f32 v3, v30;
	v18 =	vadd.f32 v63, v60  }
0x227: {  	v2 =	vld.idx.msk [tilespmem:v2+s20+$0x0], $0xffff;
	(erf) = vpow2.f32 v5;
	v20 =	vadd.f32 v14, v13;
	v13 =	vmul.f32 $1.442695020e+00, v25  }
0x228: {  	v12 =	vld.idx.msk [tilespmem:v52+s21+$0x0], $0xffff;
	v27 =	vadd.f32 v9, v17;
	v17 =	vmul.f32 $1.442695020e+00, v18;
	v14 =	vmul.f32 $1.442695020e+00, v21  }
0x229: {  	v62 =	vadd.s32 $0x200, v35;
	v60 =	vld.idx.msk [tilespmem:v53+s21+$0x0], $0xffff;
	v9 =	vmul.f32 $1.442695020e+00, v20;
	(erf) = vpow2.f32 v13  }
0x22a: {  	v1 =	vadd.f32 v19, v1;
	v63 =	vld.idx.msk [tilespmem:v58+s21+$0x0], $0xffff;
	v8 =	vmul.f32 v8, v29;
	(erf) = vpow2.f32 v14  }
0x22b: {  	v19 =	vmul.f32 $1.442695020e+00, v27;
	v3 =	vadd.f32 $-4.998440440e-01, v3;
	v13 =	vld.idx.msk [tilespmem:v54+s20+$0x0], $0xffff;
	(erf) = vpow2.f32 v9  }
0x22c: {  	v6 =	vadd.s32 $0x400, v35;
	v8 =	vadd.f32 $1.000014420e+00, v8;
	v14 =	vld.idx.msk [tilespmem:v55+s21+$0x0], $0xffff;
	(erf) = vpow2.f32 v17  }
0x22d: {  	[tilespmem:$0x1FFB0] =	vst v10;
	v10 =	vadd.s32 $0x600, v35;
	v3 =	vmul.f32 v3, v30;
	v9 =	vld.idx.msk [tilespmem:v56+s20+$0x0], $0xffff;
	(erf) = vpow2.f32 v19  }
0x22e: {  	v50 =	vadd.s32 $0x800, v47;
	v4 =	vld.idx.msk [tilespmem:v4+s21+$0x0], $0xffff;
	v0 =	vadd.f32 v12, v0;
	v8 =	vmul.f32 v8, v29  }
0x22f: {  	v7 =	vld.idx.msk [tilespmem:v7+s21+$0x0], $0xffff;
	v12 =	vmul.f32 $1.442695020e+00, v1;
	v2 =	vadd.f32 v60, v2;
	v3 =	vadd.f32 $1.000014420e+00, v3  }
0x230: {  	v61 =	vld.idx.msk [tilespmem:v61+s21+$0x0], $0xffff;
	v60 =	vmul.f32 $1.442695020e+00, v0;
	v17 =	vadd.f32 $1.000014420e+00, v57;
	v46 =	vadd.f32 v8, v46  }
0x231: {  	v3 =	vmul.f32 v3, v30;
	(erf) = vpow2.f32 v12;
	v12 =	vld.idx.msk [tilespmem:v62+s20+$0x0], $0xffff;
	v13 =	vadd.f32 v14, v13;
	v62 =	vpop (erf)  }
0x232: {  	v19 =	vld.idx.msk [tilespmem:v59+s20+$0x0], $0xffff;
	v17 =	vmul.f32 v17, v28;
	v28 =	vmul.f32 $1.442695020e+00, v2;
	v8 =	vadd.f32 v63, v9;
	v14 =	vpop (erf)  }
0x233: {  	v36 =	vmov v48;
	v6 =	vld.idx.msk [tilespmem:v6+s20+$0x0], $0xffff;
	(erf) = vpow2.f32 v60;
	v63 =	vmul.f32 $1.442695020e+00, v13;
	v29 =	vpop (erf)  }
0x234: {  	v10 =	vld.idx.msk [tilespmem:v10+s20+$0x0], $0xffff;
	v17 =	vadd.f32 v17, v51;
	(erf) = vpow2.f32 v28;
	v56 =	vmul.f32 $1.442695020e+00, v8;
	v30 =	vpop (erf)  }
0x235: {  	v48 =	vadd.s32 $0xA00, v47;
	v54 =	vld.idx.msk [tilespmem:v32+s21+$0x0], $0xffff;
	v5 =	vadd.f32 v14, v62;
	v14 =	vpop (erf);
	(erf) = vpow2.f32 v63  }
0x236: {  	v42 =	vadd.s32 $0x100, v34;
	v57 =	vld.idx.msk [tilespmem:v11+s21+$0x0], $0xffff;
	v24 =	vsub.f32 v24, v17;
	v9 =	vpop (erf);
	(erf) = vpow2.f32 v56  }
0x237: {  	v41 =	vadd.s32 $0xA00, v38;
	v60 =	vld.idx.msk [tilespmem:v38+s20+$0x0], $0xffff;
	v19 =	vadd.f32 v61, v19;
	v11 =	vadd.f32 v30, v29  }
0x238: {  	v40 =	vadd.s32 $0x140, v34;
	v62 =	vld.idx.msk [tilespmem:v35+s20+$0x0], $0xffff;
	[tilespmem:s2+$0xFFFFFA00] =	vst v24;
	v24 =	vsub.f32 v15, v17;
	v30 =	vadd.f32 v4, v12  }
0x239: {  	v31 =	vadd.s32 $0x100, v32;
	v59 =	vld.idx.msk [tilespmem:v47+s20+$0x0], $0xffff;
	v5 =	vadd.f32 v11, v5;
	v11 =	vsub.f32 v23, v17  }
0x23a: {  	v61 =	vmul.f32 $1.442695020e+00, v19;
	v29 =	vadd.f32 v7, v6;
	[tilespmem:s2+$0xFFFFFC00] =	vst v24;
	v24 =	vsub.f32 v16, v17;
	v56 =	vld [tilespmem:$0x1FF00]  }
0x23b: {  	v32 =	vadd.f32 v57, v10;
	v12 =	vld.idx.msk [tilespmem:v34+s21+$0x0], $0xffff;
	v9 =	vadd.f32 v9, v14;
	v4 =	vpop (erf);
	v63 =	vmul.f32 $1.442695020e+00, v30  }
0x23c: {  	v51 =	vmov v1;
	v37 =	vld.idx.msk [tilespmem:v37+s21+$0x0], $0xffff;
	v55 =	vmul.f32 $1.442695020e+00, v29;
	[tilespmem:s2+$0xFFFFFE00] =	vst v24;
	v38 =	vpop (erf);
	(erf) = vpow2.f32 v61  }
0x23d: {  	v14 =	vmul.f32 $1.442695020e+00, v32;
	v61 =	vld.idx.msk [tilespmem:v41+s20+$0x0], $0xffff;
	v34 =	vadd.f32 v9, v5;
	[tilespmem:s2+$0x0] =	vst v11;
	v11 =	vpop (erf);
	(erf) = vpow2.f32 v63  }
0x23e: {  	v53 =	vsub.f32 v22, v17;
	v10 =	vld.idx.msk [tilespmem:v50+s20+$0x0], $0xffff;
	v6 =	vadd.f32 v11, v38;
	(erf) = vpow2.f32 v55;
	v11 =	vpop (erf)  }
0x23f: {  	v9 =	vand.u32 $0x7FFFFF, v34;
	v1 =	vsub.f32 v56, v17;
	v17 =	vpop (erf);
	(erf) = vpow2.f32 v14;
	v14 =	vld [tilespmem:$0x1FF10]  }
0x240: {  	v47 =	vmov v0;
	v0 =	vadd.f32 v12, v60;
	v12 =	vld.idx.msk [tilespmem:v43+s20+$0x0], $0xffff;
	v9 =	vor.u32 $0x3F800000, v9  }
0x241: {  	[tilespmem:s2+$0x200] =	vst v53;
	v60 =	vld.idx.msk [tilespmem:v42+s21+$0x0], $0xffff;
	v15 =	vmul.f32 $5.000000000e-01, v9  }
0x242: {  	v57 =	vld.idx.msk [tilespmem:v49+s21+$0x0], $0xffff;
	vm0 =	vgt.f32 v9, $1.414213540e+00  }
0x243: {  	v23 =	vld.idx.msk [tilespmem:v48+s20+$0x0], $0xffff;
	v24 =	vadd.f32 v37, v59;
	v9 =	vsel vm0, v15, v9  }
0x244: {  	v48 =	vmov v13;
	v13 =	vld [tilespmem:$0x1FF30];
	[tilespmem:s2+$0x400] =	vst v1;
	v9 =	vadd.f32 $-1.000000000e+00, v9;
	v14 =	vsub.f32 v14, v46  }
0x245: {  	v39 =	vadd.s32 $0x800, v35;
	v1 =	vld.idx.msk [tilespmem:v44+s21+$0x0], $0xffff;
	v59 =	vmul.f32 $1.442695020e+00, v24  }
0x246: {  	v52 =	vmovc v2;
	v2 =	vadd.f32 v54, v62;
	v15 =	vmul.f32 $1.442695020e+00, v0;
	v62 =	vmul.f32 $1.423019320e-01, v9;
	[tilespmem:s2+$0xFFFFFA10] =	vst v14;
	v14 =	vld [tilespmem:$0x1FF20]  }
0x247: {  	v28 =	vadd.f32 v3, v45;
	(erf) = vpow2.f32 v59  }
0x248: {  	(erf) = vpow2.f32 v15;
	v15 =	vadd.f32 v60, v12;
	v12 =	vld [tilespmem:$0x1FF50];
	v3 =	vsub.f32 $2.232526540e-01, v62  }
0x249: {  	v33 =	vadd.s32 $0xA00, v35;
	v22 =	vadd.f32 v57, v10  }
0x24a: {  	v43 =	vld.idx.msk [tilespmem:v39+s20+$0x0], $0xffff;
	v10 =	vmul.f32 $1.442695020e+00, v2;
	v23 =	vadd.f32 v1, v23;
	v3 =	vmul.f32 v3, v9  }
0x24b: {  	v44 =	vld.idx.msk [tilespmem:v31+s21+$0x0], $0xffff;
	v13 =	vsub.f32 v13, v46;
	v16 =	vmul.f32 $1.442695020e+00, v22;
	v14 =	vsub.f32 v14, v46  }
0x24c: {  	v42 =	vpop (erf);
	(erf) = vpow2.f32 v10;
	v45 =	vmul.f32 $1.442695020e+00, v23;
	v41 =	vld.idx.msk [tilespmem:v40+s21+$0x0], $0xffff;
	v3 =	vadd.f32 $-2.548729780e-01, v3  }
0x24d: {  	v50 =	vmov v8;
	v54 =	vmul.f32 $1.442695020e+00, v15;
	v8 =	vpop (erf);
	(erf) = vpow2.f32 v16;
	[tilespmem:s2+$0xFFFFFE10] =	vst v14;
	v14 =	vld [tilespmem:$0x1FF40]  }
0x24e: {  	v53 =	vmov v19;
	v49 =	vpop (erf);
	[tilespmem:s2+$0x10] =	vst v13;
	v13 =	vld [tilespmem:$0x1FF60];
	(erf) = vpow2.f32 v45;
	v19 =	vmul.f32 v3, v9  }
0x24f: {  	v10 =	vld.idx.msk [tilespmem:v33+s20+$0x0], $0xffff;
	v56 =	vpop (erf)  }
0x250: {  	v12 =	vld.idx.msk [tilespmem:v12+s21+$0x0], $0xffff;
	v57 =	vpop (erf);
	v60 =	vadd.f32 $3.322423400e-01, v19  }
0x251: {  	v63 =	vsub.f32 v36, v46;
	(erf) = vpow2.f32 v54;
	v59 =	vadd.f32 v4, v57  }
0x252: {  	v54 =	vmovc v2;
	v16 =	vadd.f32 v41, v61;
	v2 =	vmul.f32 v60, v9;
	v14 =	vsub.f32 v14, v46  }
0x253: {  	v55 =	vmov v0;
	v7 =	vadd.f32 v44, v43;
	v13 =	vsub.f32 v13, v46  }
0x254: {  	v61 =	vpop (erf);
	v0 =	vadd.f32 v6, v59;
	v2 =	vadd.f32 $-4.998440440e-01, v2;
	[tilespmem:s2+$0x210] =	vst v14;
	v14 =	vmul.f32 $1.442695020e+00, v16  }
0x255: {  	v58 =	vimm.s32 $0x0;
	[tilespmem:s2+$0xFFFFFC10] =	vst v63;
	v3 =	vadd.f32 v11, v61;
	v63 =	vpop (erf);
	v62 =	vadd.f32 v12, v10  }
0x256: {  	v36 =	vld [tilespmem:$0x1FFA0];
	v11 =	vsel vm0, $0x1, v58;
	v33 =	vpop (erf);
	v2 =	vmul.f32 v2, v9;
	(erf) = vpow2.f32 v14  }
0x257: {  	[tilespmem:s2+$0x410] =	vst v13;
	v13 =	vld [tilespmem:$0x1FF70];
	v12 =	vmul.f32 $1.442695020e+00, v7;
	v6 =	vadd.f32 v8, v63;
	v10 =	vmul.f32 $1.442695020e+00, v62;
	v8 =	vpop (erf)  }
0x258: {  	v5 =	vadd.f32 v8, v33;
	v8 =	vld [tilespmem:$0x1FF80];
	v2 =	vadd.f32 $1.000014420e+00, v2;
	v14 =	vshra.s32 v34, $0x17  }
0x259: {  	v17 =	vadd.f32 v42, v17;
	(erf) = vpow2.f32 v12;
	v35 =	vadd.s32 v11, v14;
	v11 =	vld [tilespmem:$0x1FF90]  }
0x25a: {  	v1 =	vadd.f32 v56, v49;
	v14 =	vmul.f32 v2, v9;
	v9 =	vld [tilespmem:$0x1FFB0];
	(erf) = vpow2.f32 v10;
	_ =	sdelay $0x1  }
0x25b: {  	v38 =	vld [tilespmem:$0x1FFC0];
	v3 =	vadd.f32 v17, v3;
	v1 =	vadd.f32 v1, v6;
	v6 =	vadd.s32 $0xFFFFFF81, v35  }
0x25c: {  	v13 =	vsub.f32 v13, v28;
	v0 =	vadd.f32 v5, v0;
	v6 =	vcvt.s32.f32 v6  }
0x25d: {  	v5 =	vsub.f32 v36, v28;
	v10 =	vpop (erf);
	v11 =	vsub.f32 v11, v28  }
0x25e: {  	[tilespmem:s2+$0xFFFFFA20] =	vst v13;
	v13 =	vsub.f32 v8, v28;
	v6 =	vmul.f32 $6.931471820e-01, v6;
	v9 =	vsub.f32 v9, v28;
	v8 =	vpop (erf)  }
0x25f: {  	[tilespmem:s2+$0xFFFFFE20] =	vst v11;
	v11 =	vshra.s32 v0, $0x17;
	v0 =	vand.u32 $0x7FFFFF, v0;
	v8 =	vadd.f32 v8, v10  }
0x260: {  	[tilespmem:s2+$0x20] =	vst v5;
	v5 =	vsub.f32 v38, v28;
	v31 =	vadd.f32 v14, v6;
	v0 =	vor.u32 $0x3F800000, v0  }
0x261: {  	v37 =	vpop (erf);
	vm13 =	vgt.f32 v0, $1.414213540e+00;
	v39 =	vmul.f32 $5.000000000e-01, v0;
	v3 =	vadd.f32 v8, v3  }
0x262: {  	[tilespmem:s2+$0x220] =	vst v9;
	v41 =	vsub.f32 v26, v31;
	v25 =	vsub.f32 v25, v31;
	v40 =	vsel vm13, $0x1, v58;
	v9 =	vpop (erf)  }
0x263: {  	v0 =	vsel vm13, v39, v0;
	v2 =	vadd.f32 v9, v37;
	v42 =	vand.u32 $0x7FFFFF, v3  }
0x264: {  	v8 =	vsub.f32 v27, v31;
	v28 =	vadd.f32 $-1.000000000e+00, v0;
	v44 =	vor.u32 $0x3F800000, v42  }
0x265: {  	[tilespmem:s2+$0x420] =	vst v5;
	v45 =	vadd.s32 v40, v11;
	v1 =	vadd.f32 v2, v1;
	v5 =	vmul.f32 $5.000000000e-01, v44  }
0x266: {  	v43 =	vshra.s32 v3, $0x17;
	v56 =	vmul.f32 $1.423019320e-01, v28;
	vm14 =	vgt.f32 v44, $1.414213540e+00  }
0x267: {  	v59 =	vshra.s32 v1, $0x17;
	v1 =	vand.u32 $0x7FFFFF, v1;
	v3 =	vsel vm14, v5, v44  }
0x268: {  	s29 =	sadd.s32 $0x4, s29;
	v46 =	vmovc v29;
	v2 =	vadd.s32 $0xFFFFFF81, v45;
	v1 =	vor.u32 $0x3F800000, v1;
	v29 =	vadd.f32 $-1.000000000e+00, v3  }
0x269: {  	p1 =	slt.u32 s29, $0x1C;
	v49 =	vmovc v32;
	v32 =	vcvt.s32.f32 v2;
	v4 =	vsub.f32 $2.232526540e-01, v56;
	v60 =	vmul.f32 $5.000000000e-01, v1  }
.Ltmp4:
0x26a: {  	v57 =	vsel vm14, $0x1, v58;
	vm15 =	vgt.f32 v1, $1.414213540e+00;
	v61 =	vmul.f32 $1.423019320e-01, v29;
	(pc) =	sbr.rel @p1 .LBB2_10-.Ltmp4, $4  }
0x26b: {  	v0 =	vadd.s32 v57, v43;
	v4 =	vmul.f32 v4, v28;
	v1 =	vsel vm15, v60, v1  }
0x26c: {  	v12 =	vmovc v30;
	[tilespmem:s2+$0xFFFFFC20] =	vst v13;
	v13 =	vmovc v62;
	s2 =	sadd.s32 $0x40, s2;
	v62 =	vsel vm15, $0x1, v58;
	v30 =	vadd.f32 $-1.000000000e+00, v1;
	v63 =	vsub.f32 $2.232526540e-01, v61  }
0x26d: {  	[tilespmem:s2+$0xFFFFFA30] =	vst v41;
	v27 =	vadd.s32 $0xFFFFFF81, v0;
	v5 =	vadd.s32 v62, v59;
	v33 =	vadd.f32 $-2.548729780e-01, v4  }
0x26e: {  	s3 =	sadd.s32 $0x40, s3;
	v10 =	vmovc v7;
	[tilespmem:s2+$0x430] =	vst v8;
	v26 =	vadd.s32 $0xFFFFFF81, v5;
	v34 =	vmul.f32 $1.423019320e-01, v30;
	v35 =	vmul.f32 v63, v29  }
0x26f: {  	v0 =	vmul.f32 v33, v28;
	_ =	sdelay $0x1  }
0x270: {  	v0 =	vadd.f32 $3.322423400e-01, v0;
	_ =	sdelay $0x1  }
0x271: {  	v1 =	vadd.f32 $-2.548729780e-01, v35;
	v0 =	vmul.f32 v0, v28  }
0x272: {  	v2 =	vsub.f32 $2.232526540e-01, v34  }
0x273: {  	v1 =	vmul.f32 v1, v29;
	v0 =	vadd.f32 $-4.998440440e-01, v0  }
0x274: {  	v2 =	vmul.f32 v2, v30  }
0x275: {  	v1 =	vadd.f32 $3.322423400e-01, v1;
	v0 =	vmul.f32 v0, v28  }
0x276: {  	v2 =	vadd.f32 $-2.548729780e-01, v2  }
0x277: {  	v1 =	vmul.f32 v1, v29;
	v0 =	vadd.f32 $1.000014420e+00, v0  }
0x278: {  	v2 =	vmul.f32 v2, v30  }
0x279: {  	v3 =	vmul.f32 $6.931471820e-01, v32;
	v1 =	vadd.f32 $-4.998440440e-01, v1;
	v0 =	vmul.f32 v0, v28  }
0x27a: {  	v4 =	vsub.f32 v21, v31;
	v2 =	vadd.f32 $3.322423400e-01, v2  }
0x27b: {  	v5 =	vsub.f32 v20, v31;
	[tilespmem:s2+$0xFFFFFC30] =	vst v25;
	v1 =	vmul.f32 v1, v29;
	v0 =	vadd.f32 v0, v3  }
0x27c: {  	v57 =	vsub.f32 v18, v31;
	[tilespmem:s2+$0xFFFFFE30] =	vst v4;
	v2 =	vmul.f32 v2, v30  }
0x27d: {  	[tilespmem:s2+$0x30] =	vst v5;
	v1 =	vadd.f32 $1.000014420e+00, v1;
	v3 =	vcvt.s32.f32 v27;
	v59 =	vsub.f32 v24, v0  }
0x27e: {  	[tilespmem:s2+$0x230] =	vst v57;
	v2 =	vadd.f32 $-4.998440440e-01, v2;
	v60 =	vsub.f32 v51, v0  }
0x27f: {  	v1 =	vmul.f32 v1, v29;
	v3 =	vmul.f32 $6.931471820e-01, v3;
	v61 =	vsub.f32 v47, v0;
	[tilespmem:s2+$0xFFFFFA00] =	vst v59  }
0x280: {  	v62 =	vsub.f32 v52, v0;
	[tilespmem:s2+$0xFFFFFC00] =	vst v60  }
0x281: {  	v2 =	vmul.f32 v2, v30;
	v1 =	vadd.f32 v1, v3;
	[tilespmem:s2+$0xFFFFFE00] =	vst v61;
	v3 =	vsub.f32 v22, v0  }
0x282: {  	[tilespmem:s2+$0x0] =	vst v62;
	v0 =	vsub.f32 v23, v0  }
0x283: {  	v63 =	vcvt.s32.f32 v26;
	v2 =	vadd.f32 $1.000014420e+00, v2;
	[tilespmem:s2+$0x200] =	vst v3;
	v3 =	vsub.f32 v55, v1  }
0x284: {  	[tilespmem:s2+$0x400] =	vst v0;
	v0 =	vsub.f32 v48, v1  }
0x285: {  	v4 =	vmul.f32 $6.931471820e-01, v63;
	v2 =	vmul.f32 v2, v30;
	[tilespmem:s2+$0xFFFFFA10] =	vst v3;
	v3 =	vsub.f32 v50, v1  }
0x286: {  	[tilespmem:s2+$0xFFFFFC10] =	vst v0;
	v0 =	vsub.f32 v53, v1  }
0x287: {  	v2 =	vadd.f32 v2, v4;
	[tilespmem:s2+$0xFFFFFE10] =	vst v3;
	v3 =	vsub.f32 v15, v1  }
0x288: {  	[tilespmem:s2+$0x10] =	vst v0;
	v0 =	vsub.f32 v16, v1  }
0x289: {  	v1 =	vsub.f32 v54, v2;
	[tilespmem:s2+$0x210] =	vst v3  }
0x28a: {  	[tilespmem:s2+$0x410] =	vst v0;
	v0 =	vsub.f32 v12, v2  }
0x28b: {  	[tilespmem:s2+$0xFFFFFA20] =	vst v1;
	v1 =	vsub.f32 v46, v2  }
0x28c: {  	[tilespmem:s2+$0xFFFFFC20] =	vst v0;
	v0 =	vsub.f32 v49, v2  }
0x28d: {  	[tilespmem:s2+$0xFFFFFE20] =	vst v1;
	v1 =	vsub.f32 v10, v2  }
0x28e: {  	s15 =	sadd.s32 $0x1, s15;
	[tilespmem:s2+$0x20] =	vst v0;
	v0 =	vsub.f32 v13, v2  }
0x28f: {  	p1 =	sne.s32 s15, s23;
	[tilespmem:s2+$0x220] =	vst v1  }
.Ltmp5:
0x290: {  	s29 =	simm.s32 $0x24A8;
	[tilespmem:s2+$0x420] =	vst v0;
	(pc) =	sbr.rel @p1 .LBB2_1-.Ltmp5, $4  }
0x291: {  	[hbm4b:s22+s24] =	stream.strided.scatter [tilespmem:s29], [sflag:$0x5], $0xC00, s25, s24, $0x38;
	[tilespmem:$0x30A8] =	vst v63  }
0x292: {  	_ =	swait.ge [sflag:s1], $0xC00  }
0x293: {  	[sflag:s1] =	ssyncset.done $0x0;
	v0 =	vld [tilespmem:$0x1FFE0]  }
0x294: {  	v2 =	vld [tilespmem:$0x1FFF0];
	[sflag:s1] =	ssyncadd.s32 $0xFFFFF400  }
0x295: {  	_ =	sfence.sel $0x180000  }
0x296: {  	[bflag:$0x0] =	sbarrier.arrive $0xFFFF  }
0x297: {  	_ =	strace $0x90000047  }
0x298: {  	s0 =	stileid.u32;
	[bflag:$0x2] =	sbarrier.arrive $0xFFFF  }
0x299: {  	p0 =	sne.s32 s0, $0x0;
	s0 =	rddreg [dreg:$0x5]  }
0x29a: {  	s0 =	sadd.s32 @!p0 $0x100000, s0  }
0x29b: {  	[sflag:s0] =	ssyncadd.tile.s32 @!p0 $0x1;
	_ =	shalt  }
.Lfunc_end2:
_tile_overlayer_lowered:
.L_overlay_start_2:
0x29c: {  	(tag) =	ssettag $0x2  }
0x29d: {  	s0 =	rddreg [dreg:$0x0];
	s2 =	stileid.u32  }
0x29e: {  	s1 =	rddreg [dreg:$0x1];
	p0 =	sne.s32 s2, $0x0  }
0x29f: {  	s3 =	rddreg [dreg:$0x2];
	[bflag:$0x3] =	sbarrier.arrive $0xFFFF;
	s2 =	simm.s32 @!p0 $0x1C05  }
0x2a0: {  	[timem:s3], [sflag:s2] =	dma.local @!p0 [hbm:s0], s1  }
0x2a1: {  	s0 =	simm.s32 @!p0 $0x5  }
0x2a2: {  	_ =	swait.ge @!p0 [sflag:s0], s1  }
0x2a3: {  	s1 =	ssub.s32 @!p0 $0x0, s1;
	[sflag:s0] =	ssyncset.done @!p0 $0x0  }
0x2a4: {  	[sflag:s0] =	ssyncadd.s32 @!p0 s1  }
0x2a5: {  	[bflag:$0x3] =	sbarrier.arrive $0xFFFF  }
0x2a6: {  	_ =	shalt  }

</sc_bundles>
